<compile_context>
chip_gen: v7x
topology: tpu7x:2x2x1
jax: 0.10.2.dev20260603
libtpu: 0.0.44.dev20260713+nightly
codegen_flags: <defaults>
</compile_context>

<pallas_src>
import functools

import jax
import jax.numpy as jnp
from jax import lax
from jax.experimental import pallas as pl
from jax.experimental.pallas import tpu as pltpu
from jax.experimental.pallas import tpu_sc as plsc

N_NODES = 10000
N_GRAPHS = 64
ROW_BLK = 1000
CH = 128

NSUB = 16
CHUNK = 128
CHUNKS_PER_SUB = 160
E_PAD = NSUB * CHUNKS_PER_SUB * CHUNK
NCHUNK_ROWS = E_PAD // CHUNK
HALF_R = 5120
ACC_R = 5248
JUNK = HALF_R
NR_OUT = 2 * HALF_R
ZERO_PER_SUB = HALF_R // NSUB
DEG_R = 10112
DEG_PER_SUB = DEG_R // NSUB

@functools.lru_cache(maxsize=None)
def _sc_mesh():
    return plsc.VectorSubcoreMesh(core_axis_name="c", subcore_axis_name="s")



def _deg_body(dst0, dst1, ones, zeros, out_l, out_r, idx_d0, idx_d1, ones_v,
              acc):
    cid = lax.axis_index("c")
    sid = lax.axis_index("s")
    half = CHUNKS_PER_SUB // 2
    base = cid * (NCHUNK_ROWS // 2) + sid * half
    pltpu.sync_copy(dst0.at[pl.ds(base, half)], idx_d0)
    pltpu.sync_copy(dst1.at[pl.ds(base, half)], idx_d1)
    pltpu.sync_copy(ones, ones_v)

    for p, idx_d in ((0, idx_d0), (1, idx_d1)):
        pltpu.sync_copy(zeros.at[pl.ds(sid * ZERO_PER_SUB, ZERO_PER_SUB)],
                        acc.at[pl.ds(sid * ZERO_PER_SUB, ZERO_PER_SUB)])
        plsc.subcore_barrier()

        def step(j, carry):
            pltpu.sync_copy(ones_v, acc.at[idx_d.at[j]], add=True)
            return carry

        lax.fori_loop(0, half, step, 0)
        plsc.subcore_barrier()

        obase = p * HALF_R + sid * ZERO_PER_SUB

        @pl.when(cid == 0)
        def _():
            pltpu.sync_copy(acc.at[pl.ds(sid * ZERO_PER_SUB, ZERO_PER_SUB)],
                            out_l.at[pl.ds(obase, ZERO_PER_SUB)])

        @pl.when(cid == 1)
        def _():
            pltpu.sync_copy(acc.at[pl.ds(sid * ZERO_PER_SUB, ZERO_PER_SUB)],
                            out_r.at[pl.ds(obase, ZERO_PER_SUB)])
        plsc.subcore_barrier()


def _sc_degrees(dst0, dst1):
    deg_kernel = pl.kernel(
        _deg_body,
        out_type=[
            jax.ShapeDtypeStruct((NR_OUT, CH), jnp.float32),
            jax.ShapeDtypeStruct((NR_OUT, CH), jnp.float32),
        ],
        mesh=_sc_mesh(),
        scratch_types=[
            pltpu.VMEM((CHUNKS_PER_SUB // 2, CHUNK), jnp.int32),
            pltpu.VMEM((CHUNKS_PER_SUB // 2, CHUNK), jnp.int32),
            pltpu.VMEM((CHUNK, CH), jnp.float32),
            pltpu.VMEM_SHARED((ACC_R, CH), jnp.float32),
        ],
    )
    ones = jnp.ones((CHUNK, CH), jnp.float32)
    zeros = jnp.zeros((HALF_R, CH), jnp.float32)
    return deg_kernel(dst0, dst1, ones, zeros)


NBUF = 2


def _agg_body(table, srcl, srcr, dst0, dst1, zeros, out_l, out_r,
              idx_s, idx_d, b0, b1, acc, g0, g1, s0, s1):
    cid = lax.axis_index("c")
    sid = lax.axis_index("s")
    base = sid * CHUNKS_PER_SUB
    bufs = (b0, b1)
    gsem = (g0, g1)
    ssem = (s0, s1)
    ngroups = CHUNKS_PER_SUB // NBUF

    @pl.when(cid == 0)
    def _():
        pltpu.sync_copy(srcl.at[pl.ds(base, CHUNKS_PER_SUB)], idx_s)

    @pl.when(cid == 1)
    def _():
        pltpu.sync_copy(srcr.at[pl.ds(base, CHUNKS_PER_SUB)], idx_s)

    for p, dstp in ((0, dst0), (1, dst1)):
        pltpu.sync_copy(dstp.at[pl.ds(base, CHUNKS_PER_SUB)], idx_d)
        pltpu.sync_copy(zeros.at[pl.ds(sid * ZERO_PER_SUB, ZERO_PER_SUB)],
                        acc.at[pl.ds(sid * ZERO_PER_SUB, ZERO_PER_SUB)])
        plsc.subcore_barrier()

        for b in range(NBUF):
            pltpu.async_copy(table.at[idx_s.at[b]], bufs[b], gsem[b])

        def group(g, carry):
            jb = g * NBUF
            for b in range(NBUF):
                j = jb + b
                pltpu.make_async_copy(table.at[idx_s.at[j]], bufs[b],
                                      gsem[b]).wait()
                pltpu.async_copy(bufs[b], acc.at[idx_d.at[j]], ssem[b],
                                 add=True)
                pltpu.make_async_copy(bufs[b], acc.at[idx_d.at[j]],
                                      ssem[b]).wait()
                pltpu.async_copy(table.at[idx_s.at[j + NBUF]], bufs[b],
                                 gsem[b])
            return carry

        lax.fori_loop(0, ngroups - 1, group, 0)

        for b in range(NBUF):
            j = CHUNKS_PER_SUB - NBUF + b
            pltpu.make_async_copy(table.at[idx_s.at[j]], bufs[b],
                                  gsem[b]).wait()
            pltpu.sync_copy(bufs[b], acc.at[idx_d.at[j]], add=True)

        plsc.subcore_barrier()
        obase = p * HALF_R + sid * ZERO_PER_SUB

        @pl.when(cid == 0)
        def _():
            pltpu.sync_copy(acc.at[pl.ds(sid * ZERO_PER_SUB, ZERO_PER_SUB)],
                            out_l.at[pl.ds(obase, ZERO_PER_SUB)])

        @pl.when(cid == 1)
        def _():
            pltpu.sync_copy(acc.at[pl.ds(sid * ZERO_PER_SUB, ZERO_PER_SUB)],
                            out_r.at[pl.ds(obase, ZERO_PER_SUB)])
        plsc.subcore_barrier()


@functools.lru_cache(maxsize=None)
def _make_agg_kernel():
    return pl.kernel(
        _agg_body,
        out_type=[
            jax.ShapeDtypeStruct((NR_OUT, CH), jnp.float32),
            jax.ShapeDtypeStruct((NR_OUT, CH), jnp.float32),
        ],
        mesh=_sc_mesh(),
        scratch_types=[
            pltpu.VMEM((CHUNKS_PER_SUB, CHUNK), jnp.int32),
            pltpu.VMEM((CHUNKS_PER_SUB, CHUNK), jnp.int32),
            pltpu.VMEM((CHUNK, CH), jnp.float32),
            pltpu.VMEM((CHUNK, CH), jnp.float32),
            pltpu.VMEM_SHARED((ACC_R, CH), jnp.float32),
            pltpu.SemaphoreType.DMA,
            pltpu.SemaphoreType.DMA,
            pltpu.SemaphoreType.DMA,
            pltpu.SemaphoreType.DMA,
        ],
    )


def _sc_aggregate(rows_mat, srcl, srcr, dst0, dst1):
    table = jnp.concatenate(
        [rows_mat, jnp.zeros((1, 2 * CH), jnp.float32)]).reshape(-1, CH)
    zeros = jnp.zeros((HALF_R, CH), jnp.float32)
    return _make_agg_kernel()(table, srcl, srcr, dst0, dst1, zeros)



def _pre_body(d0_ref, d1_ref, corr_ref, x_ref, w_ref, dinv_ref, p_ref):
    deg = d0_ref[...] + d1_ref[...] + 1.0 - corr_ref[...]
    dinv = lax.rsqrt(deg)
    dinv_ref[...] = dinv
    p_ref[...] = jnp.dot(dinv * x_ref[...], w_ref[...],
                         preferred_element_type=jnp.float32)


def _mid_body(aggl_ref, aggr_ref, p_ref, dinv_ref, b_ref, w_ref, p2_ref):
    agg = jnp.concatenate([aggl_ref[...], aggr_ref[...]], axis=1)
    h = dinv_ref[...] * (agg + p_ref[...]) + b_ref[...]
    hs = dinv_ref[...] * jnp.maximum(h, 0.0)
    p2_ref[...] = jnp.dot(hs, w_ref[...], preferred_element_type=jnp.float32)


def _fin_body(aggl_ref, aggr_ref, p_ref, dinv_ref, b_ref, wfc_ref, z_ref):
    agg = jnp.concatenate([aggl_ref[...], aggr_ref[...]], axis=1)
    h = dinv_ref[...] * (agg + p_ref[...]) + b_ref[...]
    h = jnp.maximum(h, 0.0)
    z_ref[...] = jnp.dot(h, wfc_ref[...], preferred_element_type=jnp.float32)


def _pool_body(z_ref, bt_ref, bfc_ref, o_ref):
    z = z_ref[...]
    bt = bt_ref[...]
    gids = lax.broadcasted_iota(jnp.int32, (N_GRAPHS, z.shape[0], z.shape[1]), 0)
    m = bt[None, :, :] == gids
    s1 = jnp.sum(jnp.where(m, z[None, :, :], 0.0), axis=1)
    sums = jnp.sum(s1, axis=1, keepdims=True)
    c1 = jnp.sum(jnp.where(m, 1.0, 0.0), axis=1)
    cnts = jnp.sum(c1, axis=1, keepdims=True)
    o_ref[...] = sums / jnp.maximum(cnts, 1.0) + bfc_ref[...]


def _row_spec(width):
    return pl.BlockSpec((ROW_BLK, width), lambda i: (i, 0))


def _full_spec(shape):
    return pl.BlockSpec(shape, lambda i: tuple(0 for _ in shape))


def _tc_pre(d0, d1, corr, x, W1):
    f_in, f_out = W1.shape
    return pl.pallas_call(
        _pre_body,
        grid=(N_NODES // ROW_BLK,),
        in_specs=[_row_spec(1), _row_spec(1), _row_spec(1), _row_spec(f_in),
                  _full_spec((f_in, f_out))],
        out_specs=[_row_spec(1), _row_spec(f_out)],
        out_shape=[
            jax.ShapeDtypeStruct((N_NODES, 1), jnp.float32),
            jax.ShapeDtypeStruct((N_NODES, f_out), jnp.float32),
        ],
    )(d0, d1, corr, x, W1)


def _tc_mid(aggl, aggr, p, dinv, b1, W2):
    f_in, f_out = W2.shape
    return pl.pallas_call(
        _mid_body,
        grid=(N_NODES // ROW_BLK,),
        in_specs=[
            _row_spec(CH), _row_spec(CH), _row_spec(f_in), _row_spec(1),
            _full_spec((1, f_in)), _full_spec((f_in, f_out)),
        ],
        out_specs=_row_spec(f_out),
        out_shape=jax.ShapeDtypeStruct((N_NODES, f_out), jnp.float32),
    )(aggl, aggr, p, dinv, b1.reshape(1, f_in), W2)


def _tc_fin(aggl, aggr, p, dinv, b2, Wfc):
    f_in = Wfc.shape[0]
    return pl.pallas_call(
        _fin_body,
        grid=(N_NODES // ROW_BLK,),
        in_specs=[
            _row_spec(CH), _row_spec(CH), _row_spec(f_in), _row_spec(1),
            _full_spec((1, f_in)), _full_spec((f_in, 1)),
        ],
        out_specs=_row_spec(1),
        out_shape=jax.ShapeDtypeStruct((N_NODES, 1), jnp.float32),
    )(aggl, aggr, p, dinv, b2.reshape(1, f_in), Wfc)


def _tc_pool(z, batch_i32, bfc):
    zp = jnp.concatenate([z[:, 0], jnp.zeros((240,), jnp.float32)]).reshape(80, 128)
    bp = jnp.concatenate(
        [batch_i32, jnp.full((240,), 1 << 20, jnp.int32)]).reshape(80, 128)
    return pl.pallas_call(
        _pool_body,
        in_specs=[
            pl.BlockSpec((80, 128), lambda: (0, 0)),
            pl.BlockSpec((80, 128), lambda: (0, 0)),
            pl.BlockSpec((1, 1), lambda: (0, 0)),
        ],
        out_specs=pl.BlockSpec((N_GRAPHS, 1), lambda: (0, 0)),
        out_shape=jax.ShapeDtypeStruct((N_GRAPHS, 1), jnp.float32),
    )(zp, bp, bfc.reshape(1, 1))



def kernel(x, edge_index, batch, W1, b1, W2, b2, Wfc, bfc):
    src = edge_index[0].astype(jnp.int32)
    dst = edge_index[1].astype(jnp.int32)
    batch_i32 = batch.astype(jnp.int32)

    n_pad = E_PAD - src.shape[0]
    src_pad = jnp.concatenate([src, jnp.full((n_pad,), N_NODES, jnp.int32)])
    dst_pad = jnp.concatenate([dst, jnp.zeros((n_pad,), jnp.int32)])
    srcl = (2 * src_pad).reshape(NCHUNK_ROWS, CHUNK)
    srcr = (2 * src_pad + 1).reshape(NCHUNK_ROWS, CHUNK)
    dstc = dst_pad.reshape(NCHUNK_ROWS, CHUNK)
    dst0 = jnp.where(dst_pad < HALF_R, dst_pad, JUNK).reshape(NCHUNK_ROWS, CHUNK)
    dst1 = jnp.where(dst_pad >= HALF_R, dst_pad - HALF_R,
                     JUNK).reshape(NCHUNK_ROWS, CHUNK)

    d0, d1 = _sc_degrees(dst0, dst1)
    corr = jnp.zeros((N_NODES, 1), jnp.float32).at[0, 0].set(float(n_pad))
    dinv, p1 = _tc_pre(d0[:N_NODES, :1], d1[:N_NODES, :1], corr, x, W1)

    a1l, a1r = _sc_aggregate(p1, srcl, srcr, dst0, dst1)
    p2 = _tc_mid(a1l[:N_NODES], a1r[:N_NODES], p1, dinv, b1, W2)

    a2l, a2r = _sc_aggregate(p2, srcl, srcr, dst0, dst1)
    z = _tc_fin(a2l[:N_NODES], a2r[:N_NODES], p2, dinv, b2, Wfc)

    return _tc_pool(z, batch_i32, bfc)

# --- scband reference (transcript-rebuilt; emitter-appended) ---
"""Pipeline reference for scband-graph-regressor-basic-56298431316163 (READ-ONLY COPY).

The authoritative reference and input builder live on the scoring server;
editing this copy changes nothing except your own understanding.
"""

import jax, jax.numpy as jnp
import numpy as np

NUM_NODES = 10000
NUM_EDGES = 320000
NUM_GRAPHS = 64
IN_F = 128
H1 = 256
H2 = 256
OUT_F = 1


def setup_inputs(seed: int = 0) -> dict:
    key = jax.random.key(seed)
    ks = jax.random.split(key, 10)
    x = jax.random.normal(ks[0], (NUM_NODES, IN_F), dtype=jnp.float32)
    edge_index = jax.random.randint(ks[1], (2, NUM_EDGES), 0, NUM_NODES, dtype=jnp.int64)
    batch = jnp.sort(jax.random.randint(ks[2], (NUM_NODES,), 0, NUM_GRAPHS, dtype=jnp.int64))
    W1 = jax.random.normal(ks[3], (IN_F, H1), dtype=jnp.float32) * (1.0 / np.sqrt(IN_F))
    b1 = jnp.zeros((H1,), dtype=jnp.float32)
    W2 = jax.random.normal(ks[4], (H1, H2), dtype=jnp.float32) * (1.0 / np.sqrt(H1))
    b2 = jnp.zeros((H2,), dtype=jnp.float32)
    Wfc = jax.random.normal(ks[5], (H2, OUT_F), dtype=jnp.float32) * (1.0 / np.sqrt(H2))
    bfc = jnp.zeros((OUT_F,), dtype=jnp.float32)
    return {"x": x, "edge_index": edge_index, "batch": batch,
            "W1": W1, "b1": b1, "W2": W2, "b2": b2, "Wfc": Wfc, "bfc": bfc}


def _gcn_conv(x, src, dst, W, b, num_nodes):
    # PyG GCNConv: add self loops, symmetric normalization, linear transform, scatter-add aggregate
    loop = jnp.arange(num_nodes, dtype=src.dtype)
    s = jnp.concatenate([src, loop])
    d = jnp.concatenate([dst, loop])
    deg = jnp.zeros((num_nodes,), dtype=x.dtype).at[d].add(1.0)
    dinv = jnp.where(deg > 0, 1.0 / jnp.sqrt(deg), 0.0)
    norm = dinv[s] * dinv[d]
    h = x @ W
    msgs = h[s] * norm[:, None]
    out = jnp.zeros((num_nodes, W.shape[1]), dtype=x.dtype).at[d].add(msgs)
    return out + b


def _global_mean_pool(x, batch, num_graphs):
    sums = jax.ops.segment_sum(x, batch, num_segments=num_graphs)
    counts = jax.ops.segment_sum(jnp.ones((x.shape[0],), dtype=x.dtype), batch, num_segments=num_graphs)
    counts = jnp.maximum(counts, 1.0)
    return sums / counts[:, None]


def reference(x, edge_index, batch, W1, b1, W2, b2, Wfc, bfc):
    src, dst = edge_index[0], edge_index[1]
    h = _gcn_conv(x, src, dst, W1, b1, NUM_NODES)
    h = jax.nn.relu(h)
    h = _gcn_conv(h, src, dst, W2, b2, NUM_NODES)
    h = jax.nn.relu(h)
    g = _global_mean_pool(h, batch, NUM_GRAPHS)
    return g @ Wfc + bfc

if __name__ == "__main__":
    import jax
    _d = setup_inputs()
    print(jax.jit(kernel)(*tuple(_d.values())))

</pallas_src>

<mosaic_0001>
#map = affine_map<(d0, d1) -> (0, 0)>
module attributes {stable_mosaic.version = 14 : i64} {
  func.func @_agg_body(%arg0: i32, %arg1: i32, %arg2: memref<20002x128xf32, #tpu.memory_space<hbm>>, %arg3: memref<2560x128xi32, #tpu.memory_space<hbm>>, %arg4: memref<2560x128xi32, #tpu.memory_space<hbm>>, %arg5: memref<2560x128xi32, #tpu.memory_space<hbm>>, %arg6: memref<2560x128xi32, #tpu.memory_space<hbm>>, %arg7: memref<5120x128xf32, #tpu.memory_space<hbm>>, %arg8: memref<10240x128xf32, #tpu.memory_space<hbm>>, %arg9: memref<10240x128xf32, #tpu.memory_space<hbm>>, %arg10: memref<160x128xi32, #tpu.memory_space<vmem>>, %arg11: memref<160x128xi32, #tpu.memory_space<vmem>>, %arg12: memref<128x128xf32, #tpu.memory_space<vmem>>, %arg13: memref<128x128xf32, #tpu.memory_space<vmem>>, %arg14: memref<5248x128xf32, #tpu.memory_space<vmem_shared>>, %arg15: memref<!tpu.dma_semaphore, #tpu.memory_space<semaphore_mem>>, %arg16: memref<!tpu.dma_semaphore, #tpu.memory_space<semaphore_mem>>, %arg17: memref<!tpu.dma_semaphore, #tpu.memory_space<semaphore_mem>>, %arg18: memref<!tpu.dma_semaphore, #tpu.memory_space<semaphore_mem>>) attributes {dimension_semantics = [#tpu.dimension_semantics<core_parallel>, #tpu.dimension_semantics<subcore_parallel>], iteration_bounds = array<i64: 2, 16>, scalar_prefetch = 0 : i64, scratch_operands = 9 : i64, tpu.core_type = #tpu.core_type<sc_vector_subcore>, window_params = [{transform_indices = #map}, {transform_indices = #map}, {transform_indices = #map}, {transform_indices = #map}, {transform_indices = #map}, {transform_indices = #map}, {transform_indices = #map}, {transform_indices = #map}]} {
    %mul3A = arith.constant 160 : i32
    %mul3A_0 = arith.muli %arg1, %mul3A : i32
    %eq3A = arith.constant 0 : i32
    %eq3A_1 = arith.cmpi eq, %arg0, %eq3A : i32
    %convert_element_type3A = arith.extui %eq3A_1 : i1 to i32
    %cond3A = arith.constant 0 : i32
    %cond3A_2 = arith.cmpi ne, %convert_element_type3A, %cond3A : i32
    scf.if %cond3A_2 {
      "tpu.region"() ({
        %run_scoped3A_116 = tpu.sem_alloc : memref<!tpu.dma_semaphore, #tpu.memory_space<semaphore_mem>>
        %dma_start3A_117 = arith.constant 0 : i32
        %dma_start3A_118 = tpu.memref_slice %arg3[%mul3A_0, %dma_start3A_117] : memref<2560x128xi32, #tpu.memory_space<hbm>> -> memref<160x128xi32, #tpu.memory_space<hbm>>
        %dma_start3A_119 = arith.constant 0 : i32
        %dma_start3A_120 = tpu.memref_slice %arg3[%mul3A_0, %dma_start3A_119] : memref<2560x128xi32, #tpu.memory_space<hbm>> -> memref<160x128xi32, #tpu.memory_space<hbm>>
        tpu.enqueue_dma source(%dma_start3A_120 : memref<160x128xi32, #tpu.memory_space<hbm>>) target(%arg10 : memref<160x128xi32, #tpu.memory_space<vmem>>) target_semaphore(%run_scoped3A_116 : memref<!tpu.dma_semaphore, #tpu.memory_space<semaphore_mem>>)
        %dma_wait3A_121 = arith.constant 0 : i32
        %dma_wait3A_122 = tpu.memref_slice %arg3[%mul3A_0, %dma_wait3A_121] : memref<2560x128xi32, #tpu.memory_space<hbm>> -> memref<160x128xi32, #tpu.memory_space<hbm>>
        %dma_wait3A_123 = arith.constant 0 : i32
        %dma_wait3A_124 = tpu.memref_slice %arg3[%mul3A_0, %dma_wait3A_123] : memref<2560x128xi32, #tpu.memory_space<hbm>> -> memref<160x128xi32, #tpu.memory_space<hbm>>
        tpu.wait_dma2 semaphore(%run_scoped3A_116 : memref<!tpu.dma_semaphore, #tpu.memory_space<semaphore_mem>>) src(%dma_wait3A_124 : memref<160x128xi32, #tpu.memory_space<hbm>>) dst(%arg10 : memref<160x128xi32, #tpu.memory_space<vmem>>)
        tpu.yield
      }) : () -> ()
    } else {
    }
    %eq3A_3 = arith.constant 1 : i32
    %eq3A_4 = arith.cmpi eq, %arg0, %eq3A_3 : i32
    %convert_element_type3A_5 = arith.extui %eq3A_4 : i1 to i32
    %cond3A_6 = arith.constant 0 : i32
    %cond3A_7 = arith.cmpi ne, %convert_element_type3A_5, %cond3A_6 : i32
    scf.if %cond3A_7 {
      "tpu.region"() ({
        %run_scoped3A_116 = tpu.sem_alloc : memref<!tpu.dma_semaphore, #tpu.memory_space<semaphore_mem>>
        %dma_start3A_117 = arith.constant 0 : i32
        %dma_start3A_118 = tpu.memref_slice %arg4[%mul3A_0, %dma_start3A_117] : memref<2560x128xi32, #tpu.memory_space<hbm>> -> memref<160x128xi32, #tpu.memory_space<hbm>>
        %dma_start3A_119 = arith.constant 0 : i32
        %dma_start3A_120 = tpu.memref_slice %arg4[%mul3A_0, %dma_start3A_119] : memref<2560x128xi32, #tpu.memory_space<hbm>> -> memref<160x128xi32, #tpu.memory_space<hbm>>
        tpu.enqueue_dma source(%dma_start3A_120 : memref<160x128xi32, #tpu.memory_space<hbm>>) target(%arg10 : memref<160x128xi32, #tpu.memory_space<vmem>>) target_semaphore(%run_scoped3A_116 : memref<!tpu.dma_semaphore, #tpu.memory_space<semaphore_mem>>)
        %dma_wait3A_121 = arith.constant 0 : i32
        %dma_wait3A_122 = tpu.memref_slice %arg4[%mul3A_0, %dma_wait3A_121] : memref<2560x128xi32, #tpu.memory_space<hbm>> -> memref<160x128xi32, #tpu.memory_space<hbm>>
        %dma_wait3A_123 = arith.constant 0 : i32
        %dma_wait3A_124 = tpu.memref_slice %arg4[%mul3A_0, %dma_wait3A_123] : memref<2560x128xi32, #tpu.memory_space<hbm>> -> memref<160x128xi32, #tpu.memory_space<hbm>>
        tpu.wait_dma2 semaphore(%run_scoped3A_116 : memref<!tpu.dma_semaphore, #tpu.memory_space<semaphore_mem>>) src(%dma_wait3A_124 : memref<160x128xi32, #tpu.memory_space<hbm>>) dst(%arg10 : memref<160x128xi32, #tpu.memory_space<vmem>>)
        tpu.yield
      }) : () -> ()
    } else {
    }
    "tpu.region"() ({
      %run_scoped3A_116 = tpu.sem_alloc : memref<!tpu.dma_semaphore, #tpu.memory_space<semaphore_mem>>
      %dma_start3A_117 = arith.constant 0 : i32
      %dma_start3A_118 = tpu.memref_slice %arg5[%mul3A_0, %dma_start3A_117] : memref<2560x128xi32, #tpu.memory_space<hbm>> -> memref<160x128xi32, #tpu.memory_space<hbm>>
      %dma_start3A_119 = arith.constant 0 : i32
      %dma_start3A_120 = tpu.memref_slice %arg5[%mul3A_0, %dma_start3A_119] : memref<2560x128xi32, #tpu.memory_space<hbm>> -> memref<160x128xi32, #tpu.memory_space<hbm>>
      tpu.enqueue_dma source(%dma_start3A_120 : memref<160x128xi32, #tpu.memory_space<hbm>>) target(%arg11 : memref<160x128xi32, #tpu.memory_space<vmem>>) target_semaphore(%run_scoped3A_116 : memref<!tpu.dma_semaphore, #tpu.memory_space<semaphore_mem>>)
      %dma_wait3A_121 = arith.constant 0 : i32
      %dma_wait3A_122 = tpu.memref_slice %arg5[%mul3A_0, %dma_wait3A_121] : memref<2560x128xi32, #tpu.memory_space<hbm>> -> memref<160x128xi32, #tpu.memory_space<hbm>>
      %dma_wait3A_123 = arith.constant 0 : i32
      %dma_wait3A_124 = tpu.memref_slice %arg5[%mul3A_0, %dma_wait3A_123] : memref<2560x128xi32, #tpu.memory_space<hbm>> -> memref<160x128xi32, #tpu.memory_space<hbm>>
      tpu.wait_dma2 semaphore(%run_scoped3A_116 : memref<!tpu.dma_semaphore, #tpu.memory_space<semaphore_mem>>) src(%dma_wait3A_124 : memref<160x128xi32, #tpu.memory_space<hbm>>) dst(%arg11 : memref<160x128xi32, #tpu.memory_space<vmem>>)
      tpu.yield
    }) : () -> ()
    %mul3A_8 = arith.constant 320 : i32
    %mul3A_9 = arith.muli %arg1, %mul3A_8 : i32
    %mul3A_10 = arith.constant 320 : i32
    %mul3A_11 = arith.muli %arg1, %mul3A_10 : i32
    "tpu.region"() ({
      %run_scoped3A_116 = tpu.sem_alloc : memref<!tpu.dma_semaphore, #tpu.memory_space<semaphore_mem>>
      %dma_start3A_117 = arith.constant 0 : i32
      %dma_start3A_118 = tpu.memref_slice %arg14[%mul3A_11, %dma_start3A_117] : memref<5248x128xf32, #tpu.memory_space<vmem_shared>> -> memref<320x128xf32, #tpu.memory_space<vmem_shared>>
      %dma_start3A_119 = arith.constant 0 : i32
      %dma_start3A_120 = tpu.memref_slice %arg7[%mul3A_9, %dma_start3A_119] : memref<5120x128xf32, #tpu.memory_space<hbm>> -> memref<320x128xf32, #tpu.memory_space<hbm>>
      tpu.enqueue_dma source(%dma_start3A_120 : memref<320x128xf32, #tpu.memory_space<hbm>>) target(%dma_start3A_118 : memref<320x128xf32, #tpu.memory_space<vmem_shared>>) target_semaphore(%run_scoped3A_116 : memref<!tpu.dma_semaphore, #tpu.memory_space<semaphore_mem>>)
      %dma_wait3A_121 = arith.constant 0 : i32
      %dma_wait3A_122 = tpu.memref_slice %arg14[%mul3A_11, %dma_wait3A_121] : memref<5248x128xf32, #tpu.memory_space<vmem_shared>> -> memref<320x128xf32, #tpu.memory_space<vmem_shared>>
      %dma_wait3A_123 = arith.constant 0 : i32
      %dma_wait3A_124 = tpu.memref_slice %arg7[%mul3A_9, %dma_wait3A_123] : memref<5120x128xf32, #tpu.memory_space<hbm>> -> memref<320x128xf32, #tpu.memory_space<hbm>>
      tpu.wait_dma2 semaphore(%run_scoped3A_116 : memref<!tpu.dma_semaphore, #tpu.memory_space<semaphore_mem>>) src(%dma_wait3A_124 : memref<320x128xf32, #tpu.memory_space<hbm>>) dst(%dma_wait3A_122 : memref<320x128xf32, #tpu.memory_space<vmem_shared>>)
      tpu.yield
    }) : () -> ()
    %barrier3A = arith.constant 0 : index
    tpu.barrier barrier_id(%barrier3A)
    %dma_start3A = arith.constant 0 : i32
    %dma_start3A_12 = arith.constant 0 : i32
    %dma_start3A_13 = tpu.memref_slice %arg10[%dma_start3A, %dma_start3A_12] : memref<160x128xi32, #tpu.memory_space<vmem>> -> memref<1x128xi32, #tpu.memory_space<vmem>>
    %dma_start3A_14 = tpu.memref_squeeze %dma_start3A_13 : memref<1x128xi32, #tpu.memory_space<vmem>> -> memref<128xi32, #tpu.memory_space<vmem>>
    %dma_start3A_15 = arith.constant 0 : i32
    %dma_start3A_16 = arith.constant 0 : i32
    %dma_start3A_17 = tpu.memref_slice %arg2[%dma_start3A_15, %dma_start3A_16] : memref<20002x128xf32, #tpu.memory_space<hbm>> -> memref<20002x128xf32, #tpu.memory_space<hbm>>
    tpu.enqueue_indirect_dma source(%dma_start3A_17 : memref<20002x128xf32, #tpu.memory_space<hbm>>) target(%arg12 : memref<128x128xf32, #tpu.memory_space<vmem>>) offsets(%dma_start3A_14 : memref<128xi32, #tpu.memory_space<vmem>>) semaphore(%arg15 : memref<!tpu.dma_semaphore, #tpu.memory_space<semaphore_mem>>)
    %dma_start3A_18 = arith.constant 1 : i32
    %dma_start3A_19 = arith.constant 0 : i32
    %dma_start3A_20 = tpu.memref_slice %arg10[%dma_start3A_18, %dma_start3A_19] : memref<160x128xi32, #tpu.memory_space<vmem>> -> memref<1x128xi32, #tpu.memory_space<vmem>>
    %dma_start3A_21 = tpu.memref_squeeze %dma_start3A_20 : memref<1x128xi32, #tpu.memory_space<vmem>> -> memref<128xi32, #tpu.memory_space<vmem>>
    %dma_start3A_22 = arith.constant 0 : i32
    %dma_start3A_23 = arith.constant 0 : i32
    %dma_start3A_24 = tpu.memref_slice %arg2[%dma_start3A_22, %dma_start3A_23] : memref<20002x128xf32, #tpu.memory_space<hbm>> -> memref<20002x128xf32, #tpu.memory_space<hbm>>
    tpu.enqueue_indirect_dma source(%dma_start3A_24 : memref<20002x128xf32, #tpu.memory_space<hbm>>) target(%arg13 : memref<128x128xf32, #tpu.memory_space<vmem>>) offsets(%dma_start3A_21 : memref<128xi32, #tpu.memory_space<vmem>>) semaphore(%arg16 : memref<!tpu.dma_semaphore, #tpu.memory_space<semaphore_mem>>)
    %scan3A = arith.constant 0 : i32
    %scan3A_25 = arith.constant 0 : i32
    %scan3A_26 = arith.constant 79 : i32
    %scan3A_27 = arith.addi %scan3A_25, %scan3A_26 : i32
    %scan3A_28 = arith.constant 1 : i32
    scf.for %scan3A_116 = %scan3A_25 to %scan3A_27 step %scan3A_28  : i32 {
      %mul3A_117 = arith.constant 2 : i32
      %mul3A_118 = arith.muli %scan3A_116, %mul3A_117 : i32
      %add3A_119 = arith.constant 0 : i32
      %add3A_120 = arith.addi %mul3A_118, %add3A_119 : i32
      %dma_wait3A_121 = arith.constant 0 : i32
      %dma_wait3A_122 = tpu.memref_slice %arg10[%add3A_120, %dma_wait3A_121] : memref<160x128xi32, #tpu.memory_space<vmem>> -> memref<1x128xi32, #tpu.memory_space<vmem>>
      %dma_wait3A_123 = tpu.memref_squeeze %dma_wait3A_122 : memref<1x128xi32, #tpu.memory_space<vmem>> -> memref<128xi32, #tpu.memory_space<vmem>>
      %dma_wait3A_124 = arith.constant 0 : i32
      %dma_wait3A_125 = arith.constant 0 : i32
      %dma_wait3A_126 = tpu.memref_slice %arg2[%dma_wait3A_124, %dma_wait3A_125] : memref<20002x128xf32, #tpu.memory_space<hbm>> -> memref<20002x128xf32, #tpu.memory_space<hbm>>
      tpu.wait_indirect_dma semaphore(%arg15 : memref<!tpu.dma_semaphore, #tpu.memory_space<semaphore_mem>>) src(%dma_wait3A_126 : memref<20002x128xf32, #tpu.memory_space<hbm>>) dst(%arg12 : memref<128x128xf32, #tpu.memory_space<vmem>>)
      %dma_start3A_127 = arith.constant 0 : i32
      %dma_start3A_128 = tpu.memref_slice %arg11[%add3A_120, %dma_start3A_127] : memref<160x128xi32, #tpu.memory_space<vmem>> -> memref<1x128xi32, #tpu.memory_space<vmem>>
      %dma_start3A_129 = tpu.memref_squeeze %dma_start3A_128 : memref<1x128xi32, #tpu.memory_space<vmem>> -> memref<128xi32, #tpu.memory_space<vmem>>
      %dma_start3A_130 = arith.constant 0 : i32
      %dma_start3A_131 = arith.constant 0 : i32
      %dma_start3A_132 = tpu.memref_slice %arg14[%dma_start3A_130, %dma_start3A_131] : memref<5248x128xf32, #tpu.memory_space<vmem_shared>> -> memref<5248x128xf32, #tpu.memory_space<vmem_shared>>
      tpu.enqueue_indirect_dma source(%arg12 : memref<128x128xf32, #tpu.memory_space<vmem>>) target(%dma_start3A_132 : memref<5248x128xf32, #tpu.memory_space<vmem_shared>>) offsets(%dma_start3A_129 : memref<128xi32, #tpu.memory_space<vmem>>) semaphore(%arg17 : memref<!tpu.dma_semaphore, #tpu.memory_space<semaphore_mem>>) {add = true}
      %dma_wait3A_133 = arith.constant 0 : i32
      %dma_wait3A_134 = tpu.memref_slice %arg11[%add3A_120, %dma_wait3A_133] : memref<160x128xi32, #tpu.memory_space<vmem>> -> memref<1x128xi32, #tpu.memory_space<vmem>>
      %dma_wait3A_135 = tpu.memref_squeeze %dma_wait3A_134 : memref<1x128xi32, #tpu.memory_space<vmem>> -> memref<128xi32, #tpu.memory_space<vmem>>
      %dma_wait3A_136 = arith.constant 0 : i32
      %dma_wait3A_137 = arith.constant 0 : i32
      %dma_wait3A_138 = tpu.memref_slice %arg14[%dma_wait3A_136, %dma_wait3A_137] : memref<5248x128xf32, #tpu.memory_space<vmem_shared>> -> memref<5248x128xf32, #tpu.memory_space<vmem_shared>>
      tpu.wait_indirect_dma semaphore(%arg17 : memref<!tpu.dma_semaphore, #tpu.memory_space<semaphore_mem>>) src(%arg12 : memref<128x128xf32, #tpu.memory_space<vmem>>) dst(%dma_wait3A_138 : memref<5248x128xf32, #tpu.memory_space<vmem_shared>>)
      %add3A_139 = arith.constant 2 : i32
      %add3A_140 = arith.addi %add3A_120, %add3A_139 : i32
      %dma_start3A_141 = arith.constant 0 : i32
      %dma_start3A_142 = tpu.memref_slice %arg10[%add3A_140, %dma_start3A_141] : memref<160x128xi32, #tpu.memory_space<vmem>> -> memref<1x128xi32, #tpu.memory_space<vmem>>
      %dma_start3A_143 = tpu.memref_squeeze %dma_start3A_142 : memref<1x128xi32, #tpu.memory_space<vmem>> -> memref<128xi32, #tpu.memory_space<vmem>>
      %dma_start3A_144 = arith.constant 0 : i32
      %dma_start3A_145 = arith.constant 0 : i32
      %dma_start3A_146 = tpu.memref_slice %arg2[%dma_start3A_144, %dma_start3A_145] : memref<20002x128xf32, #tpu.memory_space<hbm>> -> memref<20002x128xf32, #tpu.memory_space<hbm>>
      tpu.enqueue_indirect_dma source(%dma_start3A_146 : memref<20002x128xf32, #tpu.memory_space<hbm>>) target(%arg12 : memref<128x128xf32, #tpu.memory_space<vmem>>) offsets(%dma_start3A_143 : memref<128xi32, #tpu.memory_space<vmem>>) semaphore(%arg15 : memref<!tpu.dma_semaphore, #tpu.memory_space<semaphore_mem>>)
      %add3A_147 = arith.constant 1 : i32
      %add3A_148 = arith.addi %mul3A_118, %add3A_147 : i32
      %dma_wait3A_149 = arith.constant 0 : i32
      %dma_wait3A_150 = tpu.memref_slice %arg10[%add3A_148, %dma_wait3A_149] : memref<160x128xi32, #tpu.memory_space<vmem>> -> memref<1x128xi32, #tpu.memory_space<vmem>>
      %dma_wait3A_151 = tpu.memref_squeeze %dma_wait3A_150 : memref<1x128xi32, #tpu.memory_space<vmem>> -> memref<128xi32, #tpu.memory_space<vmem>>
      %dma_wait3A_152 = arith.constant 0 : i32
      %dma_wait3A_153 = arith.constant 0 : i32
      %dma_wait3A_154 = tpu.memref_slice %arg2[%dma_wait3A_152, %dma_wait3A_153] : memref<20002x128xf32, #tpu.memory_space<hbm>> -> memref<20002x128xf32, #tpu.memory_space<hbm>>
      tpu.wait_indirect_dma semaphore(%arg16 : memref<!tpu.dma_semaphore, #tpu.memory_space<semaphore_mem>>) src(%dma_wait3A_154 : memref<20002x128xf32, #tpu.memory_space<hbm>>) dst(%arg13 : memref<128x128xf32, #tpu.memory_space<vmem>>)
      %dma_start3A_155 = arith.constant 0 : i32
      %dma_start3A_156 = tpu.memref_slice %arg11[%add3A_148, %dma_start3A_155] : memref<160x128xi32, #tpu.memory_space<vmem>> -> memref<1x128xi32, #tpu.memory_space<vmem>>
      %dma_start3A_157 = tpu.memref_squeeze %dma_start3A_156 : memref<1x128xi32, #tpu.memory_space<vmem>> -> memref<128xi32, #tpu.memory_space<vmem>>
      %dma_start3A_158 = arith.constant 0 : i32
      %dma_start3A_159 = arith.constant 0 : i32
      %dma_start3A_160 = tpu.memref_slice %arg14[%dma_start3A_158, %dma_start3A_159] : memref<5248x128xf32, #tpu.memory_space<vmem_shared>> -> memref<5248x128xf32, #tpu.memory_space<vmem_shared>>
      tpu.enqueue_indirect_dma source(%arg13 : memref<128x128xf32, #tpu.memory_space<vmem>>) target(%dma_start3A_160 : memref<5248x128xf32, #tpu.memory_space<vmem_shared>>) offsets(%dma_start3A_157 : memref<128xi32, #tpu.memory_space<vmem>>) semaphore(%arg18 : memref<!tpu.dma_semaphore, #tpu.memory_space<semaphore_mem>>) {add = true}
      %dma_wait3A_161 = arith.constant 0 : i32
      %dma_wait3A_162 = tpu.memref_slice %arg11[%add3A_148, %dma_wait3A_161] : memref<160x128xi32, #tpu.memory_space<vmem>> -> memref<1x128xi32, #tpu.memory_space<vmem>>
      %dma_wait3A_163 = tpu.memref_squeeze %dma_wait3A_162 : memref<1x128xi32, #tpu.memory_space<vmem>> -> memref<128xi32, #tpu.memory_space<vmem>>
      %dma_wait3A_164 = arith.constant 0 : i32
      %dma_wait3A_165 = arith.constant 0 : i32
      %dma_wait3A_166 = tpu.memref_slice %arg14[%dma_wait3A_164, %dma_wait3A_165] : memref<5248x128xf32, #tpu.memory_space<vmem_shared>> -> memref<5248x128xf32, #tpu.memory_space<vmem_shared>>
      tpu.wait_indirect_dma semaphore(%arg18 : memref<!tpu.dma_semaphore, #tpu.memory_space<semaphore_mem>>) src(%arg13 : memref<128x128xf32, #tpu.memory_space<vmem>>) dst(%dma_wait3A_166 : memref<5248x128xf32, #tpu.memory_space<vmem_shared>>)
      %add3A_167 = arith.constant 2 : i32
      %add3A_168 = arith.addi %add3A_148, %add3A_167 : i32
      %dma_start3A_169 = arith.constant 0 : i32
      %dma_start3A_170 = tpu.memref_slice %arg10[%add3A_168, %dma_start3A_169] : memref<160x128xi32, #tpu.memory_space<vmem>> -> memref<1x128xi32, #tpu.memory_space<vmem>>
      %dma_start3A_171 = tpu.memref_squeeze %dma_start3A_170 : memref<1x128xi32, #tpu.memory_space<vmem>> -> memref<128xi32, #tpu.memory_space<vmem>>
      %dma_start3A_172 = arith.constant 0 : i32
      %dma_start3A_173 = arith.constant 0 : i32
      %dma_start3A_174 = tpu.memref_slice %arg2[%dma_start3A_172, %dma_start3A_173] : memref<20002x128xf32, #tpu.memory_space<hbm>> -> memref<20002x128xf32, #tpu.memory_space<hbm>>
      tpu.enqueue_indirect_dma source(%dma_start3A_174 : memref<20002x128xf32, #tpu.memory_space<hbm>>) target(%arg13 : memref<128x128xf32, #tpu.memory_space<vmem>>) offsets(%dma_start3A_171 : memref<128xi32, #tpu.memory_space<vmem>>) semaphore(%arg16 : memref<!tpu.dma_semaphore, #tpu.memory_space<semaphore_mem>>)
    }
    %scan3A_29 = arith.constant 79 : i32
    %dma_wait3A = arith.constant 158 : i32
    %dma_wait3A_30 = arith.constant 0 : i32
    %dma_wait3A_31 = tpu.memref_slice %arg10[%dma_wait3A, %dma_wait3A_30] : memref<160x128xi32, #tpu.memory_space<vmem>> -> memref<1x128xi32, #tpu.memory_space<vmem>>
    %dma_wait3A_32 = tpu.memref_squeeze %dma_wait3A_31 : memref<1x128xi32, #tpu.memory_space<vmem>> -> memref<128xi32, #tpu.memory_space<vmem>>
    %dma_wait3A_33 = arith.constant 0 : i32
    %dma_wait3A_34 = arith.constant 0 : i32
    %dma_wait3A_35 = tpu.memref_slice %arg2[%dma_wait3A_33, %dma_wait3A_34] : memref<20002x128xf32, #tpu.memory_space<hbm>> -> memref<20002x128xf32, #tpu.memory_space<hbm>>
    tpu.wait_indirect_dma semaphore(%arg15 : memref<!tpu.dma_semaphore, #tpu.memory_space<semaphore_mem>>) src(%dma_wait3A_35 : memref<20002x128xf32, #tpu.memory_space<hbm>>) dst(%arg12 : memref<128x128xf32, #tpu.memory_space<vmem>>)
    %run_scoped3A = arith.constant 158 : i32
    "tpu.region"() ({
      %run_scoped3A_116 = tpu.sem_alloc : memref<!tpu.dma_semaphore, #tpu.memory_space<semaphore_mem>>
      %dma_start3A_117 = arith.constant 0 : i32
      %dma_start3A_118 = tpu.memref_slice %arg11[%run_scoped3A, %dma_start3A_117] : memref<160x128xi32, #tpu.memory_space<vmem>> -> memref<1x128xi32, #tpu.memory_space<vmem>>
      %dma_start3A_119 = tpu.memref_squeeze %dma_start3A_118 : memref<1x128xi32, #tpu.memory_space<vmem>> -> memref<128xi32, #tpu.memory_space<vmem>>
      %dma_start3A_120 = arith.constant 0 : i32
      %dma_start3A_121 = arith.constant 0 : i32
      %dma_start3A_122 = tpu.memref_slice %arg14[%dma_start3A_120, %dma_start3A_121] : memref<5248x128xf32, #tpu.memory_space<vmem_shared>> -> memref<5248x128xf32, #tpu.memory_space<vmem_shared>>
      tpu.enqueue_indirect_dma source(%arg12 : memref<128x128xf32, #tpu.memory_space<vmem>>) target(%dma_start3A_122 : memref<5248x128xf32, #tpu.memory_space<vmem_shared>>) offsets(%dma_start3A_119 : memref<128xi32, #tpu.memory_space<vmem>>) semaphore(%run_scoped3A_116 : memref<!tpu.dma_semaphore, #tpu.memory_space<semaphore_mem>>) {add = true}
      %dma_wait3A_123 = arith.constant 0 : i32
      %dma_wait3A_124 = tpu.memref_slice %arg11[%run_scoped3A, %dma_wait3A_123] : memref<160x128xi32, #tpu.memory_space<vmem>> -> memref<1x128xi32, #tpu.memory_space<vmem>>
      %dma_wait3A_125 = tpu.memref_squeeze %dma_wait3A_124 : memref<1x128xi32, #tpu.memory_space<vmem>> -> memref<128xi32, #tpu.memory_space<vmem>>
      %dma_wait3A_126 = arith.constant 0 : i32
      %dma_wait3A_127 = arith.constant 0 : i32
      %dma_wait3A_128 = tpu.memref_slice %arg14[%dma_wait3A_126, %dma_wait3A_127] : memref<5248x128xf32, #tpu.memory_space<vmem_shared>> -> memref<5248x128xf32, #tpu.memory_space<vmem_shared>>
      tpu.wait_indirect_dma semaphore(%run_scoped3A_116 : memref<!tpu.dma_semaphore, #tpu.memory_space<semaphore_mem>>) src(%arg12 : memref<128x128xf32, #tpu.memory_space<vmem>>) dst(%dma_wait3A_128 : memref<5248x128xf32, #tpu.memory_space<vmem_shared>>)
      tpu.yield
    }) : () -> ()
    %dma_wait3A_36 = arith.constant 159 : i32
    %dma_wait3A_37 = arith.constant 0 : i32
    %dma_wait3A_38 = tpu.memref_slice %arg10[%dma_wait3A_36, %dma_wait3A_37] : memref<160x128xi32, #tpu.memory_space<vmem>> -> memref<1x128xi32, #tpu.memory_space<vmem>>
    %dma_wait3A_39 = tpu.memref_squeeze %dma_wait3A_38 : memref<1x128xi32, #tpu.memory_space<vmem>> -> memref<128xi32, #tpu.memory_space<vmem>>
    %dma_wait3A_40 = arith.constant 0 : i32
    %dma_wait3A_41 = arith.constant 0 : i32
    %dma_wait3A_42 = tpu.memref_slice %arg2[%dma_wait3A_40, %dma_wait3A_41] : memref<20002x128xf32, #tpu.memory_space<hbm>> -> memref<20002x128xf32, #tpu.memory_space<hbm>>
    tpu.wait_indirect_dma semaphore(%arg16 : memref<!tpu.dma_semaphore, #tpu.memory_space<semaphore_mem>>) src(%dma_wait3A_42 : memref<20002x128xf32, #tpu.memory_space<hbm>>) dst(%arg13 : memref<128x128xf32, #tpu.memory_space<vmem>>)
    %run_scoped3A_43 = arith.constant 159 : i32
    "tpu.region"() ({
      %run_scoped3A_116 = tpu.sem_alloc : memref<!tpu.dma_semaphore, #tpu.memory_space<semaphore_mem>>
      %dma_start3A_117 = arith.constant 0 : i32
      %dma_start3A_118 = tpu.memref_slice %arg11[%run_scoped3A_43, %dma_start3A_117] : memref<160x128xi32, #tpu.memory_space<vmem>> -> memref<1x128xi32, #tpu.memory_space<vmem>>
      %dma_start3A_119 = tpu.memref_squeeze %dma_start3A_118 : memref<1x128xi32, #tpu.memory_space<vmem>> -> memref<128xi32, #tpu.memory_space<vmem>>
      %dma_start3A_120 = arith.constant 0 : i32
      %dma_start3A_121 = arith.constant 0 : i32
      %dma_start3A_122 = tpu.memref_slice %arg14[%dma_start3A_120, %dma_start3A_121] : memref<5248x128xf32, #tpu.memory_space<vmem_shared>> -> memref<5248x128xf32, #tpu.memory_space<vmem_shared>>
      tpu.enqueue_indirect_dma source(%arg13 : memref<128x128xf32, #tpu.memory_space<vmem>>) target(%dma_start3A_122 : memref<5248x128xf32, #tpu.memory_space<vmem_shared>>) offsets(%dma_start3A_119 : memref<128xi32, #tpu.memory_space<vmem>>) semaphore(%run_scoped3A_116 : memref<!tpu.dma_semaphore, #tpu.memory_space<semaphore_mem>>) {add = true}
      %dma_wait3A_123 = arith.constant 0 : i32
      %dma_wait3A_124 = tpu.memref_slice %arg11[%run_scoped3A_43, %dma_wait3A_123] : memref<160x128xi32, #tpu.memory_space<vmem>> -> memref<1x128xi32, #tpu.memory_space<vmem>>
      %dma_wait3A_125 = tpu.memref_squeeze %dma_wait3A_124 : memref<1x128xi32, #tpu.memory_space<vmem>> -> memref<128xi32, #tpu.memory_space<vmem>>
      %dma_wait3A_126 = arith.constant 0 : i32
      %dma_wait3A_127 = arith.constant 0 : i32
      %dma_wait3A_128 = tpu.memref_slice %arg14[%dma_wait3A_126, %dma_wait3A_127] : memref<5248x128xf32, #tpu.memory_space<vmem_shared>> -> memref<5248x128xf32, #tpu.memory_space<vmem_shared>>
      tpu.wait_indirect_dma semaphore(%run_scoped3A_116 : memref<!tpu.dma_semaphore, #tpu.memory_space<semaphore_mem>>) src(%arg13 : memref<128x128xf32, #tpu.memory_space<vmem>>) dst(%dma_wait3A_128 : memref<5248x128xf32, #tpu.memory_space<vmem_shared>>)
      tpu.yield
    }) : () -> ()
    %barrier3A_44 = arith.constant 0 : index
    tpu.barrier barrier_id(%barrier3A_44)
    %mul3A_45 = arith.constant 320 : i32
    %mul3A_46 = arith.muli %arg1, %mul3A_45 : i32
    %add3A = arith.constant 0 : i32
    %add3A_47 = arith.addi %add3A, %mul3A_46 : i32
    %eq3A_48 = arith.constant 0 : i32
    %eq3A_49 = arith.cmpi eq, %arg0, %eq3A_48 : i32
    %convert_element_type3A_50 = arith.extui %eq3A_49 : i1 to i32
    %cond3A_51 = arith.constant 0 : i32
    %cond3A_52 = arith.cmpi ne, %convert_element_type3A_50, %cond3A_51 : i32
    scf.if %cond3A_52 {
      %mul3A_116 = arith.constant 320 : i32
      %mul3A_117 = arith.muli %arg1, %mul3A_116 : i32
      "tpu.region"() ({
        %run_scoped3A_118 = tpu.sem_alloc : memref<!tpu.dma_semaphore, #tpu.memory_space<semaphore_mem>>
        %dma_start3A_119 = arith.constant 0 : i32
        %dma_start3A_120 = tpu.memref_slice %arg8[%add3A_47, %dma_start3A_119] : memref<10240x128xf32, #tpu.memory_space<hbm>> -> memref<320x128xf32, #tpu.memory_space<hbm>>
        %dma_start3A_121 = arith.constant 0 : i32
        %dma_start3A_122 = tpu.memref_slice %arg14[%mul3A_117, %dma_start3A_121] : memref<5248x128xf32, #tpu.memory_space<vmem_shared>> -> memref<320x128xf32, #tpu.memory_space<vmem_shared>>
        tpu.enqueue_dma source(%dma_start3A_122 : memref<320x128xf32, #tpu.memory_space<vmem_shared>>) target(%dma_start3A_120 : memref<320x128xf32, #tpu.memory_space<hbm>>) target_semaphore(%run_scoped3A_118 : memref<!tpu.dma_semaphore, #tpu.memory_space<semaphore_mem>>)
        %dma_wait3A_123 = arith.constant 0 : i32
        %dma_wait3A_124 = tpu.memref_slice %arg8[%add3A_47, %dma_wait3A_123] : memref<10240x128xf32, #tpu.memory_space<hbm>> -> memref<320x128xf32, #tpu.memory_space<hbm>>
        %dma_wait3A_125 = arith.constant 0 : i32
        %dma_wait3A_126 = tpu.memref_slice %arg14[%mul3A_117, %dma_wait3A_125] : memref<5248x128xf32, #tpu.memory_space<vmem_shared>> -> memref<320x128xf32, #tpu.memory_space<vmem_shared>>
        tpu.wait_dma2 semaphore(%run_scoped3A_118 : memref<!tpu.dma_semaphore, #tpu.memory_space<semaphore_mem>>) src(%dma_wait3A_126 : memref<320x128xf32, #tpu.memory_space<vmem_shared>>) dst(%dma_wait3A_124 : memref<320x128xf32, #tpu.memory_space<hbm>>)
        tpu.yield
      }) : () -> ()
    } else {
    }
    %eq3A_53 = arith.constant 1 : i32
    %eq3A_54 = arith.cmpi eq, %arg0, %eq3A_53 : i32
    %convert_element_type3A_55 = arith.extui %eq3A_54 : i1 to i32
    %cond3A_56 = arith.constant 0 : i32
    %cond3A_57 = arith.cmpi ne, %convert_element_type3A_55, %cond3A_56 : i32
    scf.if %cond3A_57 {
      %mul3A_116 = arith.constant 320 : i32
      %mul3A_117 = arith.muli %arg1, %mul3A_116 : i32
      "tpu.region"() ({
        %run_scoped3A_118 = tpu.sem_alloc : memref<!tpu.dma_semaphore, #tpu.memory_space<semaphore_mem>>
        %dma_start3A_119 = arith.constant 0 : i32
        %dma_start3A_120 = tpu.memref_slice %arg9[%add3A_47, %dma_start3A_119] : memref<10240x128xf32, #tpu.memory_space<hbm>> -> memref<320x128xf32, #tpu.memory_space<hbm>>
        %dma_start3A_121 = arith.constant 0 : i32
        %dma_start3A_122 = tpu.memref_slice %arg14[%mul3A_117, %dma_start3A_121] : memref<5248x128xf32, #tpu.memory_space<vmem_shared>> -> memref<320x128xf32, #tpu.memory_space<vmem_shared>>
        tpu.enqueue_dma source(%dma_start3A_122 : memref<320x128xf32, #tpu.memory_space<vmem_shared>>) target(%dma_start3A_120 : memref<320x128xf32, #tpu.memory_space<hbm>>) target_semaphore(%run_scoped3A_118 : memref<!tpu.dma_semaphore, #tpu.memory_space<semaphore_mem>>)
        %dma_wait3A_123 = arith.constant 0 : i32
        %dma_wait3A_124 = tpu.memref_slice %arg9[%add3A_47, %dma_wait3A_123] : memref<10240x128xf32, #tpu.memory_space<hbm>> -> memref<320x128xf32, #tpu.memory_space<hbm>>
        %dma_wait3A_125 = arith.constant 0 : i32
        %dma_wait3A_126 = tpu.memref_slice %arg14[%mul3A_117, %dma_wait3A_125] : memref<5248x128xf32, #tpu.memory_space<vmem_shared>> -> memref<320x128xf32, #tpu.memory_space<vmem_shared>>
        tpu.wait_dma2 semaphore(%run_scoped3A_118 : memref<!tpu.dma_semaphore, #tpu.memory_space<semaphore_mem>>) src(%dma_wait3A_126 : memref<320x128xf32, #tpu.memory_space<vmem_shared>>) dst(%dma_wait3A_124 : memref<320x128xf32, #tpu.memory_space<hbm>>)
        tpu.yield
      }) : () -> ()
    } else {
    }
    %barrier3A_58 = arith.constant 0 : index
    tpu.barrier barrier_id(%barrier3A_58)
    "tpu.region"() ({
      %run_scoped3A_116 = tpu.sem_alloc : memref<!tpu.dma_semaphore, #tpu.memory_space<semaphore_mem>>
      %dma_start3A_117 = arith.constant 0 : i32
      %dma_start3A_118 = tpu.memref_slice %arg6[%mul3A_0, %dma_start3A_117] : memref<2560x128xi32, #tpu.memory_space<hbm>> -> memref<160x128xi32, #tpu.memory_space<hbm>>
      %dma_start3A_119 = arith.constant 0 : i32
      %dma_start3A_120 = tpu.memref_slice %arg6[%mul3A_0, %dma_start3A_119] : memref<2560x128xi32, #tpu.memory_space<hbm>> -> memref<160x128xi32, #tpu.memory_space<hbm>>
      tpu.enqueue_dma source(%dma_start3A_120 : memref<160x128xi32, #tpu.memory_space<hbm>>) target(%arg11 : memref<160x128xi32, #tpu.memory_space<vmem>>) target_semaphore(%run_scoped3A_116 : memref<!tpu.dma_semaphore, #tpu.memory_space<semaphore_mem>>)
      %dma_wait3A_121 = arith.constant 0 : i32
      %dma_wait3A_122 = tpu.memref_slice %arg6[%mul3A_0, %dma_wait3A_121] : memref<2560x128xi32, #tpu.memory_space<hbm>> -> memref<160x128xi32, #tpu.memory_space<hbm>>
      %dma_wait3A_123 = arith.constant 0 : i32
      %dma_wait3A_124 = tpu.memref_slice %arg6[%mul3A_0, %dma_wait3A_123] : memref<2560x128xi32, #tpu.memory_space<hbm>> -> memref<160x128xi32, #tpu.memory_space<hbm>>
      tpu.wait_dma2 semaphore(%run_scoped3A_116 : memref<!tpu.dma_semaphore, #tpu.memory_space<semaphore_mem>>) src(%dma_wait3A_124 : memref<160x128xi32, #tpu.memory_space<hbm>>) dst(%arg11 : memref<160x128xi32, #tpu.memory_space<vmem>>)
      tpu.yield
    }) : () -> ()
    %mul3A_59 = arith.constant 320 : i32
    %mul3A_60 = arith.muli %arg1, %mul3A_59 : i32
    %mul3A_61 = arith.constant 320 : i32
    %mul3A_62 = arith.muli %arg1, %mul3A_61 : i32
    "tpu.region"() ({
      %run_scoped3A_116 = tpu.sem_alloc : memref<!tpu.dma_semaphore, #tpu.memory_space<semaphore_mem>>
      %dma_start3A_117 = arith.constant 0 : i32
      %dma_start3A_118 = tpu.memref_slice %arg14[%mul3A_62, %dma_start3A_117] : memref<5248x128xf32, #tpu.memory_space<vmem_shared>> -> memref<320x128xf32, #tpu.memory_space<vmem_shared>>
      %dma_start3A_119 = arith.constant 0 : i32
      %dma_start3A_120 = tpu.memref_slice %arg7[%mul3A_60, %dma_start3A_119] : memref<5120x128xf32, #tpu.memory_space<hbm>> -> memref<320x128xf32, #tpu.memory_space<hbm>>
      tpu.enqueue_dma source(%dma_start3A_120 : memref<320x128xf32, #tpu.memory_space<hbm>>) target(%dma_start3A_118 : memref<320x128xf32, #tpu.memory_space<vmem_shared>>) target_semaphore(%run_scoped3A_116 : memref<!tpu.dma_semaphore, #tpu.memory_space<semaphore_mem>>)
      %dma_wait3A_121 = arith.constant 0 : i32
      %dma_wait3A_122 = tpu.memref_slice %arg14[%mul3A_62, %dma_wait3A_121] : memref<5248x128xf32, #tpu.memory_space<vmem_shared>> -> memref<320x128xf32, #tpu.memory_space<vmem_shared>>
      %dma_wait3A_123 = arith.constant 0 : i32
      %dma_wait3A_124 = tpu.memref_slice %arg7[%mul3A_60, %dma_wait3A_123] : memref<5120x128xf32, #tpu.memory_space<hbm>> -> memref<320x128xf32, #tpu.memory_space<hbm>>
      tpu.wait_dma2 semaphore(%run_scoped3A_116 : memref<!tpu.dma_semaphore, #tpu.memory_space<semaphore_mem>>) src(%dma_wait3A_124 : memref<320x128xf32, #tpu.memory_space<hbm>>) dst(%dma_wait3A_122 : memref<320x128xf32, #tpu.memory_space<vmem_shared>>)
      tpu.yield
    }) : () -> ()
    %barrier3A_63 = arith.constant 0 : index
    tpu.barrier barrier_id(%barrier3A_63)
    %dma_start3A_64 = arith.constant 0 : i32
    %dma_start3A_65 = arith.constant 0 : i32
    %dma_start3A_66 = tpu.memref_slice %arg10[%dma_start3A_64, %dma_start3A_65] : memref<160x128xi32, #tpu.memory_space<vmem>> -> memref<1x128xi32, #tpu.memory_space<vmem>>
    %dma_start3A_67 = tpu.memref_squeeze %dma_start3A_66 : memref<1x128xi32, #tpu.memory_space<vmem>> -> memref<128xi32, #tpu.memory_space<vmem>>
    %dma_start3A_68 = arith.constant 0 : i32
    %dma_start3A_69 = arith.constant 0 : i32
    %dma_start3A_70 = tpu.memref_slice %arg2[%dma_start3A_68, %dma_start3A_69] : memref<20002x128xf32, #tpu.memory_space<hbm>> -> memref<20002x128xf32, #tpu.memory_space<hbm>>
    tpu.enqueue_indirect_dma source(%dma_start3A_70 : memref<20002x128xf32, #tpu.memory_space<hbm>>) target(%arg12 : memref<128x128xf32, #tpu.memory_space<vmem>>) offsets(%dma_start3A_67 : memref<128xi32, #tpu.memory_space<vmem>>) semaphore(%arg15 : memref<!tpu.dma_semaphore, #tpu.memory_space<semaphore_mem>>)
    %dma_start3A_71 = arith.constant 1 : i32
    %dma_start3A_72 = arith.constant 0 : i32
    %dma_start3A_73 = tpu.memref_slice %arg10[%dma_start3A_71, %dma_start3A_72] : memref<160x128xi32, #tpu.memory_space<vmem>> -> memref<1x128xi32, #tpu.memory_space<vmem>>
    %dma_start3A_74 = tpu.memref_squeeze %dma_start3A_73 : memref<1x128xi32, #tpu.memory_space<vmem>> -> memref<128xi32, #tpu.memory_space<vmem>>
    %dma_start3A_75 = arith.constant 0 : i32
    %dma_start3A_76 = arith.constant 0 : i32
    %dma_start3A_77 = tpu.memref_slice %arg2[%dma_start3A_75, %dma_start3A_76] : memref<20002x128xf32, #tpu.memory_space<hbm>> -> memref<20002x128xf32, #tpu.memory_space<hbm>>
    tpu.enqueue_indirect_dma source(%dma_start3A_77 : memref<20002x128xf32, #tpu.memory_space<hbm>>) target(%arg13 : memref<128x128xf32, #tpu.memory_space<vmem>>) offsets(%dma_start3A_74 : memref<128xi32, #tpu.memory_space<vmem>>) semaphore(%arg16 : memref<!tpu.dma_semaphore, #tpu.memory_space<semaphore_mem>>)
    %scan3A_78 = arith.constant 0 : i32
    %scan3A_79 = arith.constant 0 : i32
    %scan3A_80 = arith.constant 79 : i32
    %scan3A_81 = arith.addi %scan3A_79, %scan3A_80 : i32
    %scan3A_82 = arith.constant 1 : i32
    scf.for %scan3A_116 = %scan3A_79 to %scan3A_81 step %scan3A_82  : i32 {
      %mul3A_117 = arith.constant 2 : i32
      %mul3A_118 = arith.muli %scan3A_116, %mul3A_117 : i32
      %add3A_119 = arith.constant 0 : i32
      %add3A_120 = arith.addi %mul3A_118, %add3A_119 : i32
      %dma_wait3A_121 = arith.constant 0 : i32
      %dma_wait3A_122 = tpu.memref_slice %arg10[%add3A_120, %dma_wait3A_121] : memref<160x128xi32, #tpu.memory_space<vmem>> -> memref<1x128xi32, #tpu.memory_space<vmem>>
      %dma_wait3A_123 = tpu.memref_squeeze %dma_wait3A_122 : memref<1x128xi32, #tpu.memory_space<vmem>> -> memref<128xi32, #tpu.memory_space<vmem>>
      %dma_wait3A_124 = arith.constant 0 : i32
      %dma_wait3A_125 = arith.constant 0 : i32
      %dma_wait3A_126 = tpu.memref_slice %arg2[%dma_wait3A_124, %dma_wait3A_125] : memref<20002x128xf32, #tpu.memory_space<hbm>> -> memref<20002x128xf32, #tpu.memory_space<hbm>>
      tpu.wait_indirect_dma semaphore(%arg15 : memref<!tpu.dma_semaphore, #tpu.memory_space<semaphore_mem>>) src(%dma_wait3A_126 : memref<20002x128xf32, #tpu.memory_space<hbm>>) dst(%arg12 : memref<128x128xf32, #tpu.memory_space<vmem>>)
      %dma_start3A_127 = arith.constant 0 : i32
      %dma_start3A_128 = tpu.memref_slice %arg11[%add3A_120, %dma_start3A_127] : memref<160x128xi32, #tpu.memory_space<vmem>> -> memref<1x128xi32, #tpu.memory_space<vmem>>
      %dma_start3A_129 = tpu.memref_squeeze %dma_start3A_128 : memref<1x128xi32, #tpu.memory_space<vmem>> -> memref<128xi32, #tpu.memory_space<vmem>>
      %dma_start3A_130 = arith.constant 0 : i32
      %dma_start3A_131 = arith.constant 0 : i32
      %dma_start3A_132 = tpu.memref_slice %arg14[%dma_start3A_130, %dma_start3A_131] : memref<5248x128xf32, #tpu.memory_space<vmem_shared>> -> memref<5248x128xf32, #tpu.memory_space<vmem_shared>>
      tpu.enqueue_indirect_dma source(%arg12 : memref<128x128xf32, #tpu.memory_space<vmem>>) target(%dma_start3A_132 : memref<5248x128xf32, #tpu.memory_space<vmem_shared>>) offsets(%dma_start3A_129 : memref<128xi32, #tpu.memory_space<vmem>>) semaphore(%arg17 : memref<!tpu.dma_semaphore, #tpu.memory_space<semaphore_mem>>) {add = true}
      %dma_wait3A_133 = arith.constant 0 : i32
      %dma_wait3A_134 = tpu.memref_slice %arg11[%add3A_120, %dma_wait3A_133] : memref<160x128xi32, #tpu.memory_space<vmem>> -> memref<1x128xi32, #tpu.memory_space<vmem>>
      %dma_wait3A_135 = tpu.memref_squeeze %dma_wait3A_134 : memref<1x128xi32, #tpu.memory_space<vmem>> -> memref<128xi32, #tpu.memory_space<vmem>>
      %dma_wait3A_136 = arith.constant 0 : i32
      %dma_wait3A_137 = arith.constant 0 : i32
      %dma_wait3A_138 = tpu.memref_slice %arg14[%dma_wait3A_136, %dma_wait3A_137] : memref<5248x128xf32, #tpu.memory_space<vmem_shared>> -> memref<5248x128xf32, #tpu.memory_space<vmem_shared>>
      tpu.wait_indirect_dma semaphore(%arg17 : memref<!tpu.dma_semaphore, #tpu.memory_space<semaphore_mem>>) src(%arg12 : memref<128x128xf32, #tpu.memory_space<vmem>>) dst(%dma_wait3A_138 : memref<5248x128xf32, #tpu.memory_space<vmem_shared>>)
      %add3A_139 = arith.constant 2 : i32
      %add3A_140 = arith.addi %add3A_120, %add3A_139 : i32
      %dma_start3A_141 = arith.constant 0 : i32
      %dma_start3A_142 = tpu.memref_slice %arg10[%add3A_140, %dma_start3A_141] : memref<160x128xi32, #tpu.memory_space<vmem>> -> memref<1x128xi32, #tpu.memory_space<vmem>>
      %dma_start3A_143 = tpu.memref_squeeze %dma_start3A_142 : memref<1x128xi32, #tpu.memory_space<vmem>> -> memref<128xi32, #tpu.memory_space<vmem>>
      %dma_start3A_144 = arith.constant 0 : i32
      %dma_start3A_145 = arith.constant 0 : i32
      %dma_start3A_146 = tpu.memref_slice %arg2[%dma_start3A_144, %dma_start3A_145] : memref<20002x128xf32, #tpu.memory_space<hbm>> -> memref<20002x128xf32, #tpu.memory_space<hbm>>
      tpu.enqueue_indirect_dma source(%dma_start3A_146 : memref<20002x128xf32, #tpu.memory_space<hbm>>) target(%arg12 : memref<128x128xf32, #tpu.memory_space<vmem>>) offsets(%dma_start3A_143 : memref<128xi32, #tpu.memory_space<vmem>>) semaphore(%arg15 : memref<!tpu.dma_semaphore, #tpu.memory_space<semaphore_mem>>)
      %add3A_147 = arith.constant 1 : i32
      %add3A_148 = arith.addi %mul3A_118, %add3A_147 : i32
      %dma_wait3A_149 = arith.constant 0 : i32
      %dma_wait3A_150 = tpu.memref_slice %arg10[%add3A_148, %dma_wait3A_149] : memref<160x128xi32, #tpu.memory_space<vmem>> -> memref<1x128xi32, #tpu.memory_space<vmem>>
      %dma_wait3A_151 = tpu.memref_squeeze %dma_wait3A_150 : memref<1x128xi32, #tpu.memory_space<vmem>> -> memref<128xi32, #tpu.memory_space<vmem>>
      %dma_wait3A_152 = arith.constant 0 : i32
      %dma_wait3A_153 = arith.constant 0 : i32
      %dma_wait3A_154 = tpu.memref_slice %arg2[%dma_wait3A_152, %dma_wait3A_153] : memref<20002x128xf32, #tpu.memory_space<hbm>> -> memref<20002x128xf32, #tpu.memory_space<hbm>>
      tpu.wait_indirect_dma semaphore(%arg16 : memref<!tpu.dma_semaphore, #tpu.memory_space<semaphore_mem>>) src(%dma_wait3A_154 : memref<20002x128xf32, #tpu.memory_space<hbm>>) dst(%arg13 : memref<128x128xf32, #tpu.memory_space<vmem>>)
      %dma_start3A_155 = arith.constant 0 : i32
      %dma_start3A_156 = tpu.memref_slice %arg11[%add3A_148, %dma_start3A_155] : memref<160x128xi32, #tpu.memory_space<vmem>> -> memref<1x128xi32, #tpu.memory_space<vmem>>
      %dma_start3A_157 = tpu.memref_squeeze %dma_start3A_156 : memref<1x128xi32, #tpu.memory_space<vmem>> -> memref<128xi32, #tpu.memory_space<vmem>>
      %dma_start3A_158 = arith.constant 0 : i32
      %dma_start3A_159 = arith.constant 0 : i32
      %dma_start3A_160 = tpu.memref_slice %arg14[%dma_start3A_158, %dma_start3A_159] : memref<5248x128xf32, #tpu.memory_space<vmem_shared>> -> memref<5248x128xf32, #tpu.memory_space<vmem_shared>>
      tpu.enqueue_indirect_dma source(%arg13 : memref<128x128xf32, #tpu.memory_space<vmem>>) target(%dma_start3A_160 : memref<5248x128xf32, #tpu.memory_space<vmem_shared>>) offsets(%dma_start3A_157 : memref<128xi32, #tpu.memory_space<vmem>>) semaphore(%arg18 : memref<!tpu.dma_semaphore, #tpu.memory_space<semaphore_mem>>) {add = true}
      %dma_wait3A_161 = arith.constant 0 : i32
      %dma_wait3A_162 = tpu.memref_slice %arg11[%add3A_148, %dma_wait3A_161] : memref<160x128xi32, #tpu.memory_space<vmem>> -> memref<1x128xi32, #tpu.memory_space<vmem>>
      %dma_wait3A_163 = tpu.memref_squeeze %dma_wait3A_162 : memref<1x128xi32, #tpu.memory_space<vmem>> -> memref<128xi32, #tpu.memory_space<vmem>>
      %dma_wait3A_164 = arith.constant 0 : i32
      %dma_wait3A_165 = arith.constant 0 : i32
      %dma_wait3A_166 = tpu.memref_slice %arg14[%dma_wait3A_164, %dma_wait3A_165] : memref<5248x128xf32, #tpu.memory_space<vmem_shared>> -> memref<5248x128xf32, #tpu.memory_space<vmem_shared>>
      tpu.wait_indirect_dma semaphore(%arg18 : memref<!tpu.dma_semaphore, #tpu.memory_space<semaphore_mem>>) src(%arg13 : memref<128x128xf32, #tpu.memory_space<vmem>>) dst(%dma_wait3A_166 : memref<5248x128xf32, #tpu.memory_space<vmem_shared>>)
      %add3A_167 = arith.constant 2 : i32
      %add3A_168 = arith.addi %add3A_148, %add3A_167 : i32
      %dma_start3A_169 = arith.constant 0 : i32
      %dma_start3A_170 = tpu.memref_slice %arg10[%add3A_168, %dma_start3A_169] : memref<160x128xi32, #tpu.memory_space<vmem>> -> memref<1x128xi32, #tpu.memory_space<vmem>>
      %dma_start3A_171 = tpu.memref_squeeze %dma_start3A_170 : memref<1x128xi32, #tpu.memory_space<vmem>> -> memref<128xi32, #tpu.memory_space<vmem>>
      %dma_start3A_172 = arith.constant 0 : i32
      %dma_start3A_173 = arith.constant 0 : i32
      %dma_start3A_174 = tpu.memref_slice %arg2[%dma_start3A_172, %dma_start3A_173] : memref<20002x128xf32, #tpu.memory_space<hbm>> -> memref<20002x128xf32, #tpu.memory_space<hbm>>
      tpu.enqueue_indirect_dma source(%dma_start3A_174 : memref<20002x128xf32, #tpu.memory_space<hbm>>) target(%arg13 : memref<128x128xf32, #tpu.memory_space<vmem>>) offsets(%dma_start3A_171 : memref<128xi32, #tpu.memory_space<vmem>>) semaphore(%arg16 : memref<!tpu.dma_semaphore, #tpu.memory_space<semaphore_mem>>)
    }
    %scan3A_83 = arith.constant 79 : i32
    %dma_wait3A_84 = arith.constant 158 : i32
    %dma_wait3A_85 = arith.constant 0 : i32
    %dma_wait3A_86 = tpu.memref_slice %arg10[%dma_wait3A_84, %dma_wait3A_85] : memref<160x128xi32, #tpu.memory_space<vmem>> -> memref<1x128xi32, #tpu.memory_space<vmem>>
    %dma_wait3A_87 = tpu.memref_squeeze %dma_wait3A_86 : memref<1x128xi32, #tpu.memory_space<vmem>> -> memref<128xi32, #tpu.memory_space<vmem>>
    %dma_wait3A_88 = arith.constant 0 : i32
    %dma_wait3A_89 = arith.constant 0 : i32
    %dma_wait3A_90 = tpu.memref_slice %arg2[%dma_wait3A_88, %dma_wait3A_89] : memref<20002x128xf32, #tpu.memory_space<hbm>> -> memref<20002x128xf32, #tpu.memory_space<hbm>>
    tpu.wait_indirect_dma semaphore(%arg15 : memref<!tpu.dma_semaphore, #tpu.memory_space<semaphore_mem>>) src(%dma_wait3A_90 : memref<20002x128xf32, #tpu.memory_space<hbm>>) dst(%arg12 : memref<128x128xf32, #tpu.memory_space<vmem>>)
    %run_scoped3A_91 = arith.constant 158 : i32
    "tpu.region"() ({
      %run_scoped3A_116 = tpu.sem_alloc : memref<!tpu.dma_semaphore, #tpu.memory_space<semaphore_mem>>
      %dma_start3A_117 = arith.constant 0 : i32
      %dma_start3A_118 = tpu.memref_slice %arg11[%run_scoped3A_91, %dma_start3A_117] : memref<160x128xi32, #tpu.memory_space<vmem>> -> memref<1x128xi32, #tpu.memory_space<vmem>>
      %dma_start3A_119 = tpu.memref_squeeze %dma_start3A_118 : memref<1x128xi32, #tpu.memory_space<vmem>> -> memref<128xi32, #tpu.memory_space<vmem>>
      %dma_start3A_120 = arith.constant 0 : i32
      %dma_start3A_121 = arith.constant 0 : i32
      %dma_start3A_122 = tpu.memref_slice %arg14[%dma_start3A_120, %dma_start3A_121] : memref<5248x128xf32, #tpu.memory_space<vmem_shared>> -> memref<5248x128xf32, #tpu.memory_space<vmem_shared>>
      tpu.enqueue_indirect_dma source(%arg12 : memref<128x128xf32, #tpu.memory_space<vmem>>) target(%dma_start3A_122 : memref<5248x128xf32, #tpu.memory_space<vmem_shared>>) offsets(%dma_start3A_119 : memref<128xi32, #tpu.memory_space<vmem>>) semaphore(%run_scoped3A_116 : memref<!tpu.dma_semaphore, #tpu.memory_space<semaphore_mem>>) {add = true}
      %dma_wait3A_123 = arith.constant 0 : i32
      %dma_wait3A_124 = tpu.memref_slice %arg11[%run_scoped3A_91, %dma_wait3A_123] : memref<160x128xi32, #tpu.memory_space<vmem>> -> memref<1x128xi32, #tpu.memory_space<vmem>>
      %dma_wait3A_125 = tpu.memref_squeeze %dma_wait3A_124 : memref<1x128xi32, #tpu.memory_space<vmem>> -> memref<128xi32, #tpu.memory_space<vmem>>
      %dma_wait3A_126 = arith.constant 0 : i32
      %dma_wait3A_127 = arith.constant 0 : i32
      %dma_wait3A_128 = tpu.memref_slice %arg14[%dma_wait3A_126, %dma_wait3A_127] : memref<5248x128xf32, #tpu.memory_space<vmem_shared>> -> memref<5248x128xf32, #tpu.memory_space<vmem_shared>>
      tpu.wait_indirect_dma semaphore(%run_scoped3A_116 : memref<!tpu.dma_semaphore, #tpu.memory_space<semaphore_mem>>) src(%arg12 : memref<128x128xf32, #tpu.memory_space<vmem>>) dst(%dma_wait3A_128 : memref<5248x128xf32, #tpu.memory_space<vmem_shared>>)
      tpu.yield
    }) : () -> ()
    %dma_wait3A_92 = arith.constant 159 : i32
    %dma_wait3A_93 = arith.constant 0 : i32
    %dma_wait3A_94 = tpu.memref_slice %arg10[%dma_wait3A_92, %dma_wait3A_93] : memref<160x128xi32, #tpu.memory_space<vmem>> -> memref<1x128xi32, #tpu.memory_space<vmem>>
    %dma_wait3A_95 = tpu.memref_squeeze %dma_wait3A_94 : memref<1x128xi32, #tpu.memory_space<vmem>> -> memref<128xi32, #tpu.memory_space<vmem>>
    %dma_wait3A_96 = arith.constant 0 : i32
    %dma_wait3A_97 = arith.constant 0 : i32
    %dma_wait3A_98 = tpu.memref_slice %arg2[%dma_wait3A_96, %dma_wait3A_97] : memref<20002x128xf32, #tpu.memory_space<hbm>> -> memref<20002x128xf32, #tpu.memory_space<hbm>>
    tpu.wait_indirect_dma semaphore(%arg16 : memref<!tpu.dma_semaphore, #tpu.memory_space<semaphore_mem>>) src(%dma_wait3A_98 : memref<20002x128xf32, #tpu.memory_space<hbm>>) dst(%arg13 : memref<128x128xf32, #tpu.memory_space<vmem>>)
    %run_scoped3A_99 = arith.constant 159 : i32
    "tpu.region"() ({
      %run_scoped3A_116 = tpu.sem_alloc : memref<!tpu.dma_semaphore, #tpu.memory_space<semaphore_mem>>
      %dma_start3A_117 = arith.constant 0 : i32
      %dma_start3A_118 = tpu.memref_slice %arg11[%run_scoped3A_99, %dma_start3A_117] : memref<160x128xi32, #tpu.memory_space<vmem>> -> memref<1x128xi32, #tpu.memory_space<vmem>>
      %dma_start3A_119 = tpu.memref_squeeze %dma_start3A_118 : memref<1x128xi32, #tpu.memory_space<vmem>> -> memref<128xi32, #tpu.memory_space<vmem>>
      %dma_start3A_120 = arith.constant 0 : i32
      %dma_start3A_121 = arith.constant 0 : i32
      %dma_start3A_122 = tpu.memref_slice %arg14[%dma_start3A_120, %dma_start3A_121] : memref<5248x128xf32, #tpu.memory_space<vmem_shared>> -> memref<5248x128xf32, #tpu.memory_space<vmem_shared>>
      tpu.enqueue_indirect_dma source(%arg13 : memref<128x128xf32, #tpu.memory_space<vmem>>) target(%dma_start3A_122 : memref<5248x128xf32, #tpu.memory_space<vmem_shared>>) offsets(%dma_start3A_119 : memref<128xi32, #tpu.memory_space<vmem>>) semaphore(%run_scoped3A_116 : memref<!tpu.dma_semaphore, #tpu.memory_space<semaphore_mem>>) {add = true}
      %dma_wait3A_123 = arith.constant 0 : i32
      %dma_wait3A_124 = tpu.memref_slice %arg11[%run_scoped3A_99, %dma_wait3A_123] : memref<160x128xi32, #tpu.memory_space<vmem>> -> memref<1x128xi32, #tpu.memory_space<vmem>>
      %dma_wait3A_125 = tpu.memref_squeeze %dma_wait3A_124 : memref<1x128xi32, #tpu.memory_space<vmem>> -> memref<128xi32, #tpu.memory_space<vmem>>
      %dma_wait3A_126 = arith.constant 0 : i32
      %dma_wait3A_127 = arith.constant 0 : i32
      %dma_wait3A_128 = tpu.memref_slice %arg14[%dma_wait3A_126, %dma_wait3A_127] : memref<5248x128xf32, #tpu.memory_space<vmem_shared>> -> memref<5248x128xf32, #tpu.memory_space<vmem_shared>>
      tpu.wait_indirect_dma semaphore(%run_scoped3A_116 : memref<!tpu.dma_semaphore, #tpu.memory_space<semaphore_mem>>) src(%arg13 : memref<128x128xf32, #tpu.memory_space<vmem>>) dst(%dma_wait3A_128 : memref<5248x128xf32, #tpu.memory_space<vmem_shared>>)
      tpu.yield
    }) : () -> ()
    %barrier3A_100 = arith.constant 0 : index
    tpu.barrier barrier_id(%barrier3A_100)
    %mul3A_101 = arith.constant 320 : i32
    %mul3A_102 = arith.muli %arg1, %mul3A_101 : i32
    %add3A_103 = arith.constant 5120 : i32
    %add3A_104 = arith.addi %add3A_103, %mul3A_102 : i32
    %eq3A_105 = arith.constant 0 : i32
    %eq3A_106 = arith.cmpi eq, %arg0, %eq3A_105 : i32
    %convert_element_type3A_107 = arith.extui %eq3A_106 : i1 to i32
    %cond3A_108 = arith.constant 0 : i32
    %cond3A_109 = arith.cmpi ne, %convert_element_type3A_107, %cond3A_108 : i32
    scf.if %cond3A_109 {
      %mul3A_116 = arith.constant 320 : i32
      %mul3A_117 = arith.muli %arg1, %mul3A_116 : i32
      "tpu.region"() ({
        %run_scoped3A_118 = tpu.sem_alloc : memref<!tpu.dma_semaphore, #tpu.memory_space<semaphore_mem>>
        %dma_start3A_119 = arith.constant 0 : i32
        %dma_start3A_120 = tpu.memref_slice %arg8[%add3A_104, %dma_start3A_119] : memref<10240x128xf32, #tpu.memory_space<hbm>> -> memref<320x128xf32, #tpu.memory_space<hbm>>
        %dma_start3A_121 = arith.constant 0 : i32
        %dma_start3A_122 = tpu.memref_slice %arg14[%mul3A_117, %dma_start3A_121] : memref<5248x128xf32, #tpu.memory_space<vmem_shared>> -> memref<320x128xf32, #tpu.memory_space<vmem_shared>>
        tpu.enqueue_dma source(%dma_start3A_122 : memref<320x128xf32, #tpu.memory_space<vmem_shared>>) target(%dma_start3A_120 : memref<320x128xf32, #tpu.memory_space<hbm>>) target_semaphore(%run_scoped3A_118 : memref<!tpu.dma_semaphore, #tpu.memory_space<semaphore_mem>>)
        %dma_wait3A_123 = arith.constant 0 : i32
        %dma_wait3A_124 = tpu.memref_slice %arg8[%add3A_104, %dma_wait3A_123] : memref<10240x128xf32, #tpu.memory_space<hbm>> -> memref<320x128xf32, #tpu.memory_space<hbm>>
        %dma_wait3A_125 = arith.constant 0 : i32
        %dma_wait3A_126 = tpu.memref_slice %arg14[%mul3A_117, %dma_wait3A_125] : memref<5248x128xf32, #tpu.memory_space<vmem_shared>> -> memref<320x128xf32, #tpu.memory_space<vmem_shared>>
        tpu.wait_dma2 semaphore(%run_scoped3A_118 : memref<!tpu.dma_semaphore, #tpu.memory_space<semaphore_mem>>) src(%dma_wait3A_126 : memref<320x128xf32, #tpu.memory_space<vmem_shared>>) dst(%dma_wait3A_124 : memref<320x128xf32, #tpu.memory_space<hbm>>)
        tpu.yield
      }) : () -> ()
    } else {
    }
    %eq3A_110 = arith.constant 1 : i32
    %eq3A_111 = arith.cmpi eq, %arg0, %eq3A_110 : i32
    %convert_element_type3A_112 = arith.extui %eq3A_111 : i1 to i32
    %cond3A_113 = arith.constant 0 : i32
    %cond3A_114 = arith.cmpi ne, %convert_element_type3A_112, %cond3A_113 : i32
    scf.if %cond3A_114 {
      %mul3A_116 = arith.constant 320 : i32
      %mul3A_117 = arith.muli %arg1, %mul3A_116 : i32
      "tpu.region"() ({
        %run_scoped3A_118 = tpu.sem_alloc : memref<!tpu.dma_semaphore, #tpu.memory_space<semaphore_mem>>
        %dma_start3A_119 = arith.constant 0 : i32
        %dma_start3A_120 = tpu.memref_slice %arg9[%add3A_104, %dma_start3A_119] : memref<10240x128xf32, #tpu.memory_space<hbm>> -> memref<320x128xf32, #tpu.memory_space<hbm>>
        %dma_start3A_121 = arith.constant 0 : i32
        %dma_start3A_122 = tpu.memref_slice %arg14[%mul3A_117, %dma_start3A_121] : memref<5248x128xf32, #tpu.memory_space<vmem_shared>> -> memref<320x128xf32, #tpu.memory_space<vmem_shared>>
        tpu.enqueue_dma source(%dma_start3A_122 : memref<320x128xf32, #tpu.memory_space<vmem_shared>>) target(%dma_start3A_120 : memref<320x128xf32, #tpu.memory_space<hbm>>) target_semaphore(%run_scoped3A_118 : memref<!tpu.dma_semaphore, #tpu.memory_space<semaphore_mem>>)
        %dma_wait3A_123 = arith.constant 0 : i32
        %dma_wait3A_124 = tpu.memref_slice %arg9[%add3A_104, %dma_wait3A_123] : memref<10240x128xf32, #tpu.memory_space<hbm>> -> memref<320x128xf32, #tpu.memory_space<hbm>>
        %dma_wait3A_125 = arith.constant 0 : i32
        %dma_wait3A_126 = tpu.memref_slice %arg14[%mul3A_117, %dma_wait3A_125] : memref<5248x128xf32, #tpu.memory_space<vmem_shared>> -> memref<320x128xf32, #tpu.memory_space<vmem_shared>>
        tpu.wait_dma2 semaphore(%run_scoped3A_118 : memref<!tpu.dma_semaphore, #tpu.memory_space<semaphore_mem>>) src(%dma_wait3A_126 : memref<320x128xf32, #tpu.memory_space<vmem_shared>>) dst(%dma_wait3A_124 : memref<320x128xf32, #tpu.memory_space<hbm>>)
        tpu.yield
      }) : () -> ()
    } else {
    }
    %barrier3A_115 = arith.constant 0 : index
    tpu.barrier barrier_id(%barrier3A_115)
    return
  }
}

#map = affine_map<(d0, d1) -> (0, 0)>
module attributes {stable_mosaic.version = 14 : i64} {
  func.func @_agg_body(%arg0: i32, %arg1: i32, %arg2: memref<20002x128xf32, #tpu.memory_space<hbm>>, %arg3: memref<2560x128xi32, #tpu.memory_space<hbm>>, %arg4: memref<2560x128xi32, #tpu.memory_space<hbm>>, %arg5: memref<2560x128xi32, #tpu.memory_space<hbm>>, %arg6: memref<2560x128xi32, #tpu.memory_space<hbm>>, %arg7: memref<5120x128xf32, #tpu.memory_space<hbm>>, %arg8: memref<10240x128xf32, #tpu.memory_space<hbm>>, %arg9: memref<10240x128xf32, #tpu.memory_space<hbm>>, %arg10: memref<160x128xi32, #tpu.memory_space<vmem>>, %arg11: memref<160x128xi32, #tpu.memory_space<vmem>>, %arg12: memref<128x128xf32, #tpu.memory_space<vmem>>, %arg13: memref<128x128xf32, #tpu.memory_space<vmem>>, %arg14: memref<5248x128xf32, #tpu.memory_space<vmem_shared>>, %arg15: memref<!tpu.dma_semaphore, #tpu.memory_space<semaphore_mem>>, %arg16: memref<!tpu.dma_semaphore, #tpu.memory_space<semaphore_mem>>, %arg17: memref<!tpu.dma_semaphore, #tpu.memory_space<semaphore_mem>>, %arg18: memref<!tpu.dma_semaphore, #tpu.memory_space<semaphore_mem>>) attributes {dimension_semantics = [#tpu.dimension_semantics<core_parallel>, #tpu.dimension_semantics<subcore_parallel>], iteration_bounds = array<i64: 2, 16>, scalar_prefetch = 0 : i64, scratch_operands = 9 : i64, tpu.core_type = #tpu.core_type<sc_vector_subcore>, window_params = [{transform_indices = #map}, {transform_indices = #map}, {transform_indices = #map}, {transform_indices = #map}, {transform_indices = #map}, {transform_indices = #map}, {transform_indices = #map}, {transform_indices = #map}]} {
    %mul3A = arith.constant 160 : i32
    %mul3A_0 = arith.muli %arg1, %mul3A : i32
    %eq3A = arith.constant 0 : i32
    %eq3A_1 = arith.cmpi eq, %arg0, %eq3A : i32
    %convert_element_type3A = arith.extui %eq3A_1 : i1 to i32
    %cond3A = arith.constant 0 : i32
    %cond3A_2 = arith.cmpi ne, %convert_element_type3A, %cond3A : i32
    scf.if %cond3A_2 {
      "tpu.region"() ({
        %run_scoped3A_116 = tpu.sem_alloc : memref<!tpu.dma_semaphore, #tpu.memory_space<semaphore_mem>>
        %dma_start3A_117 = arith.constant 0 : i32
        %dma_start3A_118 = tpu.memref_slice %arg3[%mul3A_0, %dma_start3A_117] : memref<2560x128xi32, #tpu.memory_space<hbm>> -> memref<160x128xi32, #tpu.memory_space<hbm>>
        %dma_start3A_119 = arith.constant 0 : i32
        %dma_start3A_120 = tpu.memref_slice %arg3[%mul3A_0, %dma_start3A_119] : memref<2560x128xi32, #tpu.memory_space<hbm>> -> memref<160x128xi32, #tpu.memory_space<hbm>>
        tpu.enqueue_dma source(%dma_start3A_120 : memref<160x128xi32, #tpu.memory_space<hbm>>) target(%arg10 : memref<160x128xi32, #tpu.memory_space<vmem>>) target_semaphore(%run_scoped3A_116 : memref<!tpu.dma_semaphore, #tpu.memory_space<semaphore_mem>>)
        %dma_wait3A_121 = arith.constant 0 : i32
        %dma_wait3A_122 = tpu.memref_slice %arg3[%mul3A_0, %dma_wait3A_121] : memref<2560x128xi32, #tpu.memory_space<hbm>> -> memref<160x128xi32, #tpu.memory_space<hbm>>
        %dma_wait3A_123 = arith.constant 0 : i32
        %dma_wait3A_124 = tpu.memref_slice %arg3[%mul3A_0, %dma_wait3A_123] : memref<2560x128xi32, #tpu.memory_space<hbm>> -> memref<160x128xi32, #tpu.memory_space<hbm>>
        tpu.wait_dma2 semaphore(%run_scoped3A_116 : memref<!tpu.dma_semaphore, #tpu.memory_space<semaphore_mem>>) src(%dma_wait3A_124 : memref<160x128xi32, #tpu.memory_space<hbm>>) dst(%arg10 : memref<160x128xi32, #tpu.memory_space<vmem>>)
        tpu.yield
      }) : () -> ()
    } else {
    }
    %eq3A_3 = arith.constant 1 : i32
    %eq3A_4 = arith.cmpi eq, %arg0, %eq3A_3 : i32
    %convert_element_type3A_5 = arith.extui %eq3A_4 : i1 to i32
    %cond3A_6 = arith.constant 0 : i32
    %cond3A_7 = arith.cmpi ne, %convert_element_type3A_5, %cond3A_6 : i32
    scf.if %cond3A_7 {
      "tpu.region"() ({
        %run_scoped3A_116 = tpu.sem_alloc : memref<!tpu.dma_semaphore, #tpu.memory_space<semaphore_mem>>
        %dma_start3A_117 = arith.constant 0 : i32
        %dma_start3A_118 = tpu.memref_slice %arg4[%mul3A_0, %dma_start3A_117] : memref<2560x128xi32, #tpu.memory_space<hbm>> -> memref<160x128xi32, #tpu.memory_space<hbm>>
        %dma_start3A_119 = arith.constant 0 : i32
        %dma_start3A_120 = tpu.memref_slice %arg4[%mul3A_0, %dma_start3A_119] : memref<2560x128xi32, #tpu.memory_space<hbm>> -> memref<160x128xi32, #tpu.memory_space<hbm>>
        tpu.enqueue_dma source(%dma_start3A_120 : memref<160x128xi32, #tpu.memory_space<hbm>>) target(%arg10 : memref<160x128xi32, #tpu.memory_space<vmem>>) target_semaphore(%run_scoped3A_116 : memref<!tpu.dma_semaphore, #tpu.memory_space<semaphore_mem>>)
        %dma_wait3A_121 = arith.constant 0 : i32
        %dma_wait3A_122 = tpu.memref_slice %arg4[%mul3A_0, %dma_wait3A_121] : memref<2560x128xi32, #tpu.memory_space<hbm>> -> memref<160x128xi32, #tpu.memory_space<hbm>>
        %dma_wait3A_123 = arith.constant 0 : i32
        %dma_wait3A_124 = tpu.memref_slice %arg4[%mul3A_0, %dma_wait3A_123] : memref<2560x128xi32, #tpu.memory_space<hbm>> -> memref<160x128xi32, #tpu.memory_space<hbm>>
        tpu.wait_dma2 semaphore(%run_scoped3A_116 : memref<!tpu.dma_semaphore, #tpu.memory_space<semaphore_mem>>) src(%dma_wait3A_124 : memref<160x128xi32, #tpu.memory_space<hbm>>) dst(%arg10 : memref<160x128xi32, #tpu.memory_space<vmem>>)
        tpu.yield
      }) : () -> ()
    } else {
    }
    "tpu.region"() ({
      %run_scoped3A_116 = tpu.sem_alloc : memref<!tpu.dma_semaphore, #tpu.memory_space<semaphore_mem>>
      %dma_start3A_117 = arith.constant 0 : i32
      %dma_start3A_118 = tpu.memref_slice %arg5[%mul3A_0, %dma_start3A_117] : memref<2560x128xi32, #tpu.memory_space<hbm>> -> memref<160x128xi32, #tpu.memory_space<hbm>>
      %dma_start3A_119 = arith.constant 0 : i32
      %dma_start3A_120 = tpu.memref_slice %arg5[%mul3A_0, %dma_start3A_119] : memref<2560x128xi32, #tpu.memory_space<hbm>> -> memref<160x128xi32, #tpu.memory_space<hbm>>
      tpu.enqueue_dma source(%dma_start3A_120 : memref<160x128xi32, #tpu.memory_space<hbm>>) target(%arg11 : memref<160x128xi32, #tpu.memory_space<vmem>>) target_semaphore(%run_scoped3A_116 : memref<!tpu.dma_semaphore, #tpu.memory_space<semaphore_mem>>)
      %dma_wait3A_121 = arith.constant 0 : i32
      %dma_wait3A_122 = tpu.memref_slice %arg5[%mul3A_0, %dma_wait3A_121] : memref<2560x128xi32, #tpu.memory_space<hbm>> -> memref<160x128xi32, #tpu.memory_space<hbm>>
      %dma_wait3A_123 = arith.constant 0 : i32
      %dma_wait3A_124 = tpu.memref_slice %arg5[%mul3A_0, %dma_wait3A_123] : memref<2560x128xi32, #tpu.memory_space<hbm>> -> memref<160x128xi32, #tpu.memory_space<hbm>>
      tpu.wait_dma2 semaphore(%run_scoped3A_116 : memref<!tpu.dma_semaphore, #tpu.memory_space<semaphore_mem>>) src(%dma_wait3A_124 : memref<160x128xi32, #tpu.memory_space<hbm>>) dst(%arg11 : memref<160x128xi32, #tpu.memory_space<vmem>>)
      tpu.yield
    }) : () -> ()
    %mul3A_8 = arith.constant 320 : i32
    %mul3A_9 = arith.muli %arg1, %mul3A_8 : i32
    %mul3A_10 = arith.constant 320 : i32
    %mul3A_11 = arith.muli %arg1, %mul3A_10 : i32
    "tpu.region"() ({
      %run_scoped3A_116 = tpu.sem_alloc : memref<!tpu.dma_semaphore, #tpu.memory_space<semaphore_mem>>
      %dma_start3A_117 = arith.constant 0 : i32
      %dma_start3A_118 = tpu.memref_slice %arg14[%mul3A_11, %dma_start3A_117] : memref<5248x128xf32, #tpu.memory_space<vmem_shared>> -> memref<320x128xf32, #tpu.memory_space<vmem_shared>>
      %dma_start3A_119 = arith.constant 0 : i32
      %dma_start3A_120 = tpu.memref_slice %arg7[%mul3A_9, %dma_start3A_119] : memref<5120x128xf32, #tpu.memory_space<hbm>> -> memref<320x128xf32, #tpu.memory_space<hbm>>
      tpu.enqueue_dma source(%dma_start3A_120 : memref<320x128xf32, #tpu.memory_space<hbm>>) target(%dma_start3A_118 : memref<320x128xf32, #tpu.memory_space<vmem_shared>>) target_semaphore(%run_scoped3A_116 : memref<!tpu.dma_semaphore, #tpu.memory_space<semaphore_mem>>)
      %dma_wait3A_121 = arith.constant 0 : i32
      %dma_wait3A_122 = tpu.memref_slice %arg14[%mul3A_11, %dma_wait3A_121] : memref<5248x128xf32, #tpu.memory_space<vmem_shared>> -> memref<320x128xf32, #tpu.memory_space<vmem_shared>>
      %dma_wait3A_123 = arith.constant 0 : i32
      %dma_wait3A_124 = tpu.memref_slice %arg7[%mul3A_9, %dma_wait3A_123] : memref<5120x128xf32, #tpu.memory_space<hbm>> -> memref<320x128xf32, #tpu.memory_space<hbm>>
      tpu.wait_dma2 semaphore(%run_scoped3A_116 : memref<!tpu.dma_semaphore, #tpu.memory_space<semaphore_mem>>) src(%dma_wait3A_124 : memref<320x128xf32, #tpu.memory_space<hbm>>) dst(%dma_wait3A_122 : memref<320x128xf32, #tpu.memory_space<vmem_shared>>)
      tpu.yield
    }) : () -> ()
    %barrier3A = arith.constant 0 : index
    tpu.barrier barrier_id(%barrier3A)
    %dma_start3A = arith.constant 0 : i32
    %dma_start3A_12 = arith.constant 0 : i32
    %dma_start3A_13 = tpu.memref_slice %arg10[%dma_start3A, %dma_start3A_12] : memref<160x128xi32, #tpu.memory_space<vmem>> -> memref<1x128xi32, #tpu.memory_space<vmem>>
    %dma_start3A_14 = tpu.memref_squeeze %dma_start3A_13 : memref<1x128xi32, #tpu.memory_space<vmem>> -> memref<128xi32, #tpu.memory_space<vmem>>
    %dma_start3A_15 = arith.constant 0 : i32
    %dma_start3A_16 = arith.constant 0 : i32
    %dma_start3A_17 = tpu.memref_slice %arg2[%dma_start3A_15, %dma_start3A_16] : memref<20002x128xf32, #tpu.memory_space<hbm>> -> memref<20002x128xf32, #tpu.memory_space<hbm>>
    tpu.enqueue_indirect_dma source(%dma_start3A_17 : memref<20002x128xf32, #tpu.memory_space<hbm>>) target(%arg12 : memref<128x128xf32, #tpu.memory_space<vmem>>) offsets(%dma_start3A_14 : memref<128xi32, #tpu.memory_space<vmem>>) semaphore(%arg15 : memref<!tpu.dma_semaphore, #tpu.memory_space<semaphore_mem>>)
    %dma_start3A_18 = arith.constant 1 : i32
    %dma_start3A_19 = arith.constant 0 : i32
    %dma_start3A_20 = tpu.memref_slice %arg10[%dma_start3A_18, %dma_start3A_19] : memref<160x128xi32, #tpu.memory_space<vmem>> -> memref<1x128xi32, #tpu.memory_space<vmem>>
    %dma_start3A_21 = tpu.memref_squeeze %dma_start3A_20 : memref<1x128xi32, #tpu.memory_space<vmem>> -> memref<128xi32, #tpu.memory_space<vmem>>
    %dma_start3A_22 = arith.constant 0 : i32
    %dma_start3A_23 = arith.constant 0 : i32
    %dma_start3A_24 = tpu.memref_slice %arg2[%dma_start3A_22, %dma_start3A_23] : memref<20002x128xf32, #tpu.memory_space<hbm>> -> memref<20002x128xf32, #tpu.memory_space<hbm>>
    tpu.enqueue_indirect_dma source(%dma_start3A_24 : memref<20002x128xf32, #tpu.memory_space<hbm>>) target(%arg13 : memref<128x128xf32, #tpu.memory_space<vmem>>) offsets(%dma_start3A_21 : memref<128xi32, #tpu.memory_space<vmem>>) semaphore(%arg16 : memref<!tpu.dma_semaphore, #tpu.memory_space<semaphore_mem>>)
    %scan3A = arith.constant 0 : i32
    %scan3A_25 = arith.constant 0 : i32
    %scan3A_26 = arith.constant 79 : i32
    %scan3A_27 = arith.addi %scan3A_25, %scan3A_26 : i32
    %scan3A_28 = arith.constant 1 : i32
    scf.for %scan3A_116 = %scan3A_25 to %scan3A_27 step %scan3A_28  : i32 {
      %mul3A_117 = arith.constant 2 : i32
      %mul3A_118 = arith.muli %scan3A_116, %mul3A_117 : i32
      %add3A_119 = arith.constant 0 : i32
      %add3A_120 = arith.addi %mul3A_118, %add3A_119 : i32
      %dma_wait3A_121 = arith.constant 0 : i32
      %dma_wait3A_122 = tpu.memref_slice %arg10[%add3A_120, %dma_wait3A_121] : memref<160x128xi32, #tpu.memory_space<vmem>> -> memref<1x128xi32, #tpu.memory_space<vmem>>
      %dma_wait3A_123 = tpu.memref_squeeze %dma_wait3A_122 : memref<1x128xi32, #tpu.memory_space<vmem>> -> memref<128xi32, #tpu.memory_space<vmem>>
      %dma_wait3A_124 = arith.constant 0 : i32
      %dma_wait3A_125 = arith.constant 0 : i32
      %dma_wait3A_126 = tpu.memref_slice %arg2[%dma_wait3A_124, %dma_wait3A_125] : memref<20002x128xf32, #tpu.memory_space<hbm>> -> memref<20002x128xf32, #tpu.memory_space<hbm>>
      tpu.wait_indirect_dma semaphore(%arg15 : memref<!tpu.dma_semaphore, #tpu.memory_space<semaphore_mem>>) src(%dma_wait3A_126 : memref<20002x128xf32, #tpu.memory_space<hbm>>) dst(%arg12 : memref<128x128xf32, #tpu.memory_space<vmem>>)
      %dma_start3A_127 = arith.constant 0 : i32
      %dma_start3A_128 = tpu.memref_slice %arg11[%add3A_120, %dma_start3A_127] : memref<160x128xi32, #tpu.memory_space<vmem>> -> memref<1x128xi32, #tpu.memory_space<vmem>>
      %dma_start3A_129 = tpu.memref_squeeze %dma_start3A_128 : memref<1x128xi32, #tpu.memory_space<vmem>> -> memref<128xi32, #tpu.memory_space<vmem>>
      %dma_start3A_130 = arith.constant 0 : i32
      %dma_start3A_131 = arith.constant 0 : i32
      %dma_start3A_132 = tpu.memref_slice %arg14[%dma_start3A_130, %dma_start3A_131] : memref<5248x128xf32, #tpu.memory_space<vmem_shared>> -> memref<5248x128xf32, #tpu.memory_space<vmem_shared>>
      tpu.enqueue_indirect_dma source(%arg12 : memref<128x128xf32, #tpu.memory_space<vmem>>) target(%dma_start3A_132 : memref<5248x128xf32, #tpu.memory_space<vmem_shared>>) offsets(%dma_start3A_129 : memref<128xi32, #tpu.memory_space<vmem>>) semaphore(%arg17 : memref<!tpu.dma_semaphore, #tpu.memory_space<semaphore_mem>>) {add = true}
      %dma_wait3A_133 = arith.constant 0 : i32
      %dma_wait3A_134 = tpu.memref_slice %arg11[%add3A_120, %dma_wait3A_133] : memref<160x128xi32, #tpu.memory_space<vmem>> -> memref<1x128xi32, #tpu.memory_space<vmem>>
      %dma_wait3A_135 = tpu.memref_squeeze %dma_wait3A_134 : memref<1x128xi32, #tpu.memory_space<vmem>> -> memref<128xi32, #tpu.memory_space<vmem>>
      %dma_wait3A_136 = arith.constant 0 : i32
      %dma_wait3A_137 = arith.constant 0 : i32
      %dma_wait3A_138 = tpu.memref_slice %arg14[%dma_wait3A_136, %dma_wait3A_137] : memref<5248x128xf32, #tpu.memory_space<vmem_shared>> -> memref<5248x128xf32, #tpu.memory_space<vmem_shared>>
      tpu.wait_indirect_dma semaphore(%arg17 : memref<!tpu.dma_semaphore, #tpu.memory_space<semaphore_mem>>) src(%arg12 : memref<128x128xf32, #tpu.memory_space<vmem>>) dst(%dma_wait3A_138 : memref<5248x128xf32, #tpu.memory_space<vmem_shared>>)
      %add3A_139 = arith.constant 2 : i32
      %add3A_140 = arith.addi %add3A_120, %add3A_139 : i32
      %dma_start3A_141 = arith.constant 0 : i32
      %dma_start3A_142 = tpu.memref_slice %arg10[%add3A_140, %dma_start3A_141] : memref<160x128xi32, #tpu.memory_space<vmem>> -> memref<1x128xi32, #tpu.memory_space<vmem>>
      %dma_start3A_143 = tpu.memref_squeeze %dma_start3A_142 : memref<1x128xi32, #tpu.memory_space<vmem>> -> memref<128xi32, #tpu.memory_space<vmem>>
      %dma_start3A_144 = arith.constant 0 : i32
      %dma_start3A_145 = arith.constant 0 : i32
      %dma_start3A_146 = tpu.memref_slice %arg2[%dma_start3A_144, %dma_start3A_145] : memref<20002x128xf32, #tpu.memory_space<hbm>> -> memref<20002x128xf32, #tpu.memory_space<hbm>>
      tpu.enqueue_indirect_dma source(%dma_start3A_146 : memref<20002x128xf32, #tpu.memory_space<hbm>>) target(%arg12 : memref<128x128xf32, #tpu.memory_space<vmem>>) offsets(%dma_start3A_143 : memref<128xi32, #tpu.memory_space<vmem>>) semaphore(%arg15 : memref<!tpu.dma_semaphore, #tpu.memory_space<semaphore_mem>>)
      %add3A_147 = arith.constant 1 : i32
      %add3A_148 = arith.addi %mul3A_118, %add3A_147 : i32
      %dma_wait3A_149 = arith.constant 0 : i32
      %dma_wait3A_150 = tpu.memref_slice %arg10[%add3A_148, %dma_wait3A_149] : memref<160x128xi32, #tpu.memory_space<vmem>> -> memref<1x128xi32, #tpu.memory_space<vmem>>
      %dma_wait3A_151 = tpu.memref_squeeze %dma_wait3A_150 : memref<1x128xi32, #tpu.memory_space<vmem>> -> memref<128xi32, #tpu.memory_space<vmem>>
      %dma_wait3A_152 = arith.constant 0 : i32
      %dma_wait3A_153 = arith.constant 0 : i32
      %dma_wait3A_154 = tpu.memref_slice %arg2[%dma_wait3A_152, %dma_wait3A_153] : memref<20002x128xf32, #tpu.memory_space<hbm>> -> memref<20002x128xf32, #tpu.memory_space<hbm>>
      tpu.wait_indirect_dma semaphore(%arg16 : memref<!tpu.dma_semaphore, #tpu.memory_space<semaphore_mem>>) src(%dma_wait3A_154 : memref<20002x128xf32, #tpu.memory_space<hbm>>) dst(%arg13 : memref<128x128xf32, #tpu.memory_space<vmem>>)
      %dma_start3A_155 = arith.constant 0 : i32
      %dma_start3A_156 = tpu.memref_slice %arg11[%add3A_148, %dma_start3A_155] : memref<160x128xi32, #tpu.memory_space<vmem>> -> memref<1x128xi32, #tpu.memory_space<vmem>>
      %dma_start3A_157 = tpu.memref_squeeze %dma_start3A_156 : memref<1x128xi32, #tpu.memory_space<vmem>> -> memref<128xi32, #tpu.memory_space<vmem>>
      %dma_start3A_158 = arith.constant 0 : i32
      %dma_start3A_159 = arith.constant 0 : i32
      %dma_start3A_160 = tpu.memref_slice %arg14[%dma_start3A_158, %dma_start3A_159] : memref<5248x128xf32, #tpu.memory_space<vmem_shared>> -> memref<5248x128xf32, #tpu.memory_space<vmem_shared>>
      tpu.enqueue_indirect_dma source(%arg13 : memref<128x128xf32, #tpu.memory_space<vmem>>) target(%dma_start3A_160 : memref<5248x128xf32, #tpu.memory_space<vmem_shared>>) offsets(%dma_start3A_157 : memref<128xi32, #tpu.memory_space<vmem>>) semaphore(%arg18 : memref<!tpu.dma_semaphore, #tpu.memory_space<semaphore_mem>>) {add = true}
      %dma_wait3A_161 = arith.constant 0 : i32
      %dma_wait3A_162 = tpu.memref_slice %arg11[%add3A_148, %dma_wait3A_161] : memref<160x128xi32, #tpu.memory_space<vmem>> -> memref<1x128xi32, #tpu.memory_space<vmem>>
      %dma_wait3A_163 = tpu.memref_squeeze %dma_wait3A_162 : memref<1x128xi32, #tpu.memory_space<vmem>> -> memref<128xi32, #tpu.memory_space<vmem>>
      %dma_wait3A_164 = arith.constant 0 : i32
      %dma_wait3A_165 = arith.constant 0 : i32
      %dma_wait3A_166 = tpu.memref_slice %arg14[%dma_wait3A_164, %dma_wait3A_165] : memref<5248x128xf32, #tpu.memory_space<vmem_shared>> -> memref<5248x128xf32, #tpu.memory_space<vmem_shared>>
      tpu.wait_indirect_dma semaphore(%arg18 : memref<!tpu.dma_semaphore, #tpu.memory_space<semaphore_mem>>) src(%arg13 : memref<128x128xf32, #tpu.memory_space<vmem>>) dst(%dma_wait3A_166 : memref<5248x128xf32, #tpu.memory_space<vmem_shared>>)
      %add3A_167 = arith.constant 2 : i32
      %add3A_168 = arith.addi %add3A_148, %add3A_167 : i32
      %dma_start3A_169 = arith.constant 0 : i32
      %dma_start3A_170 = tpu.memref_slice %arg10[%add3A_168, %dma_start3A_169] : memref<160x128xi32, #tpu.memory_space<vmem>> -> memref<1x128xi32, #tpu.memory_space<vmem>>
      %dma_start3A_171 = tpu.memref_squeeze %dma_start3A_170 : memref<1x128xi32, #tpu.memory_space<vmem>> -> memref<128xi32, #tpu.memory_space<vmem>>
      %dma_start3A_172 = arith.constant 0 : i32
      %dma_start3A_173 = arith.constant 0 : i32
      %dma_start3A_174 = tpu.memref_slice %arg2[%dma_start3A_172, %dma_start3A_173] : memref<20002x128xf32, #tpu.memory_space<hbm>> -> memref<20002x128xf32, #tpu.memory_space<hbm>>
      tpu.enqueue_indirect_dma source(%dma_start3A_174 : memref<20002x128xf32, #tpu.memory_space<hbm>>) target(%arg13 : memref<128x128xf32, #tpu.memory_space<vmem>>) offsets(%dma_start3A_171 : memref<128xi32, #tpu.memory_space<vmem>>) semaphore(%arg16 : memref<!tpu.dma_semaphore, #tpu.memory_space<semaphore_mem>>)
    }
    %scan3A_29 = arith.constant 79 : i32
    %dma_wait3A = arith.constant 158 : i32
    %dma_wait3A_30 = arith.constant 0 : i32
    %dma_wait3A_31 = tpu.memref_slice %arg10[%dma_wait3A, %dma_wait3A_30] : memref<160x128xi32, #tpu.memory_space<vmem>> -> memref<1x128xi32, #tpu.memory_space<vmem>>
    %dma_wait3A_32 = tpu.memref_squeeze %dma_wait3A_31 : memref<1x128xi32, #tpu.memory_space<vmem>> -> memref<128xi32, #tpu.memory_space<vmem>>
    %dma_wait3A_33 = arith.constant 0 : i32
    %dma_wait3A_34 = arith.constant 0 : i32
    %dma_wait3A_35 = tpu.memref_slice %arg2[%dma_wait3A_33, %dma_wait3A_34] : memref<20002x128xf32, #tpu.memory_space<hbm>> -> memref<20002x128xf32, #tpu.memory_space<hbm>>
    tpu.wait_indirect_dma semaphore(%arg15 : memref<!tpu.dma_semaphore, #tpu.memory_space<semaphore_mem>>) src(%dma_wait3A_35 : memref<20002x128xf32, #tpu.memory_space<hbm>>) dst(%arg12 : memref<128x128xf32, #tpu.memory_space<vmem>>)
    %run_scoped3A = arith.constant 158 : i32
    "tpu.region"() ({
      %run_scoped3A_116 = tpu.sem_alloc : memref<!tpu.dma_semaphore, #tpu.memory_space<semaphore_mem>>
      %dma_start3A_117 = arith.constant 0 : i32
      %dma_start3A_118 = tpu.memref_slice %arg11[%run_scoped3A, %dma_start3A_117] : memref<160x128xi32, #tpu.memory_space<vmem>> -> memref<1x128xi32, #tpu.memory_space<vmem>>
      %dma_start3A_119 = tpu.memref_squeeze %dma_start3A_118 : memref<1x128xi32, #tpu.memory_space<vmem>> -> memref<128xi32, #tpu.memory_space<vmem>>
      %dma_start3A_120 = arith.constant 0 : i32
      %dma_start3A_121 = arith.constant 0 : i32
      %dma_start3A_122 = tpu.memref_slice %arg14[%dma_start3A_120, %dma_start3A_121] : memref<5248x128xf32, #tpu.memory_space<vmem_shared>> -> memref<5248x128xf32, #tpu.memory_space<vmem_shared>>
      tpu.enqueue_indirect_dma source(%arg12 : memref<128x128xf32, #tpu.memory_space<vmem>>) target(%dma_start3A_122 : memref<5248x128xf32, #tpu.memory_space<vmem_shared>>) offsets(%dma_start3A_119 : memref<128xi32, #tpu.memory_space<vmem>>) semaphore(%run_scoped3A_116 : memref<!tpu.dma_semaphore, #tpu.memory_space<semaphore_mem>>) {add = true}
      %dma_wait3A_123 = arith.constant 0 : i32
      %dma_wait3A_124 = tpu.memref_slice %arg11[%run_scoped3A, %dma_wait3A_123] : memref<160x128xi32, #tpu.memory_space<vmem>> -> memref<1x128xi32, #tpu.memory_space<vmem>>
      %dma_wait3A_125 = tpu.memref_squeeze %dma_wait3A_124 : memref<1x128xi32, #tpu.memory_space<vmem>> -> memref<128xi32, #tpu.memory_space<vmem>>
      %dma_wait3A_126 = arith.constant 0 : i32
      %dma_wait3A_127 = arith.constant 0 : i32
      %dma_wait3A_128 = tpu.memref_slice %arg14[%dma_wait3A_126, %dma_wait3A_127] : memref<5248x128xf32, #tpu.memory_space<vmem_shared>> -> memref<5248x128xf32, #tpu.memory_space<vmem_shared>>
      tpu.wait_indirect_dma semaphore(%run_scoped3A_116 : memref<!tpu.dma_semaphore, #tpu.memory_space<semaphore_mem>>) src(%arg12 : memref<128x128xf32, #tpu.memory_space<vmem>>) dst(%dma_wait3A_128 : memref<5248x128xf32, #tpu.memory_space<vmem_shared>>)
      tpu.yield
    }) : () -> ()
    %dma_wait3A_36 = arith.constant 159 : i32
    %dma_wait3A_37 = arith.constant 0 : i32
    %dma_wait3A_38 = tpu.memref_slice %arg10[%dma_wait3A_36, %dma_wait3A_37] : memref<160x128xi32, #tpu.memory_space<vmem>> -> memref<1x128xi32, #tpu.memory_space<vmem>>
    %dma_wait3A_39 = tpu.memref_squeeze %dma_wait3A_38 : memref<1x128xi32, #tpu.memory_space<vmem>> -> memref<128xi32, #tpu.memory_space<vmem>>
    %dma_wait3A_40 = arith.constant 0 : i32
    %dma_wait3A_41 = arith.constant 0 : i32
    %dma_wait3A_42 = tpu.memref_slice %arg2[%dma_wait3A_40, %dma_wait3A_41] : memref<20002x128xf32, #tpu.memory_space<hbm>> -> memref<20002x128xf32, #tpu.memory_space<hbm>>
    tpu.wait_indirect_dma semaphore(%arg16 : memref<!tpu.dma_semaphore, #tpu.memory_space<semaphore_mem>>) src(%dma_wait3A_42 : memref<20002x128xf32, #tpu.memory_space<hbm>>) dst(%arg13 : memref<128x128xf32, #tpu.memory_space<vmem>>)
    %run_scoped3A_43 = arith.constant 159 : i32
    "tpu.region"() ({
      %run_scoped3A_116 = tpu.sem_alloc : memref<!tpu.dma_semaphore, #tpu.memory_space<semaphore_mem>>
      %dma_start3A_117 = arith.constant 0 : i32
      %dma_start3A_118 = tpu.memref_slice %arg11[%run_scoped3A_43, %dma_start3A_117] : memref<160x128xi32, #tpu.memory_space<vmem>> -> memref<1x128xi32, #tpu.memory_space<vmem>>
      %dma_start3A_119 = tpu.memref_squeeze %dma_start3A_118 : memref<1x128xi32, #tpu.memory_space<vmem>> -> memref<128xi32, #tpu.memory_space<vmem>>
      %dma_start3A_120 = arith.constant 0 : i32
      %dma_start3A_121 = arith.constant 0 : i32
      %dma_start3A_122 = tpu.memref_slice %arg14[%dma_start3A_120, %dma_start3A_121] : memref<5248x128xf32, #tpu.memory_space<vmem_shared>> -> memref<5248x128xf32, #tpu.memory_space<vmem_shared>>
      tpu.enqueue_indirect_dma source(%arg13 : memref<128x128xf32, #tpu.memory_space<vmem>>) target(%dma_start3A_122 : memref<5248x128xf32, #tpu.memory_space<vmem_shared>>) offsets(%dma_start3A_119 : memref<128xi32, #tpu.memory_space<vmem>>) semaphore(%run_scoped3A_116 : memref<!tpu.dma_semaphore, #tpu.memory_space<semaphore_mem>>) {add = true}
      %dma_wait3A_123 = arith.constant 0 : i32
      %dma_wait3A_124 = tpu.memref_slice %arg11[%run_scoped3A_43, %dma_wait3A_123] : memref<160x128xi32, #tpu.memory_space<vmem>> -> memref<1x128xi32, #tpu.memory_space<vmem>>
      %dma_wait3A_125 = tpu.memref_squeeze %dma_wait3A_124 : memref<1x128xi32, #tpu.memory_space<vmem>> -> memref<128xi32, #tpu.memory_space<vmem>>
      %dma_wait3A_126 = arith.constant 0 : i32
      %dma_wait3A_127 = arith.constant 0 : i32
      %dma_wait3A_128 = tpu.memref_slice %arg14[%dma_wait3A_126, %dma_wait3A_127] : memref<5248x128xf32, #tpu.memory_space<vmem_shared>> -> memref<5248x128xf32, #tpu.memory_space<vmem_shared>>
      tpu.wait_indirect_dma semaphore(%run_scoped3A_116 : memref<!tpu.dma_semaphore, #tpu.memory_space<semaphore_mem>>) src(%arg13 : memref<128x128xf32, #tpu.memory_space<vmem>>) dst(%dma_wait3A_128 : memref<5248x128xf32, #tpu.memory_space<vmem_shared>>)
      tpu.yield
    }) : () -> ()
    %barrier3A_44 = arith.constant 0 : index
    tpu.barrier barrier_id(%barrier3A_44)
    %mul3A_45 = arith.constant 320 : i32
    %mul3A_46 = arith.muli %arg1, %mul3A_45 : i32
    %add3A = arith.constant 0 : i32
    %add3A_47 = arith.addi %add3A, %mul3A_46 : i32
    %eq3A_48 = arith.constant 0 : i32
    %eq3A_49 = arith.cmpi eq, %arg0, %eq3A_48 : i32
    %convert_element_type3A_50 = arith.extui %eq3A_49 : i1 to i32
    %cond3A_51 = arith.constant 0 : i32
    %cond3A_52 = arith.cmpi ne, %convert_element_type3A_50, %cond3A_51 : i32
    scf.if %cond3A_52 {
      %mul3A_116 = arith.constant 320 : i32
      %mul3A_117 = arith.muli %arg1, %mul3A_116 : i32
      "tpu.region"() ({
        %run_scoped3A_118 = tpu.sem_alloc : memref<!tpu.dma_semaphore, #tpu.memory_space<semaphore_mem>>
        %dma_start3A_119 = arith.constant 0 : i32
        %dma_start3A_120 = tpu.memref_slice %arg8[%add3A_47, %dma_start3A_119] : memref<10240x128xf32, #tpu.memory_space<hbm>> -> memref<320x128xf32, #tpu.memory_space<hbm>>
        %dma_start3A_121 = arith.constant 0 : i32
        %dma_start3A_122 = tpu.memref_slice %arg14[%mul3A_117, %dma_start3A_121] : memref<5248x128xf32, #tpu.memory_space<vmem_shared>> -> memref<320x128xf32, #tpu.memory_space<vmem_shared>>
        tpu.enqueue_dma source(%dma_start3A_122 : memref<320x128xf32, #tpu.memory_space<vmem_shared>>) target(%dma_start3A_120 : memref<320x128xf32, #tpu.memory_space<hbm>>) target_semaphore(%run_scoped3A_118 : memref<!tpu.dma_semaphore, #tpu.memory_space<semaphore_mem>>)
        %dma_wait3A_123 = arith.constant 0 : i32
        %dma_wait3A_124 = tpu.memref_slice %arg8[%add3A_47, %dma_wait3A_123] : memref<10240x128xf32, #tpu.memory_space<hbm>> -> memref<320x128xf32, #tpu.memory_space<hbm>>
        %dma_wait3A_125 = arith.constant 0 : i32
        %dma_wait3A_126 = tpu.memref_slice %arg14[%mul3A_117, %dma_wait3A_125] : memref<5248x128xf32, #tpu.memory_space<vmem_shared>> -> memref<320x128xf32, #tpu.memory_space<vmem_shared>>
        tpu.wait_dma2 semaphore(%run_scoped3A_118 : memref<!tpu.dma_semaphore, #tpu.memory_space<semaphore_mem>>) src(%dma_wait3A_126 : memref<320x128xf32, #tpu.memory_space<vmem_shared>>) dst(%dma_wait3A_124 : memref<320x128xf32, #tpu.memory_space<hbm>>)
        tpu.yield
      }) : () -> ()
    } else {
    }
    %eq3A_53 = arith.constant 1 : i32
    %eq3A_54 = arith.cmpi eq, %arg0, %eq3A_53 : i32
    %convert_element_type3A_55 = arith.extui %eq3A_54 : i1 to i32
    %cond3A_56 = arith.constant 0 : i32
    %cond3A_57 = arith.cmpi ne, %convert_element_type3A_55, %cond3A_56 : i32
    scf.if %cond3A_57 {
      %mul3A_116 = arith.constant 320 : i32
      %mul3A_117 = arith.muli %arg1, %mul3A_116 : i32
      "tpu.region"() ({
        %run_scoped3A_118 = tpu.sem_alloc : memref<!tpu.dma_semaphore, #tpu.memory_space<semaphore_mem>>
        %dma_start3A_119 = arith.constant 0 : i32
        %dma_start3A_120 = tpu.memref_slice %arg9[%add3A_47, %dma_start3A_119] : memref<10240x128xf32, #tpu.memory_space<hbm>> -> memref<320x128xf32, #tpu.memory_space<hbm>>
        %dma_start3A_121 = arith.constant 0 : i32
        %dma_start3A_122 = tpu.memref_slice %arg14[%mul3A_117, %dma_start3A_121] : memref<5248x128xf32, #tpu.memory_space<vmem_shared>> -> memref<320x128xf32, #tpu.memory_space<vmem_shared>>
        tpu.enqueue_dma source(%dma_start3A_122 : memref<320x128xf32, #tpu.memory_space<vmem_shared>>) target(%dma_start3A_120 : memref<320x128xf32, #tpu.memory_space<hbm>>) target_semaphore(%run_scoped3A_118 : memref<!tpu.dma_semaphore, #tpu.memory_space<semaphore_mem>>)
        %dma_wait3A_123 = arith.constant 0 : i32
        %dma_wait3A_124 = tpu.memref_slice %arg9[%add3A_47, %dma_wait3A_123] : memref<10240x128xf32, #tpu.memory_space<hbm>> -> memref<320x128xf32, #tpu.memory_space<hbm>>
        %dma_wait3A_125 = arith.constant 0 : i32
        %dma_wait3A_126 = tpu.memref_slice %arg14[%mul3A_117, %dma_wait3A_125] : memref<5248x128xf32, #tpu.memory_space<vmem_shared>> -> memref<320x128xf32, #tpu.memory_space<vmem_shared>>
        tpu.wait_dma2 semaphore(%run_scoped3A_118 : memref<!tpu.dma_semaphore, #tpu.memory_space<semaphore_mem>>) src(%dma_wait3A_126 : memref<320x128xf32, #tpu.memory_space<vmem_shared>>) dst(%dma_wait3A_124 : memref<320x128xf32, #tpu.memory_space<hbm>>)
        tpu.yield
      }) : () -> ()
    } else {
    }
    %barrier3A_58 = arith.constant 0 : index
    tpu.barrier barrier_id(%barrier3A_58)
    "tpu.region"() ({
      %run_scoped3A_116 = tpu.sem_alloc : memref<!tpu.dma_semaphore, #tpu.memory_space<semaphore_mem>>
      %dma_start3A_117 = arith.constant 0 : i32
      %dma_start3A_118 = tpu.memref_slice %arg6[%mul3A_0, %dma_start3A_117] : memref<2560x128xi32, #tpu.memory_space<hbm>> -> memref<160x128xi32, #tpu.memory_space<hbm>>
      %dma_start3A_119 = arith.constant 0 : i32
      %dma_start3A_120 = tpu.memref_slice %arg6[%mul3A_0, %dma_start3A_119] : memref<2560x128xi32, #tpu.memory_space<hbm>> -> memref<160x128xi32, #tpu.memory_space<hbm>>
      tpu.enqueue_dma source(%dma_start3A_120 : memref<160x128xi32, #tpu.memory_space<hbm>>) target(%arg11 : memref<160x128xi32, #tpu.memory_space<vmem>>) target_semaphore(%run_scoped3A_116 : memref<!tpu.dma_semaphore, #tpu.memory_space<semaphore_mem>>)
      %dma_wait3A_121 = arith.constant 0 : i32
      %dma_wait3A_122 = tpu.memref_slice %arg6[%mul3A_0, %dma_wait3A_121] : memref<2560x128xi32, #tpu.memory_space<hbm>> -> memref<160x128xi32, #tpu.memory_space<hbm>>
      %dma_wait3A_123 = arith.constant 0 : i32
      %dma_wait3A_124 = tpu.memref_slice %arg6[%mul3A_0, %dma_wait3A_123] : memref<2560x128xi32, #tpu.memory_space<hbm>> -> memref<160x128xi32, #tpu.memory_space<hbm>>
      tpu.wait_dma2 semaphore(%run_scoped3A_116 : memref<!tpu.dma_semaphore, #tpu.memory_space<semaphore_mem>>) src(%dma_wait3A_124 : memref<160x128xi32, #tpu.memory_space<hbm>>) dst(%arg11 : memref<160x128xi32, #tpu.memory_space<vmem>>)
      tpu.yield
    }) : () -> ()
    %mul3A_59 = arith.constant 320 : i32
    %mul3A_60 = arith.muli %arg1, %mul3A_59 : i32
    %mul3A_61 = arith.constant 320 : i32
    %mul3A_62 = arith.muli %arg1, %mul3A_61 : i32
    "tpu.region"() ({
      %run_scoped3A_116 = tpu.sem_alloc : memref<!tpu.dma_semaphore, #tpu.memory_space<semaphore_mem>>
      %dma_start3A_117 = arith.constant 0 : i32
      %dma_start3A_118 = tpu.memref_slice %arg14[%mul3A_62, %dma_start3A_117] : memref<5248x128xf32, #tpu.memory_space<vmem_shared>> -> memref<320x128xf32, #tpu.memory_space<vmem_shared>>
      %dma_start3A_119 = arith.constant 0 : i32
      %dma_start3A_120 = tpu.memref_slice %arg7[%mul3A_60, %dma_start3A_119] : memref<5120x128xf32, #tpu.memory_space<hbm>> -> memref<320x128xf32, #tpu.memory_space<hbm>>
      tpu.enqueue_dma source(%dma_start3A_120 : memref<320x128xf32, #tpu.memory_space<hbm>>) target(%dma_start3A_118 : memref<320x128xf32, #tpu.memory_space<vmem_shared>>) target_semaphore(%run_scoped3A_116 : memref<!tpu.dma_semaphore, #tpu.memory_space<semaphore_mem>>)
      %dma_wait3A_121 = arith.constant 0 : i32
      %dma_wait3A_122 = tpu.memref_slice %arg14[%mul3A_62, %dma_wait3A_121] : memref<5248x128xf32, #tpu.memory_space<vmem_shared>> -> memref<320x128xf32, #tpu.memory_space<vmem_shared>>
      %dma_wait3A_123 = arith.constant 0 : i32
      %dma_wait3A_124 = tpu.memref_slice %arg7[%mul3A_60, %dma_wait3A_123] : memref<5120x128xf32, #tpu.memory_space<hbm>> -> memref<320x128xf32, #tpu.memory_space<hbm>>
      tpu.wait_dma2 semaphore(%run_scoped3A_116 : memref<!tpu.dma_semaphore, #tpu.memory_space<semaphore_mem>>) src(%dma_wait3A_124 : memref<320x128xf32, #tpu.memory_space<hbm>>) dst(%dma_wait3A_122 : memref<320x128xf32, #tpu.memory_space<vmem_shared>>)
      tpu.yield
    }) : () -> ()
    %barrier3A_63 = arith.constant 0 : index
    tpu.barrier barrier_id(%barrier3A_63)
    %dma_start3A_64 = arith.constant 0 : i32
    %dma_start3A_65 = arith.constant 0 : i32
    %dma_start3A_66 = tpu.memref_slice %arg10[%dma_start3A_64, %dma_start3A_65] : memref<160x128xi32, #tpu.memory_space<vmem>> -> memref<1x128xi32, #tpu.memory_space<vmem>>
    %dma_start3A_67 = tpu.memref_squeeze %dma_start3A_66 : memref<1x128xi32, #tpu.memory_space<vmem>> -> memref<128xi32, #tpu.memory_space<vmem>>
    %dma_start3A_68 = arith.constant 0 : i32
    %dma_start3A_69 = arith.constant 0 : i32
    %dma_start3A_70 = tpu.memref_slice %arg2[%dma_start3A_68, %dma_start3A_69] : memref<20002x128xf32, #tpu.memory_space<hbm>> -> memref<20002x128xf32, #tpu.memory_space<hbm>>
    tpu.enqueue_indirect_dma source(%dma_start3A_70 : memref<20002x128xf32, #tpu.memory_space<hbm>>) target(%arg12 : memref<128x128xf32, #tpu.memory_space<vmem>>) offsets(%dma_start3A_67 : memref<128xi32, #tpu.memory_space<vmem>>) semaphore(%arg15 : memref<!tpu.dma_semaphore, #tpu.memory_space<semaphore_mem>>)
    %dma_start3A_71 = arith.constant 1 : i32
    %dma_start3A_72 = arith.constant 0 : i32
    %dma_start3A_73 = tpu.memref_slice %arg10[%dma_start3A_71, %dma_start3A_72] : memref<160x128xi32, #tpu.memory_space<vmem>> -> memref<1x128xi32, #tpu.memory_space<vmem>>
    %dma_start3A_74 = tpu.memref_squeeze %dma_start3A_73 : memref<1x128xi32, #tpu.memory_space<vmem>> -> memref<128xi32, #tpu.memory_space<vmem>>
    %dma_start3A_75 = arith.constant 0 : i32
    %dma_start3A_76 = arith.constant 0 : i32
    %dma_start3A_77 = tpu.memref_slice %arg2[%dma_start3A_75, %dma_start3A_76] : memref<20002x128xf32, #tpu.memory_space<hbm>> -> memref<20002x128xf32, #tpu.memory_space<hbm>>
    tpu.enqueue_indirect_dma source(%dma_start3A_77 : memref<20002x128xf32, #tpu.memory_space<hbm>>) target(%arg13 : memref<128x128xf32, #tpu.memory_space<vmem>>) offsets(%dma_start3A_74 : memref<128xi32, #tpu.memory_space<vmem>>) semaphore(%arg16 : memref<!tpu.dma_semaphore, #tpu.memory_space<semaphore_mem>>)
    %scan3A_78 = arith.constant 0 : i32
    %scan3A_79 = arith.constant 0 : i32
    %scan3A_80 = arith.constant 79 : i32
    %scan3A_81 = arith.addi %scan3A_79, %scan3A_80 : i32
    %scan3A_82 = arith.constant 1 : i32
    scf.for %scan3A_116 = %scan3A_79 to %scan3A_81 step %scan3A_82  : i32 {
      %mul3A_117 = arith.constant 2 : i32
      %mul3A_118 = arith.muli %scan3A_116, %mul3A_117 : i32
      %add3A_119 = arith.constant 0 : i32
      %add3A_120 = arith.addi %mul3A_118, %add3A_119 : i32
      %dma_wait3A_121 = arith.constant 0 : i32
      %dma_wait3A_122 = tpu.memref_slice %arg10[%add3A_120, %dma_wait3A_121] : memref<160x128xi32, #tpu.memory_space<vmem>> -> memref<1x128xi32, #tpu.memory_space<vmem>>
      %dma_wait3A_123 = tpu.memref_squeeze %dma_wait3A_122 : memref<1x128xi32, #tpu.memory_space<vmem>> -> memref<128xi32, #tpu.memory_space<vmem>>
      %dma_wait3A_124 = arith.constant 0 : i32
      %dma_wait3A_125 = arith.constant 0 : i32
      %dma_wait3A_126 = tpu.memref_slice %arg2[%dma_wait3A_124, %dma_wait3A_125] : memref<20002x128xf32, #tpu.memory_space<hbm>> -> memref<20002x128xf32, #tpu.memory_space<hbm>>
      tpu.wait_indirect_dma semaphore(%arg15 : memref<!tpu.dma_semaphore, #tpu.memory_space<semaphore_mem>>) src(%dma_wait3A_126 : memref<20002x128xf32, #tpu.memory_space<hbm>>) dst(%arg12 : memref<128x128xf32, #tpu.memory_space<vmem>>)
      %dma_start3A_127 = arith.constant 0 : i32
      %dma_start3A_128 = tpu.memref_slice %arg11[%add3A_120, %dma_start3A_127] : memref<160x128xi32, #tpu.memory_space<vmem>> -> memref<1x128xi32, #tpu.memory_space<vmem>>
      %dma_start3A_129 = tpu.memref_squeeze %dma_start3A_128 : memref<1x128xi32, #tpu.memory_space<vmem>> -> memref<128xi32, #tpu.memory_space<vmem>>
      %dma_start3A_130 = arith.constant 0 : i32
      %dma_start3A_131 = arith.constant 0 : i32
      %dma_start3A_132 = tpu.memref_slice %arg14[%dma_start3A_130, %dma_start3A_131] : memref<5248x128xf32, #tpu.memory_space<vmem_shared>> -> memref<5248x128xf32, #tpu.memory_space<vmem_shared>>
      tpu.enqueue_indirect_dma source(%arg12 : memref<128x128xf32, #tpu.memory_space<vmem>>) target(%dma_start3A_132 : memref<5248x128xf32, #tpu.memory_space<vmem_shared>>) offsets(%dma_start3A_129 : memref<128xi32, #tpu.memory_space<vmem>>) semaphore(%arg17 : memref<!tpu.dma_semaphore, #tpu.memory_space<semaphore_mem>>) {add = true}
      %dma_wait3A_133 = arith.constant 0 : i32
      %dma_wait3A_134 = tpu.memref_slice %arg11[%add3A_120, %dma_wait3A_133] : memref<160x128xi32, #tpu.memory_space<vmem>> -> memref<1x128xi32, #tpu.memory_space<vmem>>
      %dma_wait3A_135 = tpu.memref_squeeze %dma_wait3A_134 : memref<1x128xi32, #tpu.memory_space<vmem>> -> memref<128xi32, #tpu.memory_space<vmem>>
      %dma_wait3A_136 = arith.constant 0 : i32
      %dma_wait3A_137 = arith.constant 0 : i32
      %dma_wait3A_138 = tpu.memref_slice %arg14[%dma_wait3A_136, %dma_wait3A_137] : memref<5248x128xf32, #tpu.memory_space<vmem_shared>> -> memref<5248x128xf32, #tpu.memory_space<vmem_shared>>
      tpu.wait_indirect_dma semaphore(%arg17 : memref<!tpu.dma_semaphore, #tpu.memory_space<semaphore_mem>>) src(%arg12 : memref<128x128xf32, #tpu.memory_space<vmem>>) dst(%dma_wait3A_138 : memref<5248x128xf32, #tpu.memory_space<vmem_shared>>)
      %add3A_139 = arith.constant 2 : i32
      %add3A_140 = arith.addi %add3A_120, %add3A_139 : i32
      %dma_start3A_141 = arith.constant 0 : i32
      %dma_start3A_142 = tpu.memref_slice %arg10[%add3A_140, %dma_start3A_141] : memref<160x128xi32, #tpu.memory_space<vmem>> -> memref<1x128xi32, #tpu.memory_space<vmem>>
      %dma_start3A_143 = tpu.memref_squeeze %dma_start3A_142 : memref<1x128xi32, #tpu.memory_space<vmem>> -> memref<128xi32, #tpu.memory_space<vmem>>
      %dma_start3A_144 = arith.constant 0 : i32
      %dma_start3A_145 = arith.constant 0 : i32
      %dma_start3A_146 = tpu.memref_slice %arg2[%dma_start3A_144, %dma_start3A_145] : memref<20002x128xf32, #tpu.memory_space<hbm>> -> memref<20002x128xf32, #tpu.memory_space<hbm>>
      tpu.enqueue_indirect_dma source(%dma_start3A_146 : memref<20002x128xf32, #tpu.memory_space<hbm>>) target(%arg12 : memref<128x128xf32, #tpu.memory_space<vmem>>) offsets(%dma_start3A_143 : memref<128xi32, #tpu.memory_space<vmem>>) semaphore(%arg15 : memref<!tpu.dma_semaphore, #tpu.memory_space<semaphore_mem>>)
      %add3A_147 = arith.constant 1 : i32
      %add3A_148 = arith.addi %mul3A_118, %add3A_147 : i32
      %dma_wait3A_149 = arith.constant 0 : i32
      %dma_wait3A_150 = tpu.memref_slice %arg10[%add3A_148, %dma_wait3A_149] : memref<160x128xi32, #tpu.memory_space<vmem>> -> memref<1x128xi32, #tpu.memory_space<vmem>>
      %dma_wait3A_151 = tpu.memref_squeeze %dma_wait3A_150 : memref<1x128xi32, #tpu.memory_space<vmem>> -> memref<128xi32, #tpu.memory_space<vmem>>
      %dma_wait3A_152 = arith.constant 0 : i32
      %dma_wait3A_153 = arith.constant 0 : i32
      %dma_wait3A_154 = tpu.memref_slice %arg2[%dma_wait3A_152, %dma_wait3A_153] : memref<20002x128xf32, #tpu.memory_space<hbm>> -> memref<20002x128xf32, #tpu.memory_space<hbm>>
      tpu.wait_indirect_dma semaphore(%arg16 : memref<!tpu.dma_semaphore, #tpu.memory_space<semaphore_mem>>) src(%dma_wait3A_154 : memref<20002x128xf32, #tpu.memory_space<hbm>>) dst(%arg13 : memref<128x128xf32, #tpu.memory_space<vmem>>)
      %dma_start3A_155 = arith.constant 0 : i32
      %dma_start3A_156 = tpu.memref_slice %arg11[%add3A_148, %dma_start3A_155] : memref<160x128xi32, #tpu.memory_space<vmem>> -> memref<1x128xi32, #tpu.memory_space<vmem>>
      %dma_start3A_157 = tpu.memref_squeeze %dma_start3A_156 : memref<1x128xi32, #tpu.memory_space<vmem>> -> memref<128xi32, #tpu.memory_space<vmem>>
      %dma_start3A_158 = arith.constant 0 : i32
      %dma_start3A_159 = arith.constant 0 : i32
      %dma_start3A_160 = tpu.memref_slice %arg14[%dma_start3A_158, %dma_start3A_159] : memref<5248x128xf32, #tpu.memory_space<vmem_shared>> -> memref<5248x128xf32, #tpu.memory_space<vmem_shared>>
      tpu.enqueue_indirect_dma source(%arg13 : memref<128x128xf32, #tpu.memory_space<vmem>>) target(%dma_start3A_160 : memref<5248x128xf32, #tpu.memory_space<vmem_shared>>) offsets(%dma_start3A_157 : memref<128xi32, #tpu.memory_space<vmem>>) semaphore(%arg18 : memref<!tpu.dma_semaphore, #tpu.memory_space<semaphore_mem>>) {add = true}
      %dma_wait3A_161 = arith.constant 0 : i32
      %dma_wait3A_162 = tpu.memref_slice %arg11[%add3A_148, %dma_wait3A_161] : memref<160x128xi32, #tpu.memory_space<vmem>> -> memref<1x128xi32, #tpu.memory_space<vmem>>
      %dma_wait3A_163 = tpu.memref_squeeze %dma_wait3A_162 : memref<1x128xi32, #tpu.memory_space<vmem>> -> memref<128xi32, #tpu.memory_space<vmem>>
      %dma_wait3A_164 = arith.constant 0 : i32
      %dma_wait3A_165 = arith.constant 0 : i32
      %dma_wait3A_166 = tpu.memref_slice %arg14[%dma_wait3A_164, %dma_wait3A_165] : memref<5248x128xf32, #tpu.memory_space<vmem_shared>> -> memref<5248x128xf32, #tpu.memory_space<vmem_shared>>
      tpu.wait_indirect_dma semaphore(%arg18 : memref<!tpu.dma_semaphore, #tpu.memory_space<semaphore_mem>>) src(%arg13 : memref<128x128xf32, #tpu.memory_space<vmem>>) dst(%dma_wait3A_166 : memref<5248x128xf32, #tpu.memory_space<vmem_shared>>)
      %add3A_167 = arith.constant 2 : i32
      %add3A_168 = arith.addi %add3A_148, %add3A_167 : i32
      %dma_start3A_169 = arith.constant 0 : i32
      %dma_start3A_170 = tpu.memref_slice %arg10[%add3A_168, %dma_start3A_169] : memref<160x128xi32, #tpu.memory_space<vmem>> -> memref<1x128xi32, #tpu.memory_space<vmem>>
      %dma_start3A_171 = tpu.memref_squeeze %dma_start3A_170 : memref<1x128xi32, #tpu.memory_space<vmem>> -> memref<128xi32, #tpu.memory_space<vmem>>
      %dma_start3A_172 = arith.constant 0 : i32
      %dma_start3A_173 = arith.constant 0 : i32
      %dma_start3A_174 = tpu.memref_slice %arg2[%dma_start3A_172, %dma_start3A_173] : memref<20002x128xf32, #tpu.memory_space<hbm>> -> memref<20002x128xf32, #tpu.memory_space<hbm>>
      tpu.enqueue_indirect_dma source(%dma_start3A_174 : memref<20002x128xf32, #tpu.memory_space<hbm>>) target(%arg13 : memref<128x128xf32, #tpu.memory_space<vmem>>) offsets(%dma_start3A_171 : memref<128xi32, #tpu.memory_space<vmem>>) semaphore(%arg16 : memref<!tpu.dma_semaphore, #tpu.memory_space<semaphore_mem>>)
    }
    %scan3A_83 = arith.constant 79 : i32
    %dma_wait3A_84 = arith.constant 158 : i32
    %dma_wait3A_85 = arith.constant 0 : i32
    %dma_wait3A_86 = tpu.memref_slice %arg10[%dma_wait3A_84, %dma_wait3A_85] : memref<160x128xi32, #tpu.memory_space<vmem>> -> memref<1x128xi32, #tpu.memory_space<vmem>>
    %dma_wait3A_87 = tpu.memref_squeeze %dma_wait3A_86 : memref<1x128xi32, #tpu.memory_space<vmem>> -> memref<128xi32, #tpu.memory_space<vmem>>
    %dma_wait3A_88 = arith.constant 0 : i32
    %dma_wait3A_89 = arith.constant 0 : i32
    %dma_wait3A_90 = tpu.memref_slice %arg2[%dma_wait3A_88, %dma_wait3A_89] : memref<20002x128xf32, #tpu.memory_space<hbm>> -> memref<20002x128xf32, #tpu.memory_space<hbm>>
    tpu.wait_indirect_dma semaphore(%arg15 : memref<!tpu.dma_semaphore, #tpu.memory_space<semaphore_mem>>) src(%dma_wait3A_90 : memref<20002x128xf32, #tpu.memory_space<hbm>>) dst(%arg12 : memref<128x128xf32, #tpu.memory_space<vmem>>)
    %run_scoped3A_91 = arith.constant 158 : i32
    "tpu.region"() ({
      %run_scoped3A_116 = tpu.sem_alloc : memref<!tpu.dma_semaphore, #tpu.memory_space<semaphore_mem>>
      %dma_start3A_117 = arith.constant 0 : i32
      %dma_start3A_118 = tpu.memref_slice %arg11[%run_scoped3A_91, %dma_start3A_117] : memref<160x128xi32, #tpu.memory_space<vmem>> -> memref<1x128xi32, #tpu.memory_space<vmem>>
      %dma_start3A_119 = tpu.memref_squeeze %dma_start3A_118 : memref<1x128xi32, #tpu.memory_space<vmem>> -> memref<128xi32, #tpu.memory_space<vmem>>
      %dma_start3A_120 = arith.constant 0 : i32
      %dma_start3A_121 = arith.constant 0 : i32
      %dma_start3A_122 = tpu.memref_slice %arg14[%dma_start3A_120, %dma_start3A_121] : memref<5248x128xf32, #tpu.memory_space<vmem_shared>> -> memref<5248x128xf32, #tpu.memory_space<vmem_shared>>
      tpu.enqueue_indirect_dma source(%arg12 : memref<128x128xf32, #tpu.memory_space<vmem>>) target(%dma_start3A_122 : memref<5248x128xf32, #tpu.memory_space<vmem_shared>>) offsets(%dma_start3A_119 : memref<128xi32, #tpu.memory_space<vmem>>) semaphore(%run_scoped3A_116 : memref<!tpu.dma_semaphore, #tpu.memory_space<semaphore_mem>>) {add = true}
      %dma_wait3A_123 = arith.constant 0 : i32
      %dma_wait3A_124 = tpu.memref_slice %arg11[%run_scoped3A_91, %dma_wait3A_123] : memref<160x128xi32, #tpu.memory_space<vmem>> -> memref<1x128xi32, #tpu.memory_space<vmem>>
      %dma_wait3A_125 = tpu.memref_squeeze %dma_wait3A_124 : memref<1x128xi32, #tpu.memory_space<vmem>> -> memref<128xi32, #tpu.memory_space<vmem>>
      %dma_wait3A_126 = arith.constant 0 : i32
      %dma_wait3A_127 = arith.constant 0 : i32
      %dma_wait3A_128 = tpu.memref_slice %arg14[%dma_wait3A_126, %dma_wait3A_127] : memref<5248x128xf32, #tpu.memory_space<vmem_shared>> -> memref<5248x128xf32, #tpu.memory_space<vmem_shared>>
      tpu.wait_indirect_dma semaphore(%run_scoped3A_116 : memref<!tpu.dma_semaphore, #tpu.memory_space<semaphore_mem>>) src(%arg12 : memref<128x128xf32, #tpu.memory_space<vmem>>) dst(%dma_wait3A_128 : memref<5248x128xf32, #tpu.memory_space<vmem_shared>>)
      tpu.yield
    }) : () -> ()
    %dma_wait3A_92 = arith.constant 159 : i32
    %dma_wait3A_93 = arith.constant 0 : i32
    %dma_wait3A_94 = tpu.memref_slice %arg10[%dma_wait3A_92, %dma_wait3A_93] : memref<160x128xi32, #tpu.memory_space<vmem>> -> memref<1x128xi32, #tpu.memory_space<vmem>>
    %dma_wait3A_95 = tpu.memref_squeeze %dma_wait3A_94 : memref<1x128xi32, #tpu.memory_space<vmem>> -> memref<128xi32, #tpu.memory_space<vmem>>
    %dma_wait3A_96 = arith.constant 0 : i32
    %dma_wait3A_97 = arith.constant 0 : i32
    %dma_wait3A_98 = tpu.memref_slice %arg2[%dma_wait3A_96, %dma_wait3A_97] : memref<20002x128xf32, #tpu.memory_space<hbm>> -> memref<20002x128xf32, #tpu.memory_space<hbm>>
    tpu.wait_indirect_dma semaphore(%arg16 : memref<!tpu.dma_semaphore, #tpu.memory_space<semaphore_mem>>) src(%dma_wait3A_98 : memref<20002x128xf32, #tpu.memory_space<hbm>>) dst(%arg13 : memref<128x128xf32, #tpu.memory_space<vmem>>)
    %run_scoped3A_99 = arith.constant 159 : i32
    "tpu.region"() ({
      %run_scoped3A_116 = tpu.sem_alloc : memref<!tpu.dma_semaphore, #tpu.memory_space<semaphore_mem>>
      %dma_start3A_117 = arith.constant 0 : i32
      %dma_start3A_118 = tpu.memref_slice %arg11[%run_scoped3A_99, %dma_start3A_117] : memref<160x128xi32, #tpu.memory_space<vmem>> -> memref<1x128xi32, #tpu.memory_space<vmem>>
      %dma_start3A_119 = tpu.memref_squeeze %dma_start3A_118 : memref<1x128xi32, #tpu.memory_space<vmem>> -> memref<128xi32, #tpu.memory_space<vmem>>
      %dma_start3A_120 = arith.constant 0 : i32
      %dma_start3A_121 = arith.constant 0 : i32
      %dma_start3A_122 = tpu.memref_slice %arg14[%dma_start3A_120, %dma_start3A_121] : memref<5248x128xf32, #tpu.memory_space<vmem_shared>> -> memref<5248x128xf32, #tpu.memory_space<vmem_shared>>
      tpu.enqueue_indirect_dma source(%arg13 : memref<128x128xf32, #tpu.memory_space<vmem>>) target(%dma_start3A_122 : memref<5248x128xf32, #tpu.memory_space<vmem_shared>>) offsets(%dma_start3A_119 : memref<128xi32, #tpu.memory_space<vmem>>) semaphore(%run_scoped3A_116 : memref<!tpu.dma_semaphore, #tpu.memory_space<semaphore_mem>>) {add = true}
      %dma_wait3A_123 = arith.constant 0 : i32
      %dma_wait3A_124 = tpu.memref_slice %arg11[%run_scoped3A_99, %dma_wait3A_123] : memref<160x128xi32, #tpu.memory_space<vmem>> -> memref<1x128xi32, #tpu.memory_space<vmem>>
      %dma_wait3A_125 = tpu.memref_squeeze %dma_wait3A_124 : memref<1x128xi32, #tpu.memory_space<vmem>> -> memref<128xi32, #tpu.memory_space<vmem>>
      %dma_wait3A_126 = arith.constant 0 : i32
      %dma_wait3A_127 = arith.constant 0 : i32
      %dma_wait3A_128 = tpu.memref_slice %arg14[%dma_wait3A_126, %dma_wait3A_127] : memref<5248x128xf32, #tpu.memory_space<vmem_shared>> -> memref<5248x128xf32, #tpu.memory_space<vmem_shared>>
      tpu.wait_indirect_dma semaphore(%run_scoped3A_116 : memref<!tpu.dma_semaphore, #tpu.memory_space<semaphore_mem>>) src(%arg13 : memref<128x128xf32, #tpu.memory_space<vmem>>) dst(%dma_wait3A_128 : memref<5248x128xf32, #tpu.memory_space<vmem_shared>>)
      tpu.yield
    }) : () -> ()
    %barrier3A_100 = arith.constant 0 : index
    tpu.barrier barrier_id(%barrier3A_100)
    %mul3A_101 = arith.constant 320 : i32
    %mul3A_102 = arith.muli %arg1, %mul3A_101 : i32
    %add3A_103 = arith.constant 5120 : i32
    %add3A_104 = arith.addi %add3A_103, %mul3A_102 : i32
    %eq3A_105 = arith.constant 0 : i32
    %eq3A_106 = arith.cmpi eq, %arg0, %eq3A_105 : i32
    %convert_element_type3A_107 = arith.extui %eq3A_106 : i1 to i32
    %cond3A_108 = arith.constant 0 : i32
    %cond3A_109 = arith.cmpi ne, %convert_element_type3A_107, %cond3A_108 : i32
    scf.if %cond3A_109 {
      %mul3A_116 = arith.constant 320 : i32
      %mul3A_117 = arith.muli %arg1, %mul3A_116 : i32
      "tpu.region"() ({
        %run_scoped3A_118 = tpu.sem_alloc : memref<!tpu.dma_semaphore, #tpu.memory_space<semaphore_mem>>
        %dma_start3A_119 = arith.constant 0 : i32
        %dma_start3A_120 = tpu.memref_slice %arg8[%add3A_104, %dma_start3A_119] : memref<10240x128xf32, #tpu.memory_space<hbm>> -> memref<320x128xf32, #tpu.memory_space<hbm>>
        %dma_start3A_121 = arith.constant 0 : i32
        %dma_start3A_122 = tpu.memref_slice %arg14[%mul3A_117, %dma_start3A_121] : memref<5248x128xf32, #tpu.memory_space<vmem_shared>> -> memref<320x128xf32, #tpu.memory_space<vmem_shared>>
        tpu.enqueue_dma source(%dma_start3A_122 : memref<320x128xf32, #tpu.memory_space<vmem_shared>>) target(%dma_start3A_120 : memref<320x128xf32, #tpu.memory_space<hbm>>) target_semaphore(%run_scoped3A_118 : memref<!tpu.dma_semaphore, #tpu.memory_space<semaphore_mem>>)
        %dma_wait3A_123 = arith.constant 0 : i32
        %dma_wait3A_124 = tpu.memref_slice %arg8[%add3A_104, %dma_wait3A_123] : memref<10240x128xf32, #tpu.memory_space<hbm>> -> memref<320x128xf32, #tpu.memory_space<hbm>>
        %dma_wait3A_125 = arith.constant 0 : i32
        %dma_wait3A_126 = tpu.memref_slice %arg14[%mul3A_117, %dma_wait3A_125] : memref<5248x128xf32, #tpu.memory_space<vmem_shared>> -> memref<320x128xf32, #tpu.memory_space<vmem_shared>>
        tpu.wait_dma2 semaphore(%run_scoped3A_118 : memref<!tpu.dma_semaphore, #tpu.memory_space<semaphore_mem>>) src(%dma_wait3A_126 : memref<320x128xf32, #tpu.memory_space<vmem_shared>>) dst(%dma_wait3A_124 : memref<320x128xf32, #tpu.memory_space<hbm>>)
        tpu.yield
      }) : () -> ()
    } else {
    }
    %eq3A_110 = arith.constant 1 : i32
    %eq3A_111 = arith.cmpi eq, %arg0, %eq3A_110 : i32
    %convert_element_type3A_112 = arith.extui %eq3A_111 : i1 to i32
    %cond3A_113 = arith.constant 0 : i32
    %cond3A_114 = arith.cmpi ne, %convert_element_type3A_112, %cond3A_113 : i32
    scf.if %cond3A_114 {
      %mul3A_116 = arith.constant 320 : i32
      %mul3A_117 = arith.muli %arg1, %mul3A_116 : i32
      "tpu.region"() ({
        %run_scoped3A_118 = tpu.sem_alloc : memref<!tpu.dma_semaphore, #tpu.memory_space<semaphore_mem>>
        %dma_start3A_119 = arith.constant 0 : i32
        %dma_start3A_120 = tpu.memref_slice %arg9[%add3A_104, %dma_start3A_119] : memref<10240x128xf32, #tpu.memory_space<hbm>> -> memref<320x128xf32, #tpu.memory_space<hbm>>
        %dma_start3A_121 = arith.constant 0 : i32
        %dma_start3A_122 = tpu.memref_slice %arg14[%mul3A_117, %dma_start3A_121] : memref<5248x128xf32, #tpu.memory_space<vmem_shared>> -> memref<320x128xf32, #tpu.memory_space<vmem_shared>>
        tpu.enqueue_dma source(%dma_start3A_122 : memref<320x128xf32, #tpu.memory_space<vmem_shared>>) target(%dma_start3A_120 : memref<320x128xf32, #tpu.memory_space<hbm>>) target_semaphore(%run_scoped3A_118 : memref<!tpu.dma_semaphore, #tpu.memory_space<semaphore_mem>>)
        %dma_wait3A_123 = arith.constant 0 : i32
        %dma_wait3A_124 = tpu.memref_slice %arg9[%add3A_104, %dma_wait3A_123] : memref<10240x128xf32, #tpu.memory_space<hbm>> -> memref<320x128xf32, #tpu.memory_space<hbm>>
        %dma_wait3A_125 = arith.constant 0 : i32
        %dma_wait3A_126 = tpu.memref_slice %arg14[%mul3A_117, %dma_wait3A_125] : memref<5248x128xf32, #tpu.memory_space<vmem_shared>> -> memref<320x128xf32, #tpu.memory_space<vmem_shared>>
        tpu.wait_dma2 semaphore(%run_scoped3A_118 : memref<!tpu.dma_semaphore, #tpu.memory_space<semaphore_mem>>) src(%dma_wait3A_126 : memref<320x128xf32, #tpu.memory_space<vmem_shared>>) dst(%dma_wait3A_124 : memref<320x128xf32, #tpu.memory_space<hbm>>)
        tpu.yield
      }) : () -> ()
    } else {
    }
    %barrier3A_115 = arith.constant 0 : index
    tpu.barrier barrier_id(%barrier3A_115)
    return
  }
}

#map = affine_map<(d0, d1) -> (0, 0)>
module attributes {stable_mosaic.version = 14 : i64} {
  func.func @_deg_body(%arg0: i32, %arg1: i32, %arg2: memref<2560x128xi32, #tpu.memory_space<hbm>>, %arg3: memref<2560x128xi32, #tpu.memory_space<hbm>>, %arg4: memref<128x128xf32, #tpu.memory_space<hbm>>, %arg5: memref<5120x128xf32, #tpu.memory_space<hbm>>, %arg6: memref<10240x128xf32, #tpu.memory_space<hbm>>, %arg7: memref<10240x128xf32, #tpu.memory_space<hbm>>, %arg8: memref<80x128xi32, #tpu.memory_space<vmem>>, %arg9: memref<80x128xi32, #tpu.memory_space<vmem>>, %arg10: memref<128x128xf32, #tpu.memory_space<vmem>>, %arg11: memref<5248x128xf32, #tpu.memory_space<vmem_shared>>) attributes {dimension_semantics = [#tpu.dimension_semantics<core_parallel>, #tpu.dimension_semantics<subcore_parallel>], iteration_bounds = array<i64: 2, 16>, scalar_prefetch = 0 : i64, scratch_operands = 4 : i64, tpu.core_type = #tpu.core_type<sc_vector_subcore>, window_params = [{transform_indices = #map}, {transform_indices = #map}, {transform_indices = #map}, {transform_indices = #map}, {transform_indices = #map}, {transform_indices = #map}]} {
    %mul3A = arith.constant 1280 : i32
    %mul3A_0 = arith.muli %arg0, %mul3A : i32
    %mul3A_1 = arith.constant 80 : i32
    %mul3A_2 = arith.muli %arg1, %mul3A_1 : i32
    %add3A = arith.addi %mul3A_0, %mul3A_2 : i32
    "tpu.region"() ({
      %run_scoped3A = tpu.sem_alloc : memref<!tpu.dma_semaphore, #tpu.memory_space<semaphore_mem>>
      %dma_start3A = arith.constant 0 : i32
      %dma_start3A_52 = tpu.memref_slice %arg2[%add3A, %dma_start3A] : memref<2560x128xi32, #tpu.memory_space<hbm>> -> memref<80x128xi32, #tpu.memory_space<hbm>>
      %dma_start3A_53 = arith.constant 0 : i32
      %dma_start3A_54 = tpu.memref_slice %arg2[%add3A, %dma_start3A_53] : memref<2560x128xi32, #tpu.memory_space<hbm>> -> memref<80x128xi32, #tpu.memory_space<hbm>>
      tpu.enqueue_dma source(%dma_start3A_54 : memref<80x128xi32, #tpu.memory_space<hbm>>) target(%arg8 : memref<80x128xi32, #tpu.memory_space<vmem>>) target_semaphore(%run_scoped3A : memref<!tpu.dma_semaphore, #tpu.memory_space<semaphore_mem>>)
      %dma_wait3A = arith.constant 0 : i32
      %dma_wait3A_55 = tpu.memref_slice %arg2[%add3A, %dma_wait3A] : memref<2560x128xi32, #tpu.memory_space<hbm>> -> memref<80x128xi32, #tpu.memory_space<hbm>>
      %dma_wait3A_56 = arith.constant 0 : i32
      %dma_wait3A_57 = tpu.memref_slice %arg2[%add3A, %dma_wait3A_56] : memref<2560x128xi32, #tpu.memory_space<hbm>> -> memref<80x128xi32, #tpu.memory_space<hbm>>
      tpu.wait_dma2 semaphore(%run_scoped3A : memref<!tpu.dma_semaphore, #tpu.memory_space<semaphore_mem>>) src(%dma_wait3A_57 : memref<80x128xi32, #tpu.memory_space<hbm>>) dst(%arg8 : memref<80x128xi32, #tpu.memory_space<vmem>>)
      tpu.yield
    }) : () -> ()
    "tpu.region"() ({
      %run_scoped3A = tpu.sem_alloc : memref<!tpu.dma_semaphore, #tpu.memory_space<semaphore_mem>>
      %dma_start3A = arith.constant 0 : i32
      %dma_start3A_52 = tpu.memref_slice %arg3[%add3A, %dma_start3A] : memref<2560x128xi32, #tpu.memory_space<hbm>> -> memref<80x128xi32, #tpu.memory_space<hbm>>
      %dma_start3A_53 = arith.constant 0 : i32
      %dma_start3A_54 = tpu.memref_slice %arg3[%add3A, %dma_start3A_53] : memref<2560x128xi32, #tpu.memory_space<hbm>> -> memref<80x128xi32, #tpu.memory_space<hbm>>
      tpu.enqueue_dma source(%dma_start3A_54 : memref<80x128xi32, #tpu.memory_space<hbm>>) target(%arg9 : memref<80x128xi32, #tpu.memory_space<vmem>>) target_semaphore(%run_scoped3A : memref<!tpu.dma_semaphore, #tpu.memory_space<semaphore_mem>>)
      %dma_wait3A = arith.constant 0 : i32
      %dma_wait3A_55 = tpu.memref_slice %arg3[%add3A, %dma_wait3A] : memref<2560x128xi32, #tpu.memory_space<hbm>> -> memref<80x128xi32, #tpu.memory_space<hbm>>
      %dma_wait3A_56 = arith.constant 0 : i32
      %dma_wait3A_57 = tpu.memref_slice %arg3[%add3A, %dma_wait3A_56] : memref<2560x128xi32, #tpu.memory_space<hbm>> -> memref<80x128xi32, #tpu.memory_space<hbm>>
      tpu.wait_dma2 semaphore(%run_scoped3A : memref<!tpu.dma_semaphore, #tpu.memory_space<semaphore_mem>>) src(%dma_wait3A_57 : memref<80x128xi32, #tpu.memory_space<hbm>>) dst(%arg9 : memref<80x128xi32, #tpu.memory_space<vmem>>)
      tpu.yield
    }) : () -> ()
    "tpu.region"() ({
      %run_scoped3A = tpu.sem_alloc : memref<!tpu.dma_semaphore, #tpu.memory_space<semaphore_mem>>
      tpu.enqueue_dma source(%arg4 : memref<128x128xf32, #tpu.memory_space<hbm>>) target(%arg10 : memref<128x128xf32, #tpu.memory_space<vmem>>) target_semaphore(%run_scoped3A : memref<!tpu.dma_semaphore, #tpu.memory_space<semaphore_mem>>)
      tpu.wait_dma2 semaphore(%run_scoped3A : memref<!tpu.dma_semaphore, #tpu.memory_space<semaphore_mem>>) src(%arg4 : memref<128x128xf32, #tpu.memory_space<hbm>>) dst(%arg10 : memref<128x128xf32, #tpu.memory_space<vmem>>)
      tpu.yield
    }) : () -> ()
    %mul3A_3 = arith.constant 320 : i32
    %mul3A_4 = arith.muli %arg1, %mul3A_3 : i32
    %mul3A_5 = arith.constant 320 : i32
    %mul3A_6 = arith.muli %arg1, %mul3A_5 : i32
    "tpu.region"() ({
      %run_scoped3A = tpu.sem_alloc : memref<!tpu.dma_semaphore, #tpu.memory_space<semaphore_mem>>
      %dma_start3A = arith.constant 0 : i32
      %dma_start3A_52 = tpu.memref_slice %arg11[%mul3A_6, %dma_start3A] : memref<5248x128xf32, #tpu.memory_space<vmem_shared>> -> memref<320x128xf32, #tpu.memory_space<vmem_shared>>
      %dma_start3A_53 = arith.constant 0 : i32
      %dma_start3A_54 = tpu.memref_slice %arg5[%mul3A_4, %dma_start3A_53] : memref<5120x128xf32, #tpu.memory_space<hbm>> -> memref<320x128xf32, #tpu.memory_space<hbm>>
      tpu.enqueue_dma source(%dma_start3A_54 : memref<320x128xf32, #tpu.memory_space<hbm>>) target(%dma_start3A_52 : memref<320x128xf32, #tpu.memory_space<vmem_shared>>) target_semaphore(%run_scoped3A : memref<!tpu.dma_semaphore, #tpu.memory_space<semaphore_mem>>)
      %dma_wait3A = arith.constant 0 : i32
      %dma_wait3A_55 = tpu.memref_slice %arg11[%mul3A_6, %dma_wait3A] : memref<5248x128xf32, #tpu.memory_space<vmem_shared>> -> memref<320x128xf32, #tpu.memory_space<vmem_shared>>
      %dma_wait3A_56 = arith.constant 0 : i32
      %dma_wait3A_57 = tpu.memref_slice %arg5[%mul3A_4, %dma_wait3A_56] : memref<5120x128xf32, #tpu.memory_space<hbm>> -> memref<320x128xf32, #tpu.memory_space<hbm>>
      tpu.wait_dma2 semaphore(%run_scoped3A : memref<!tpu.dma_semaphore, #tpu.memory_space<semaphore_mem>>) src(%dma_wait3A_57 : memref<320x128xf32, #tpu.memory_space<hbm>>) dst(%dma_wait3A_55 : memref<320x128xf32, #tpu.memory_space<vmem_shared>>)
      tpu.yield
    }) : () -> ()
    %barrier3A = arith.constant 0 : index
    tpu.barrier barrier_id(%barrier3A)
    %scan3A = arith.constant 0 : i32
    %scan3A_7 = arith.constant 0 : i32
    %scan3A_8 = arith.constant 80 : i32
    %scan3A_9 = arith.addi %scan3A_7, %scan3A_8 : i32
    %scan3A_10 = arith.constant 1 : i32
    scf.for %scan3A_52 = %scan3A_7 to %scan3A_9 step %scan3A_10  : i32 {
      "tpu.region"() ({
        %run_scoped3A = tpu.sem_alloc : memref<!tpu.dma_semaphore, #tpu.memory_space<semaphore_mem>>
        %dma_start3A = arith.constant 0 : i32
        %dma_start3A_53 = tpu.memref_slice %arg8[%scan3A_52, %dma_start3A] : memref<80x128xi32, #tpu.memory_space<vmem>> -> memref<1x128xi32, #tpu.memory_space<vmem>>
        %dma_start3A_54 = tpu.memref_squeeze %dma_start3A_53 : memref<1x128xi32, #tpu.memory_space<vmem>> -> memref<128xi32, #tpu.memory_space<vmem>>
        %dma_start3A_55 = arith.constant 0 : i32
        %dma_start3A_56 = arith.constant 0 : i32
        %dma_start3A_57 = tpu.memref_slice %arg11[%dma_start3A_55, %dma_start3A_56] : memref<5248x128xf32, #tpu.memory_space<vmem_shared>> -> memref<5248x128xf32, #tpu.memory_space<vmem_shared>>
        tpu.enqueue_indirect_dma source(%arg10 : memref<128x128xf32, #tpu.memory_space<vmem>>) target(%dma_start3A_57 : memref<5248x128xf32, #tpu.memory_space<vmem_shared>>) offsets(%dma_start3A_54 : memref<128xi32, #tpu.memory_space<vmem>>) semaphore(%run_scoped3A : memref<!tpu.dma_semaphore, #tpu.memory_space<semaphore_mem>>) {add = true}
        %dma_wait3A = arith.constant 0 : i32
        %dma_wait3A_58 = tpu.memref_slice %arg8[%scan3A_52, %dma_wait3A] : memref<80x128xi32, #tpu.memory_space<vmem>> -> memref<1x128xi32, #tpu.memory_space<vmem>>
        %dma_wait3A_59 = tpu.memref_squeeze %dma_wait3A_58 : memref<1x128xi32, #tpu.memory_space<vmem>> -> memref<128xi32, #tpu.memory_space<vmem>>
        %dma_wait3A_60 = arith.constant 0 : i32
        %dma_wait3A_61 = arith.constant 0 : i32
        %dma_wait3A_62 = tpu.memref_slice %arg11[%dma_wait3A_60, %dma_wait3A_61] : memref<5248x128xf32, #tpu.memory_space<vmem_shared>> -> memref<5248x128xf32, #tpu.memory_space<vmem_shared>>
        tpu.wait_indirect_dma semaphore(%run_scoped3A : memref<!tpu.dma_semaphore, #tpu.memory_space<semaphore_mem>>) src(%arg10 : memref<128x128xf32, #tpu.memory_space<vmem>>) dst(%dma_wait3A_62 : memref<5248x128xf32, #tpu.memory_space<vmem_shared>>)
        tpu.yield
      }) : () -> ()
    }
    %scan3A_11 = arith.constant 80 : i32
    %barrier3A_12 = arith.constant 0 : index
    tpu.barrier barrier_id(%barrier3A_12)
    %mul3A_13 = arith.constant 320 : i32
    %mul3A_14 = arith.muli %arg1, %mul3A_13 : i32
    %add3A_15 = arith.constant 0 : i32
    %add3A_16 = arith.addi %add3A_15, %mul3A_14 : i32
    %eq3A = arith.constant 0 : i32
    %eq3A_17 = arith.cmpi eq, %arg0, %eq3A : i32
    %convert_element_type3A = arith.extui %eq3A_17 : i1 to i32
    %cond3A = arith.constant 0 : i32
    %cond3A_18 = arith.cmpi ne, %convert_element_type3A, %cond3A : i32
    scf.if %cond3A_18 {
      %mul3A_52 = arith.constant 320 : i32
      %mul3A_53 = arith.muli %arg1, %mul3A_52 : i32
      "tpu.region"() ({
        %run_scoped3A = tpu.sem_alloc : memref<!tpu.dma_semaphore, #tpu.memory_space<semaphore_mem>>
        %dma_start3A = arith.constant 0 : i32
        %dma_start3A_54 = tpu.memref_slice %arg6[%add3A_16, %dma_start3A] : memref<10240x128xf32, #tpu.memory_space<hbm>> -> memref<320x128xf32, #tpu.memory_space<hbm>>
        %dma_start3A_55 = arith.constant 0 : i32
        %dma_start3A_56 = tpu.memref_slice %arg11[%mul3A_53, %dma_start3A_55] : memref<5248x128xf32, #tpu.memory_space<vmem_shared>> -> memref<320x128xf32, #tpu.memory_space<vmem_shared>>
        tpu.enqueue_dma source(%dma_start3A_56 : memref<320x128xf32, #tpu.memory_space<vmem_shared>>) target(%dma_start3A_54 : memref<320x128xf32, #tpu.memory_space<hbm>>) target_semaphore(%run_scoped3A : memref<!tpu.dma_semaphore, #tpu.memory_space<semaphore_mem>>)
        %dma_wait3A = arith.constant 0 : i32
        %dma_wait3A_57 = tpu.memref_slice %arg6[%add3A_16, %dma_wait3A] : memref<10240x128xf32, #tpu.memory_space<hbm>> -> memref<320x128xf32, #tpu.memory_space<hbm>>
        %dma_wait3A_58 = arith.constant 0 : i32
        %dma_wait3A_59 = tpu.memref_slice %arg11[%mul3A_53, %dma_wait3A_58] : memref<5248x128xf32, #tpu.memory_space<vmem_shared>> -> memref<320x128xf32, #tpu.memory_space<vmem_shared>>
        tpu.wait_dma2 semaphore(%run_scoped3A : memref<!tpu.dma_semaphore, #tpu.memory_space<semaphore_mem>>) src(%dma_wait3A_59 : memref<320x128xf32, #tpu.memory_space<vmem_shared>>) dst(%dma_wait3A_57 : memref<320x128xf32, #tpu.memory_space<hbm>>)
        tpu.yield
      }) : () -> ()
    } else {
    }
    %eq3A_19 = arith.constant 1 : i32
    %eq3A_20 = arith.cmpi eq, %arg0, %eq3A_19 : i32
    %convert_element_type3A_21 = arith.extui %eq3A_20 : i1 to i32
    %cond3A_22 = arith.constant 0 : i32
    %cond3A_23 = arith.cmpi ne, %convert_element_type3A_21, %cond3A_22 : i32
    scf.if %cond3A_23 {
      %mul3A_52 = arith.constant 320 : i32
      %mul3A_53 = arith.muli %arg1, %mul3A_52 : i32
      "tpu.region"() ({
        %run_scoped3A = tpu.sem_alloc : memref<!tpu.dma_semaphore, #tpu.memory_space<semaphore_mem>>
        %dma_start3A = arith.constant 0 : i32
        %dma_start3A_54 = tpu.memref_slice %arg7[%add3A_16, %dma_start3A] : memref<10240x128xf32, #tpu.memory_space<hbm>> -> memref<320x128xf32, #tpu.memory_space<hbm>>
        %dma_start3A_55 = arith.constant 0 : i32
        %dma_start3A_56 = tpu.memref_slice %arg11[%mul3A_53, %dma_start3A_55] : memref<5248x128xf32, #tpu.memory_space<vmem_shared>> -> memref<320x128xf32, #tpu.memory_space<vmem_shared>>
        tpu.enqueue_dma source(%dma_start3A_56 : memref<320x128xf32, #tpu.memory_space<vmem_shared>>) target(%dma_start3A_54 : memref<320x128xf32, #tpu.memory_space<hbm>>) target_semaphore(%run_scoped3A : memref<!tpu.dma_semaphore, #tpu.memory_space<semaphore_mem>>)
        %dma_wait3A = arith.constant 0 : i32
        %dma_wait3A_57 = tpu.memref_slice %arg7[%add3A_16, %dma_wait3A] : memref<10240x128xf32, #tpu.memory_space<hbm>> -> memref<320x128xf32, #tpu.memory_space<hbm>>
        %dma_wait3A_58 = arith.constant 0 : i32
        %dma_wait3A_59 = tpu.memref_slice %arg11[%mul3A_53, %dma_wait3A_58] : memref<5248x128xf32, #tpu.memory_space<vmem_shared>> -> memref<320x128xf32, #tpu.memory_space<vmem_shared>>
        tpu.wait_dma2 semaphore(%run_scoped3A : memref<!tpu.dma_semaphore, #tpu.memory_space<semaphore_mem>>) src(%dma_wait3A_59 : memref<320x128xf32, #tpu.memory_space<vmem_shared>>) dst(%dma_wait3A_57 : memref<320x128xf32, #tpu.memory_space<hbm>>)
        tpu.yield
      }) : () -> ()
    } else {
    }
    %barrier3A_24 = arith.constant 0 : index
    tpu.barrier barrier_id(%barrier3A_24)
    %mul3A_25 = arith.constant 320 : i32
    %mul3A_26 = arith.muli %arg1, %mul3A_25 : i32
    %mul3A_27 = arith.constant 320 : i32
    %mul3A_28 = arith.muli %arg1, %mul3A_27 : i32
    "tpu.region"() ({
      %run_scoped3A = tpu.sem_alloc : memref<!tpu.dma_semaphore, #tpu.memory_space<semaphore_mem>>
      %dma_start3A = arith.constant 0 : i32
      %dma_start3A_52 = tpu.memref_slice %arg11[%mul3A_28, %dma_start3A] : memref<5248x128xf32, #tpu.memory_space<vmem_shared>> -> memref<320x128xf32, #tpu.memory_space<vmem_shared>>
      %dma_start3A_53 = arith.constant 0 : i32
      %dma_start3A_54 = tpu.memref_slice %arg5[%mul3A_26, %dma_start3A_53] : memref<5120x128xf32, #tpu.memory_space<hbm>> -> memref<320x128xf32, #tpu.memory_space<hbm>>
      tpu.enqueue_dma source(%dma_start3A_54 : memref<320x128xf32, #tpu.memory_space<hbm>>) target(%dma_start3A_52 : memref<320x128xf32, #tpu.memory_space<vmem_shared>>) target_semaphore(%run_scoped3A : memref<!tpu.dma_semaphore, #tpu.memory_space<semaphore_mem>>)
      %dma_wait3A = arith.constant 0 : i32
      %dma_wait3A_55 = tpu.memref_slice %arg11[%mul3A_28, %dma_wait3A] : memref<5248x128xf32, #tpu.memory_space<vmem_shared>> -> memref<320x128xf32, #tpu.memory_space<vmem_shared>>
      %dma_wait3A_56 = arith.constant 0 : i32
      %dma_wait3A_57 = tpu.memref_slice %arg5[%mul3A_26, %dma_wait3A_56] : memref<5120x128xf32, #tpu.memory_space<hbm>> -> memref<320x128xf32, #tpu.memory_space<hbm>>
      tpu.wait_dma2 semaphore(%run_scoped3A : memref<!tpu.dma_semaphore, #tpu.memory_space<semaphore_mem>>) src(%dma_wait3A_57 : memref<320x128xf32, #tpu.memory_space<hbm>>) dst(%dma_wait3A_55 : memref<320x128xf32, #tpu.memory_space<vmem_shared>>)
      tpu.yield
    }) : () -> ()
    %barrier3A_29 = arith.constant 0 : index
    tpu.barrier barrier_id(%barrier3A_29)
    %scan3A_30 = arith.constant 0 : i32
    %scan3A_31 = arith.constant 0 : i32
    %scan3A_32 = arith.constant 80 : i32
    %scan3A_33 = arith.addi %scan3A_31, %scan3A_32 : i32
    %scan3A_34 = arith.constant 1 : i32
    scf.for %scan3A_52 = %scan3A_31 to %scan3A_33 step %scan3A_34  : i32 {
      "tpu.region"() ({
        %run_scoped3A = tpu.sem_alloc : memref<!tpu.dma_semaphore, #tpu.memory_space<semaphore_mem>>
        %dma_start3A = arith.constant 0 : i32
        %dma_start3A_53 = tpu.memref_slice %arg9[%scan3A_52, %dma_start3A] : memref<80x128xi32, #tpu.memory_space<vmem>> -> memref<1x128xi32, #tpu.memory_space<vmem>>
        %dma_start3A_54 = tpu.memref_squeeze %dma_start3A_53 : memref<1x128xi32, #tpu.memory_space<vmem>> -> memref<128xi32, #tpu.memory_space<vmem>>
        %dma_start3A_55 = arith.constant 0 : i32
        %dma_start3A_56 = arith.constant 0 : i32
        %dma_start3A_57 = tpu.memref_slice %arg11[%dma_start3A_55, %dma_start3A_56] : memref<5248x128xf32, #tpu.memory_space<vmem_shared>> -> memref<5248x128xf32, #tpu.memory_space<vmem_shared>>
        tpu.enqueue_indirect_dma source(%arg10 : memref<128x128xf32, #tpu.memory_space<vmem>>) target(%dma_start3A_57 : memref<5248x128xf32, #tpu.memory_space<vmem_shared>>) offsets(%dma_start3A_54 : memref<128xi32, #tpu.memory_space<vmem>>) semaphore(%run_scoped3A : memref<!tpu.dma_semaphore, #tpu.memory_space<semaphore_mem>>) {add = true}
        %dma_wait3A = arith.constant 0 : i32
        %dma_wait3A_58 = tpu.memref_slice %arg9[%scan3A_52, %dma_wait3A] : memref<80x128xi32, #tpu.memory_space<vmem>> -> memref<1x128xi32, #tpu.memory_space<vmem>>
        %dma_wait3A_59 = tpu.memref_squeeze %dma_wait3A_58 : memref<1x128xi32, #tpu.memory_space<vmem>> -> memref<128xi32, #tpu.memory_space<vmem>>
        %dma_wait3A_60 = arith.constant 0 : i32
        %dma_wait3A_61 = arith.constant 0 : i32
        %dma_wait3A_62 = tpu.memref_slice %arg11[%dma_wait3A_60, %dma_wait3A_61] : memref<5248x128xf32, #tpu.memory_space<vmem_shared>> -> memref<5248x128xf32, #tpu.memory_space<vmem_shared>>
        tpu.wait_indirect_dma semaphore(%run_scoped3A : memref<!tpu.dma_semaphore, #tpu.memory_space<semaphore_mem>>) src(%arg10 : memref<128x128xf32, #tpu.memory_space<vmem>>) dst(%dma_wait3A_62 : memref<5248x128xf32, #tpu.memory_space<vmem_shared>>)
        tpu.yield
      }) : () -> ()
    }
    %scan3A_35 = arith.constant 80 : i32
    %barrier3A_36 = arith.constant 0 : index
    tpu.barrier barrier_id(%barrier3A_36)
    %mul3A_37 = arith.constant 320 : i32
    %mul3A_38 = arith.muli %arg1, %mul3A_37 : i32
    %add3A_39 = arith.constant 5120 : i32
    %add3A_40 = arith.addi %add3A_39, %mul3A_38 : i32
    %eq3A_41 = arith.constant 0 : i32
    %eq3A_42 = arith.cmpi eq, %arg0, %eq3A_41 : i32
    %convert_element_type3A_43 = arith.extui %eq3A_42 : i1 to i32
    %cond3A_44 = arith.constant 0 : i32
    %cond3A_45 = arith.cmpi ne, %convert_element_type3A_43, %cond3A_44 : i32
    scf.if %cond3A_45 {
      %mul3A_52 = arith.constant 320 : i32
      %mul3A_53 = arith.muli %arg1, %mul3A_52 : i32
      "tpu.region"() ({
        %run_scoped3A = tpu.sem_alloc : memref<!tpu.dma_semaphore, #tpu.memory_space<semaphore_mem>>
        %dma_start3A = arith.constant 0 : i32
        %dma_start3A_54 = tpu.memref_slice %arg6[%add3A_40, %dma_start3A] : memref<10240x128xf32, #tpu.memory_space<hbm>> -> memref<320x128xf32, #tpu.memory_space<hbm>>
        %dma_start3A_55 = arith.constant 0 : i32
        %dma_start3A_56 = tpu.memref_slice %arg11[%mul3A_53, %dma_start3A_55] : memref<5248x128xf32, #tpu.memory_space<vmem_shared>> -> memref<320x128xf32, #tpu.memory_space<vmem_shared>>
        tpu.enqueue_dma source(%dma_start3A_56 : memref<320x128xf32, #tpu.memory_space<vmem_shared>>) target(%dma_start3A_54 : memref<320x128xf32, #tpu.memory_space<hbm>>) target_semaphore(%run_scoped3A : memref<!tpu.dma_semaphore, #tpu.memory_space<semaphore_mem>>)
        %dma_wait3A = arith.constant 0 : i32
        %dma_wait3A_57 = tpu.memref_slice %arg6[%add3A_40, %dma_wait3A] : memref<10240x128xf32, #tpu.memory_space<hbm>> -> memref<320x128xf32, #tpu.memory_space<hbm>>
        %dma_wait3A_58 = arith.constant 0 : i32
        %dma_wait3A_59 = tpu.memref_slice %arg11[%mul3A_53, %dma_wait3A_58] : memref<5248x128xf32, #tpu.memory_space<vmem_shared>> -> memref<320x128xf32, #tpu.memory_space<vmem_shared>>
        tpu.wait_dma2 semaphore(%run_scoped3A : memref<!tpu.dma_semaphore, #tpu.memory_space<semaphore_mem>>) src(%dma_wait3A_59 : memref<320x128xf32, #tpu.memory_space<vmem_shared>>) dst(%dma_wait3A_57 : memref<320x128xf32, #tpu.memory_space<hbm>>)
        tpu.yield
      }) : () -> ()
    } else {
    }
    %eq3A_46 = arith.constant 1 : i32
    %eq3A_47 = arith.cmpi eq, %arg0, %eq3A_46 : i32
    %convert_element_type3A_48 = arith.extui %eq3A_47 : i1 to i32
    %cond3A_49 = arith.constant 0 : i32
    %cond3A_50 = arith.cmpi ne, %convert_element_type3A_48, %cond3A_49 : i32
    scf.if %cond3A_50 {
      %mul3A_52 = arith.constant 320 : i32
      %mul3A_53 = arith.muli %arg1, %mul3A_52 : i32
      "tpu.region"() ({
        %run_scoped3A = tpu.sem_alloc : memref<!tpu.dma_semaphore, #tpu.memory_space<semaphore_mem>>
        %dma_start3A = arith.constant 0 : i32
        %dma_start3A_54 = tpu.memref_slice %arg7[%add3A_40, %dma_start3A] : memref<10240x128xf32, #tpu.memory_space<hbm>> -> memref<320x128xf32, #tpu.memory_space<hbm>>
        %dma_start3A_55 = arith.constant 0 : i32
        %dma_start3A_56 = tpu.memref_slice %arg11[%mul3A_53, %dma_start3A_55] : memref<5248x128xf32, #tpu.memory_space<vmem_shared>> -> memref<320x128xf32, #tpu.memory_space<vmem_shared>>
        tpu.enqueue_dma source(%dma_start3A_56 : memref<320x128xf32, #tpu.memory_space<vmem_shared>>) target(%dma_start3A_54 : memref<320x128xf32, #tpu.memory_space<hbm>>) target_semaphore(%run_scoped3A : memref<!tpu.dma_semaphore, #tpu.memory_space<semaphore_mem>>)
        %dma_wait3A = arith.constant 0 : i32
        %dma_wait3A_57 = tpu.memref_slice %arg7[%add3A_40, %dma_wait3A] : memref<10240x128xf32, #tpu.memory_space<hbm>> -> memref<320x128xf32, #tpu.memory_space<hbm>>
        %dma_wait3A_58 = arith.constant 0 : i32
        %dma_wait3A_59 = tpu.memref_slice %arg11[%mul3A_53, %dma_wait3A_58] : memref<5248x128xf32, #tpu.memory_space<vmem_shared>> -> memref<320x128xf32, #tpu.memory_space<vmem_shared>>
        tpu.wait_dma2 semaphore(%run_scoped3A : memref<!tpu.dma_semaphore, #tpu.memory_space<semaphore_mem>>) src(%dma_wait3A_59 : memref<320x128xf32, #tpu.memory_space<vmem_shared>>) dst(%dma_wait3A_57 : memref<320x128xf32, #tpu.memory_space<hbm>>)
        tpu.yield
      }) : () -> ()
    } else {
    }
    %barrier3A_51 = arith.constant 0 : index
    tpu.barrier barrier_id(%barrier3A_51)
    return
  }
}

module attributes {stable_mosaic.version = 14 : i64} {
  func.func @_pre_body(%arg0: i32, %arg1: memref<1000x1xf32, #tpu.memory_space<vmem>>, %arg2: memref<1000x1xf32, #tpu.memory_space<vmem>>, %arg3: memref<1000x1xf32, #tpu.memory_space<vmem>>, %arg4: memref<1000x128xf32, #tpu.memory_space<vmem>>, %arg5: memref<128x256xf32, #tpu.memory_space<vmem>>, %arg6: memref<1000x1xf32, #tpu.memory_space<vmem>>, %arg7: memref<1000x256xf32, #tpu.memory_space<vmem>>) attributes {dimension_semantics = [#tpu.dimension_semantics<arbitrary>], iteration_bounds = array<i64: 10>, scalar_prefetch = 0 : i64, scratch_operands = 0 : i64, tpu.core_type = #tpu.core_type<tc>, window_params = [{transform_indices = @transform_0, window_bounds = array<i64: 1000, 1>}, {transform_indices = @transform_1, window_bounds = array<i64: 1000, 1>}, {transform_indices = @transform_2, window_bounds = array<i64: 1000, 1>}, {transform_indices = @transform_3, window_bounds = array<i64: 1000, 128>}, {pipeline_mode = #tpu.pipeline_mode<synchronous>, transform_indices = @transform_4, window_bounds = array<i64: 128, 256>}, {transform_indices = @transform_5, window_bounds = array<i64: 1000, 1>}, {transform_indices = @transform_6, window_bounds = array<i64: 1000, 256>}]} {
    %get3A = arith.constant 0 : index
    %get3A_0 = arith.constant 0 : index
    %get3A_1 = vector.load %arg1[%get3A, %get3A_0] : memref<1000x1xf32, #tpu.memory_space<vmem>>, vector<1000x1xf32>
    %get3A_2 = arith.constant 0 : index
    %get3A_3 = arith.constant 0 : index
    %get3A_4 = vector.load %arg2[%get3A_2, %get3A_3] : memref<1000x1xf32, #tpu.memory_space<vmem>>, vector<1000x1xf32>
    %add3A = arith.addf %get3A_1, %get3A_4 : vector<1000x1xf32>
    %add3A_5 = arith.constant 1.000000e+00 : f32
    %add3A_6 = vector.broadcast %add3A_5 : f32 to vector<1000x1xf32>
    %add3A_7 = arith.addf %add3A, %add3A_6 : vector<1000x1xf32>
    %get3A_8 = arith.constant 0 : index
    %get3A_9 = arith.constant 0 : index
    %get3A_10 = vector.load %arg3[%get3A_8, %get3A_9] : memref<1000x1xf32, #tpu.memory_space<vmem>>, vector<1000x1xf32>
    %sub3A = arith.subf %add3A_7, %get3A_10 : vector<1000x1xf32>
    %rsqrt3A = math.rsqrt %sub3A : vector<1000x1xf32>
    %swap3A = arith.constant 0 : index
    %swap3A_11 = arith.constant 0 : index
    %swap3A_12 = vector.load %arg6[%swap3A, %swap3A_11] : memref<1000x1xf32, #tpu.memory_space<vmem>>, vector<1000x1xf32>
    tpu.vector_store %arg6[%swap3A, %swap3A_11], %rsqrt3A {strides = array<i32>} : memref<1000x1xf32, #tpu.memory_space<vmem>>, vector<1000x1xf32>,
    %get3A_13 = arith.constant 0 : index
    %get3A_14 = arith.constant 0 : index
    %get3A_15 = vector.load %arg4[%get3A_13, %get3A_14] : memref<1000x128xf32, #tpu.memory_space<vmem>>, vector<1000x128xf32>
    %mul3A = vector.broadcast %rsqrt3A : vector<1000x1xf32> to vector<1000x128xf32>
    %mul3A_16 = arith.mulf %mul3A, %get3A_15 : vector<1000x128xf32>
    %get3A_17 = arith.constant 0 : index
    %get3A_18 = arith.constant 0 : index
    %get3A_19 = vector.load %arg5[%get3A_17, %get3A_18] : memref<128x256xf32, #tpu.memory_space<vmem>>, vector<128x256xf32>
    %dot_general3A = arith.constant dense<0.000000e+00> : vector<1000x256xf32>
    %dot_general3A_20 = tpu.matmul %mul3A_16, %get3A_19, %dot_general3A {dimension_numbers = #tpu.dot_dimension_numbers<[1], [0], [0], [1], [0, 0, 1, 1], [], []>, transpose_lhs_hint = false} : vector<1000x128xf32>, vector<128x256xf32>, vector<1000x256xf32> -> vector<1000x256xf32>
    %swap3A_21 = arith.constant 0 : index
    %swap3A_22 = arith.constant 0 : index
    %swap3A_23 = vector.load %arg7[%swap3A_21, %swap3A_22] : memref<1000x256xf32, #tpu.memory_space<vmem>>, vector<1000x256xf32>
    tpu.vector_store %arg7[%swap3A_21, %swap3A_22], %dot_general3A_20 {strides = array<i32>} : memref<1000x256xf32, #tpu.memory_space<vmem>>, vector<1000x256xf32>,
    return
  }
  func.func @transform_0(%arg0: i32) -> (i32, i32) {
    %c0_i32 = arith.constant 0 : i32
    %c0_i32_0 = arith.constant 0 : i32
    return %arg0, %c0_i32 : i32, i32
  }
  func.func @transform_1(%arg0: i32) -> (i32, i32) {
    %c0_i32 = arith.constant 0 : i32
    %c0_i32_0 = arith.constant 0 : i32
    return %arg0, %c0_i32 : i32, i32
  }
  func.func @transform_2(%arg0: i32) -> (i32, i32) {
    %c0_i32 = arith.constant 0 : i32
    %c0_i32_0 = arith.constant 0 : i32
    return %arg0, %c0_i32 : i32, i32
  }
  func.func @transform_3(%arg0: i32) -> (i32, i32) {
    %c0_i32 = arith.constant 0 : i32
    %c0_i32_0 = arith.constant 0 : i32
    return %arg0, %c0_i32 : i32, i32
  }
  func.func @transform_4(%arg0: i32) -> (i32, i32) {
    %c0_i32 = arith.constant 0 : i32
    %c0_i32_0 = arith.constant 0 : i32
    %c0_i32_1 = arith.constant 0 : i32
    return %c0_i32, %c0_i32_0 : i32, i32
  }
  func.func @transform_5(%arg0: i32) -> (i32, i32) {
    %c0_i32 = arith.constant 0 : i32
    %c0_i32_0 = arith.constant 0 : i32
    return %arg0, %c0_i32 : i32, i32
  }
  func.func @transform_6(%arg0: i32) -> (i32, i32) {
    %c0_i32 = arith.constant 0 : i32
    %c0_i32_0 = arith.constant 0 : i32
    return %arg0, %c0_i32 : i32, i32
  }
}

module attributes {stable_mosaic.version = 14 : i64} {
  func.func @_mid_body(%arg0: i32, %arg1: memref<1000x128xf32, #tpu.memory_space<vmem>>, %arg2: memref<1000x128xf32, #tpu.memory_space<vmem>>, %arg3: memref<1000x256xf32, #tpu.memory_space<vmem>>, %arg4: memref<1000x1xf32, #tpu.memory_space<vmem>>, %arg5: memref<1x256xf32, #tpu.memory_space<vmem>>, %arg6: memref<256x256xf32, #tpu.memory_space<vmem>>, %arg7: memref<1000x256xf32, #tpu.memory_space<vmem>>) attributes {dimension_semantics = [#tpu.dimension_semantics<arbitrary>], iteration_bounds = array<i64: 10>, scalar_prefetch = 0 : i64, scratch_operands = 0 : i64, tpu.core_type = #tpu.core_type<tc>, window_params = [{transform_indices = @transform_0, window_bounds = array<i64: 1000, 128>}, {transform_indices = @transform_1, window_bounds = array<i64: 1000, 128>}, {transform_indices = @transform_2, window_bounds = array<i64: 1000, 256>}, {transform_indices = @transform_3, window_bounds = array<i64: 1000, 1>}, {pipeline_mode = #tpu.pipeline_mode<synchronous>, transform_indices = @transform_4, window_bounds = array<i64: 1, 256>}, {pipeline_mode = #tpu.pipeline_mode<synchronous>, transform_indices = @transform_5, window_bounds = array<i64: 256, 256>}, {transform_indices = @transform_6, window_bounds = array<i64: 1000, 256>}]} {
    %get3A = arith.constant 0 : index
    %get3A_0 = arith.constant 0 : index
    %get3A_1 = vector.load %arg1[%get3A, %get3A_0] : memref<1000x128xf32, #tpu.memory_space<vmem>>, vector<1000x128xf32>
    %get3A_2 = arith.constant 0 : index
    %get3A_3 = arith.constant 0 : index
    %get3A_4 = vector.load %arg2[%get3A_2, %get3A_3] : memref<1000x128xf32, #tpu.memory_space<vmem>>, vector<1000x128xf32>
    %concatenate3A = tpu.concatenate %get3A_1, %get3A_4 in 1 : vector<1000x128xf32>, vector<1000x128xf32> -> vector<1000x256xf32>
    %get3A_5 = arith.constant 0 : index
    %get3A_6 = arith.constant 0 : index
    %get3A_7 = vector.load %arg4[%get3A_5, %get3A_6] : memref<1000x1xf32, #tpu.memory_space<vmem>>, vector<1000x1xf32>
    %get3A_8 = arith.constant 0 : index
    %get3A_9 = arith.constant 0 : index
    %get3A_10 = vector.load %arg3[%get3A_8, %get3A_9] : memref<1000x256xf32, #tpu.memory_space<vmem>>, vector<1000x256xf32>
    %add3A = arith.addf %concatenate3A, %get3A_10 : vector<1000x256xf32>
    %mul3A = vector.broadcast %get3A_7 : vector<1000x1xf32> to vector<1000x256xf32>
    %mul3A_11 = arith.mulf %mul3A, %add3A : vector<1000x256xf32>
    %get3A_12 = arith.constant 0 : index
    %get3A_13 = arith.constant 0 : index
    %get3A_14 = vector.load %arg5[%get3A_12, %get3A_13] : memref<1x256xf32, #tpu.memory_space<vmem>>, vector<1x256xf32>
    %add3A_15 = vector.broadcast %get3A_14 : vector<1x256xf32> to vector<1000x256xf32>
    %add3A_16 = arith.addf %mul3A_11, %add3A_15 : vector<1000x256xf32>
    %get3A_17 = arith.constant 0 : index
    %get3A_18 = arith.constant 0 : index
    %get3A_19 = vector.load %arg4[%get3A_17, %get3A_18] : memref<1000x1xf32, #tpu.memory_space<vmem>>, vector<1000x1xf32>
    %max3A = arith.constant 0.000000e+00 : f32
    %max3A_20 = vector.broadcast %max3A : f32 to vector<1000x256xf32>
    %max3A_21 = arith.maximumf %add3A_16, %max3A_20 : vector<1000x256xf32>
    %mul3A_22 = vector.broadcast %get3A_19 : vector<1000x1xf32> to vector<1000x256xf32>
    %mul3A_23 = arith.mulf %mul3A_22, %max3A_21 : vector<1000x256xf32>
    %get3A_24 = arith.constant 0 : index
    %get3A_25 = arith.constant 0 : index
    %get3A_26 = vector.load %arg6[%get3A_24, %get3A_25] : memref<256x256xf32, #tpu.memory_space<vmem>>, vector<256x256xf32>
    %dot_general3A = arith.constant dense<0.000000e+00> : vector<1000x256xf32>
    %dot_general3A_27 = tpu.matmul %mul3A_23, %get3A_26, %dot_general3A {dimension_numbers = #tpu.dot_dimension_numbers<[1], [0], [0], [1], [0, 0, 1, 1], [], []>, transpose_lhs_hint = false} : vector<1000x256xf32>, vector<256x256xf32>, vector<1000x256xf32> -> vector<1000x256xf32>
    %swap3A = arith.constant 0 : index
    %swap3A_28 = arith.constant 0 : index
    %swap3A_29 = vector.load %arg7[%swap3A, %swap3A_28] : memref<1000x256xf32, #tpu.memory_space<vmem>>, vector<1000x256xf32>
    tpu.vector_store %arg7[%swap3A, %swap3A_28], %dot_general3A_27 {strides = array<i32>} : memref<1000x256xf32, #tpu.memory_space<vmem>>, vector<1000x256xf32>,
    return
  }
  func.func @transform_0(%arg0: i32) -> (i32, i32) {
    %c0_i32 = arith.constant 0 : i32
    %c0_i32_0 = arith.constant 0 : i32
    return %arg0, %c0_i32 : i32, i32
  }
  func.func @transform_1(%arg0: i32) -> (i32, i32) {
    %c0_i32 = arith.constant 0 : i32
    %c0_i32_0 = arith.constant 0 : i32
    return %arg0, %c0_i32 : i32, i32
  }
  func.func @transform_2(%arg0: i32) -> (i32, i32) {
    %c0_i32 = arith.constant 0 : i32
    %c0_i32_0 = arith.constant 0 : i32
    return %arg0, %c0_i32 : i32, i32
  }
  func.func @transform_3(%arg0: i32) -> (i32, i32) {
    %c0_i32 = arith.constant 0 : i32
    %c0_i32_0 = arith.constant 0 : i32
    return %arg0, %c0_i32 : i32, i32
  }
  func.func @transform_4(%arg0: i32) -> (i32, i32) {
    %c0_i32 = arith.constant 0 : i32
    %c0_i32_0 = arith.constant 0 : i32
    %c0_i32_1 = arith.constant 0 : i32
    return %c0_i32, %c0_i32_0 : i32, i32
  }
  func.func @transform_5(%arg0: i32) -> (i32, i32) {
    %c0_i32 = arith.constant 0 : i32
    %c0_i32_0 = arith.constant 0 : i32
    %c0_i32_1 = arith.constant 0 : i32
    return %c0_i32, %c0_i32_0 : i32, i32
  }
  func.func @transform_6(%arg0: i32) -> (i32, i32) {
    %c0_i32 = arith.constant 0 : i32
    %c0_i32_0 = arith.constant 0 : i32
    return %arg0, %c0_i32 : i32, i32
  }
}

module attributes {stable_mosaic.version = 14 : i64} {
  func.func @_fin_body(%arg0: i32, %arg1: memref<1000x128xf32, #tpu.memory_space<vmem>>, %arg2: memref<1000x128xf32, #tpu.memory_space<vmem>>, %arg3: memref<1000x256xf32, #tpu.memory_space<vmem>>, %arg4: memref<1000x1xf32, #tpu.memory_space<vmem>>, %arg5: memref<1x256xf32, #tpu.memory_space<vmem>>, %arg6: memref<256x1xf32, #tpu.memory_space<vmem>>, %arg7: memref<1000x1xf32, #tpu.memory_space<vmem>>) attributes {dimension_semantics = [#tpu.dimension_semantics<arbitrary>], iteration_bounds = array<i64: 10>, scalar_prefetch = 0 : i64, scratch_operands = 0 : i64, tpu.core_type = #tpu.core_type<tc>, window_params = [{transform_indices = @transform_0, window_bounds = array<i64: 1000, 128>}, {transform_indices = @transform_1, window_bounds = array<i64: 1000, 128>}, {transform_indices = @transform_2, window_bounds = array<i64: 1000, 256>}, {transform_indices = @transform_3, window_bounds = array<i64: 1000, 1>}, {pipeline_mode = #tpu.pipeline_mode<synchronous>, transform_indices = @transform_4, window_bounds = array<i64: 1, 256>}, {pipeline_mode = #tpu.pipeline_mode<synchronous>, transform_indices = @transform_5, window_bounds = array<i64: 256, 1>}, {transform_indices = @transform_6, window_bounds = array<i64: 1000, 1>}]} {
    %get3A = arith.constant 0 : index
    %get3A_0 = arith.constant 0 : index
    %get3A_1 = vector.load %arg1[%get3A, %get3A_0] : memref<1000x128xf32, #tpu.memory_space<vmem>>, vector<1000x128xf32>
    %get3A_2 = arith.constant 0 : index
    %get3A_3 = arith.constant 0 : index
    %get3A_4 = vector.load %arg2[%get3A_2, %get3A_3] : memref<1000x128xf32, #tpu.memory_space<vmem>>, vector<1000x128xf32>
    %concatenate3A = tpu.concatenate %get3A_1, %get3A_4 in 1 : vector<1000x128xf32>, vector<1000x128xf32> -> vector<1000x256xf32>
    %get3A_5 = arith.constant 0 : index
    %get3A_6 = arith.constant 0 : index
    %get3A_7 = vector.load %arg4[%get3A_5, %get3A_6] : memref<1000x1xf32, #tpu.memory_space<vmem>>, vector<1000x1xf32>
    %get3A_8 = arith.constant 0 : index
    %get3A_9 = arith.constant 0 : index
    %get3A_10 = vector.load %arg3[%get3A_8, %get3A_9] : memref<1000x256xf32, #tpu.memory_space<vmem>>, vector<1000x256xf32>
    %add3A = arith.addf %concatenate3A, %get3A_10 : vector<1000x256xf32>
    %mul3A = vector.broadcast %get3A_7 : vector<1000x1xf32> to vector<1000x256xf32>
    %mul3A_11 = arith.mulf %mul3A, %add3A : vector<1000x256xf32>
    %get3A_12 = arith.constant 0 : index
    %get3A_13 = arith.constant 0 : index
    %get3A_14 = vector.load %arg5[%get3A_12, %get3A_13] : memref<1x256xf32, #tpu.memory_space<vmem>>, vector<1x256xf32>
    %add3A_15 = vector.broadcast %get3A_14 : vector<1x256xf32> to vector<1000x256xf32>
    %add3A_16 = arith.addf %mul3A_11, %add3A_15 : vector<1000x256xf32>
    %max3A = arith.constant 0.000000e+00 : f32
    %max3A_17 = vector.broadcast %max3A : f32 to vector<1000x256xf32>
    %max3A_18 = arith.maximumf %add3A_16, %max3A_17 : vector<1000x256xf32>
    %get3A_19 = arith.constant 0 : index
    %get3A_20 = arith.constant 0 : index
    %get3A_21 = vector.load %arg6[%get3A_19, %get3A_20] : memref<256x1xf32, #tpu.memory_space<vmem>>, vector<256x1xf32>
    %dot_general3A = arith.constant dense<0.000000e+00> : vector<1000x1xf32>
    %dot_general3A_22 = tpu.matmul %max3A_18, %get3A_21, %dot_general3A {dimension_numbers = #tpu.dot_dimension_numbers<[1], [0], [0], [1], [0, 0, 1, 1], [], []>, transpose_lhs_hint = false} : vector<1000x256xf32>, vector<256x1xf32>, vector<1000x1xf32> -> vector<1000x1xf32>
    %swap3A = arith.constant 0 : index
    %swap3A_23 = arith.constant 0 : index
    %swap3A_24 = vector.load %arg7[%swap3A, %swap3A_23] : memref<1000x1xf32, #tpu.memory_space<vmem>>, vector<1000x1xf32>
    tpu.vector_store %arg7[%swap3A, %swap3A_23], %dot_general3A_22 {strides = array<i32>} : memref<1000x1xf32, #tpu.memory_space<vmem>>, vector<1000x1xf32>,
    return
  }
  func.func @transform_0(%arg0: i32) -> (i32, i32) {
    %c0_i32 = arith.constant 0 : i32
    %c0_i32_0 = arith.constant 0 : i32
    return %arg0, %c0_i32 : i32, i32
  }
  func.func @transform_1(%arg0: i32) -> (i32, i32) {
    %c0_i32 = arith.constant 0 : i32
    %c0_i32_0 = arith.constant 0 : i32
    return %arg0, %c0_i32 : i32, i32
  }
  func.func @transform_2(%arg0: i32) -> (i32, i32) {
    %c0_i32 = arith.constant 0 : i32
    %c0_i32_0 = arith.constant 0 : i32
    return %arg0, %c0_i32 : i32, i32
  }
  func.func @transform_3(%arg0: i32) -> (i32, i32) {
    %c0_i32 = arith.constant 0 : i32
    %c0_i32_0 = arith.constant 0 : i32
    return %arg0, %c0_i32 : i32, i32
  }
  func.func @transform_4(%arg0: i32) -> (i32, i32) {
    %c0_i32 = arith.constant 0 : i32
    %c0_i32_0 = arith.constant 0 : i32
    %c0_i32_1 = arith.constant 0 : i32
    return %c0_i32, %c0_i32_0 : i32, i32
  }
  func.func @transform_5(%arg0: i32) -> (i32, i32) {
    %c0_i32 = arith.constant 0 : i32
    %c0_i32_0 = arith.constant 0 : i32
    %c0_i32_1 = arith.constant 0 : i32
    return %c0_i32, %c0_i32_0 : i32, i32
  }
  func.func @transform_6(%arg0: i32) -> (i32, i32) {
    %c0_i32 = arith.constant 0 : i32
    %c0_i32_0 = arith.constant 0 : i32
    return %arg0, %c0_i32 : i32, i32
  }
}

module attributes {stable_mosaic.version = 14 : i64} {
  func.func @_pool_body(%arg0: memref<80x128xf32, #tpu.memory_space<vmem>>, %arg1: memref<80x128xi32, #tpu.memory_space<vmem>>, %arg2: memref<1x1xf32, #tpu.memory_space<vmem>>, %arg3: memref<64x1xf32, #tpu.memory_space<vmem>>) attributes {dimension_semantics = [], scalar_prefetch = 0 : i64, scratch_operands = 0 : i64, tpu.core_type = #tpu.core_type<tc>} {
    %get3A = arith.constant 0 : index
    %get3A_0 = arith.constant 0 : index
    %get3A_1 = vector.load %arg0[%get3A, %get3A_0] : memref<80x128xf32, #tpu.memory_space<vmem>>, vector<80x128xf32>
    %get3A_2 = arith.constant 0 : index
    %get3A_3 = arith.constant 0 : index
    %get3A_4 = vector.load %arg1[%get3A_2, %get3A_3] : memref<80x128xi32, #tpu.memory_space<vmem>>, vector<80x128xi32>
    %iota3A = tpu.iota {dimensions = array<i32: 0>} : vector<64x80x128xi32>
    %broadcast_in_dim3A = vector.shape_cast %get3A_4 : vector<80x128xi32> to vector<1x80x128xi32>
    %eq3A = vector.broadcast %broadcast_in_dim3A : vector<1x80x128xi32> to vector<64x80x128xi32>
    %eq3A_5 = arith.cmpi eq, %eq3A, %iota3A : vector<64x80x128xi32>
    %broadcast_in_dim3A_6 = vector.shape_cast %get3A_1 : vector<80x128xf32> to vector<1x80x128xf32>
    %jit3A = arith.constant 0.000000e+00 : f32
    %broadcast_in_dim3A_7 = vector.shape_cast %broadcast_in_dim3A_6 : vector<1x80x128xf32> to vector<1x80x128xf32>
    %broadcast_in_dim3A_8 = vector.broadcast %broadcast_in_dim3A_7 : vector<1x80x128xf32> to vector<64x80x128xf32>
    %broadcast_in_dim3A_9 = vector.broadcast %jit3A : f32 to vector<64x80x128xf32>
    %select_n3A = arith.select %eq3A_5, %broadcast_in_dim3A_8, %broadcast_in_dim3A_9 : vector<64x80x128xi1>, vector<64x80x128xf32>
    %reduce_sum3A = arith.constant dense<0.000000e+00> : vector<64x128xf32>
    %reduce_sum3A_10 = vector.multi_reduction <add>, %select_n3A, %reduce_sum3A [1] : vector<64x80x128xf32> to vector<64x128xf32>
    %reduce_sum3A_11 = arith.constant dense<0.000000e+00> : vector<64xf32>
    %reduce_sum3A_12 = vector.multi_reduction <add>, %reduce_sum3A_10, %reduce_sum3A_11 [1] : vector<64x128xf32> to vector<64xf32>
    %broadcast_in_dim3A_13 = vector.shape_cast %reduce_sum3A_12 : vector<64xf32> to vector<64x1xf32>
    %jit3A_14 = arith.constant 1.000000e+00 : f32
    %jit3A_15 = arith.constant 0.000000e+00 : f32
    %broadcast_in_dim3A_16 = vector.broadcast %jit3A_14 : f32 to vector<64x80x128xf32>
    %broadcast_in_dim3A_17 = vector.broadcast %jit3A_15 : f32 to vector<64x80x128xf32>
    %select_n3A_18 = arith.select %eq3A_5, %broadcast_in_dim3A_16, %broadcast_in_dim3A_17 : vector<64x80x128xi1>, vector<64x80x128xf32>
    %reduce_sum3A_19 = arith.constant dense<0.000000e+00> : vector<64x128xf32>
    %reduce_sum3A_20 = vector.multi_reduction <add>, %select_n3A_18, %reduce_sum3A_19 [1] : vector<64x80x128xf32> to vector<64x128xf32>
    %reduce_sum3A_21 = arith.constant dense<0.000000e+00> : vector<64xf32>
    %reduce_sum3A_22 = vector.multi_reduction <add>, %reduce_sum3A_20, %reduce_sum3A_21 [1] : vector<64x128xf32> to vector<64xf32>
    %broadcast_in_dim3A_23 = vector.shape_cast %reduce_sum3A_22 : vector<64xf32> to vector<64x1xf32>
    %max3A = arith.constant 1.000000e+00 : f32
    %max3A_24 = vector.broadcast %max3A : f32 to vector<64x1xf32>
    %max3A_25 = arith.maximumf %broadcast_in_dim3A_23, %max3A_24 : vector<64x1xf32>
    %div3A = arith.divf %broadcast_in_dim3A_13, %max3A_25 : vector<64x1xf32>
    %get3A_26 = arith.constant 0 : index
    %get3A_27 = arith.constant 0 : index
    %get3A_28 = vector.load %arg2[%get3A_26, %get3A_27] : memref<1x1xf32, #tpu.memory_space<vmem>>, vector<1x1xf32>
    %add3A = vector.broadcast %get3A_28 : vector<1x1xf32> to vector<64x1xf32>
    %add3A_29 = arith.addf %div3A, %add3A : vector<64x1xf32>
    %swap3A = arith.constant 0 : index
    %swap3A_30 = arith.constant 0 : index
    %swap3A_31 = vector.load %arg3[%swap3A, %swap3A_30] : memref<64x1xf32, #tpu.memory_space<vmem>>, vector<64x1xf32>
    tpu.vector_store %arg3[%swap3A, %swap3A_30], %add3A_29 {strides = array<i32>} : memref<64x1xf32, #tpu.memory_space<vmem>>, vector<64x1xf32>,
    return
  }
}

</mosaic_0001>

<sc_bundles>
// kernel: kernel.12.cloned.1.call-start
scs
__scs_entry_jumppad:
0x0: {  	(pc) =	sbr.rel $0x88, $3  }
0x1: {  	(tag) =	ssettag $0x0;
	lr =	simm.s32 $0x1  }
0x2: {  	[smem:$0x3F98] =	sst lr;
	_ =	strace $0xD0000000  }
0x3: {  	_ = 	snop  }
0x4: {  	_ = 	snop  }
0x5: {  	_ = 	snop  }
0x6: {  	_ = 	snop  }
0x7: {  	_ = 	snop  }
__scs_overlays_trampoline_lowered:
0x8: {  	[smem:$0x3FA7] =	sst s0  }
0x9: {  	[smem:$0x3FA8] =	sst s1  }
0xa: {  	[smem:$0x3FA9] =	sst s2  }
0xb: {  	[smem:$0x3FAA] =	sst s3  }
0xc: {  	[smem:$0x3FAB] =	sst s4  }
0xd: {  	[smem:$0x3FAC] =	sst s5  }
0xe: {  	[smem:$0x3FAD] =	sst s6  }
0xf: {  	[smem:$0x3FAE] =	sst s7  }
0x10: {  	[smem:$0x3FAF] =	sst s8  }
0x11: {  	[smem:$0x3FB0] =	sst s9;
	s0 =	simm.s32 @!p0 $0x0  }
0x12: {  	s1 =	sld [smem:$0x3F96];
	s0 =	simm.s32 @p0 $0x1  }
0x13: {  	[smem:$0x3FB1] =	sst s0;
	s0 =	simm.s32 @!p1 $0x0  }
0x14: {  	s2 =	sld [smem:$0x3F95];
	s0 =	simm.s32 @p1 $0x1  }
0x15: {  	[smem:$0x3FB2] =	sst s0;
	s0 =	simm.s32 @!p2 $0x0  }
0x16: {  	s3 =	sld [smem:$0x3FDB];
	s0 =	simm.s32 @p2 $0x1  }
0x17: {  	s4 =	simm.s32 $0x1BF5;
	[smem:$0x3FB4] =	sst s0  }
0x18: {  	s0 =	sld [smem:$0x3F97];
	_ =	swait.ge [sflag:s4], $0x0  }
0x19: {  	s7 =	sld [smem:$0x3F98]  }
0x1a: {  	s8 =	sadd.s32 $0xFFFFE003, lr  }
0x1b: {  	s9 =	sadd.s32 $0xFFFFFEF7, lr;
	s5 =	simm.s32 $0xFFFFFFFF;
	p2 =	slt.u32 s8, $0xFFFFF086  }
0x1c: {  	p1 =	slt.u32 s9, $0xF7A;
	s5 =	simm.s32 @!p2 $0x0  }
0x1d: {  	s5 =	simm.s32 @p1 $0x1;
	p0 =	seq.s32 s7, s2  }
0x1e: {  	s7 =	smul.u32 @!p0 $0xF7A, s2;
	p2 =	seq.s32 @!p0 s5, $0x0  }
0x1f: {  	s9 =	smul.u32 $0xF7A, s1;
	s8 =	simm.s32 @!p0 $0x1BF5;
	p2 =	por !p2, p0  }
0x20: {  	[sflag:s8] =	ssyncset.s32 @!p0 $0xFFFFF086;
	s6 =	sadd.s32 @!p0 s3, s7;
	s7 =	simm.s32 @!p0 $0x108  }
0x21: {  	s3 =	sadd.s32 s3, s9;
	s6 =	sadd.s32 @!p0 $0x88, s6;
	s7 =	simm.s32 @p2 $0x1082  }
0x22: {  	[simem:s7], [sflag:s8] =	dma.local @!p0 [hbm:s6], $0xF7A  }
0x23: {  	s9 =	sor.u32 $0xD0000000, s2;
	s6 =	simm.s32 $0x108;
	_ =	swait.ge @!p0 [sflag:s8], $0x0  }
0x24: {  	s3 =	sadd.s32 $0x88, s3;
	s6 =	simm.s32 @!p1 $0x1082;
	[sflag:s4] =	ssyncset.s32 $0xFFFFF086  }
0x25: {  	[simem:s6], [sflag:s4] =	dma.local [hbm:s3], $0xF7A  }
0x26: {  	[smem:$0x3F98] =	sst s1;
	(tag) =	ssettag s2;
	_ =	strace s9  }
0x27: {  	s1 =	sld [smem:$0x3FA8]  }
0x28: {  	s2 =	sld [smem:$0x3FA9]  }
0x29: {  	s4 =	sld [smem:$0x3FAB]  }
0x2a: {  	p0 =	seq.s32 s5, $0x0;
	s5 =	sld [smem:$0x3FAC]  }
0x2b: {  	s6 =	sld [smem:$0x3FAD]  }
0x2c: {  	s7 =	sld [smem:$0x3FAE]  }
0x2d: {  	s3 =	simm.s32 $0x108;
	s8 =	sld [smem:$0x3FAF]  }
0x2e: {  	s3 =	simm.s32 @!p0 $0x1082;
	s9 =	sld [smem:$0x3FB0]  }
0x2f: {  	lr =	sadd.s32 s0, s3;
	s0 =	sld [smem:$0x3FA7]  }
0x30: {  	s3 =	sld [smem:$0x3FAA]  }
0x31: {  	[smem:$0x3FB3] =	sst s10  }
0x32: {  	s10 =	sld [smem:$0x3FB1];
	_ =	sdelay $0x3  }
0x33: {  	p0 =	seq.s32 s10, $0x1;
	s10 =	sld [smem:$0x3FB3];
	_ =	sdelay $0x3  }
0x34: {  	[smem:$0x3FB3] =	sst s10  }
0x35: {  	s10 =	sld [smem:$0x3FB2];
	_ =	sdelay $0x3  }
0x36: {  	p1 =	seq.s32 s10, $0x1;
	s10 =	sld [smem:$0x3FB3];
	_ =	sdelay $0x3  }
0x37: {  	[smem:$0x3FB3] =	sst s10  }
0x38: {  	s10 =	sld [smem:$0x3FB4]  }
0x39: {  	_ = 	snop;
	(pc) =	sbr.ind lr, $3  }
0x3a: {  	_ = 	snop  }
0x3b: {  	_ = 	snop  }
0x3c: {  	p2 =	seq.s32 s10, $0x1;
	s10 =	sld [smem:$0x3FB3]  }
0x3d: {  	_ =	shalt  }
0x3e: {  	_ =	shalt  }
0x3f: {  	_ =	shalt  }
0x40: {  	_ =	shalt  }
0x41: {  	_ =	shalt  }
0x42: {  	_ =	shalt  }
0x43: {  	_ =	shalt  }
0x44: {  	_ =	shalt  }
0x45: {  	_ =	shalt  }
0x46: {  	_ =	shalt  }
0x47: {  	_ =	shalt  }
0x48: {  	_ =	shalt  }
0x49: {  	_ =	shalt  }
0x4a: {  	_ =	shalt  }
0x4b: {  	_ =	shalt  }
0x4c: {  	_ =	shalt  }
0x4d: {  	_ =	shalt  }
0x4e: {  	_ =	shalt  }
0x4f: {  	_ =	shalt  }
0x50: {  	_ =	shalt  }
0x51: {  	_ =	shalt  }
0x52: {  	_ =	shalt  }
0x53: {  	_ =	shalt  }
0x54: {  	_ =	shalt  }
0x55: {  	_ =	shalt  }
0x56: {  	_ =	shalt  }
0x57: {  	_ =	shalt  }
0x58: {  	_ =	shalt  }
0x59: {  	_ =	shalt  }
0x5a: {  	_ =	shalt  }
0x5b: {  	_ =	shalt  }
0x5c: {  	_ =	shalt  }
0x5d: {  	_ =	shalt  }
0x5e: {  	_ =	shalt  }
0x5f: {  	_ =	shalt  }
0x60: {  	_ =	shalt  }
0x61: {  	_ =	shalt  }
0x62: {  	_ =	shalt  }
0x63: {  	_ =	shalt  }
0x64: {  	_ =	shalt  }
0x65: {  	_ =	shalt  }
0x66: {  	_ =	shalt  }
0x67: {  	_ =	shalt  }
0x68: {  	_ =	shalt  }
0x69: {  	_ =	shalt  }
0x6a: {  	_ =	shalt  }
0x6b: {  	_ =	shalt  }
0x6c: {  	_ =	shalt  }
0x6d: {  	_ =	shalt  }
0x6e: {  	_ =	shalt  }
0x6f: {  	_ =	shalt  }
0x70: {  	_ =	shalt  }
0x71: {  	_ =	shalt  }
0x72: {  	_ =	shalt  }
0x73: {  	_ =	shalt  }
0x74: {  	_ =	shalt  }
0x75: {  	_ =	shalt  }
0x76: {  	_ =	shalt  }
0x77: {  	_ =	shalt  }
0x78: {  	_ =	shalt  }
0x79: {  	_ =	shalt  }
0x7a: {  	_ =	shalt  }
0x7b: {  	_ =	shalt  }
0x7c: {  	_ =	shalt  }
0x7d: {  	_ =	shalt  }
0x7e: {  	_ =	shalt  }
0x7f: {  	_ =	shalt  }
0x80: {  	_ =	shalt  }
0x81: {  	_ =	shalt  }
0x82: {  	_ =	shalt  }
0x83: {  	_ =	shalt  }
0x84: {  	_ =	shalt  }
0x85: {  	_ =	shalt  }
0x86: {  	_ =	shalt  }
0x87: {  	_ =	shalt  }
.Lfunc_end0:
.L_simem_size_0:
called_computation.1_lowered:
.L_overlay_start_0:
0x88: {  	s2 =	sld [smem:$0x3FD9]  }
0x89: {  	s3 =	sld [smem:$0x3FFE];
	_ =	sdelay $0x1  }
0x8a: {  	s1 =	srdreg.scid  }
0x8b: {  	s0 =	sand.u32 $0x1, s1  }
0x8c: {  	s16 =	sshll.u32 s0, $0xA;
	s2 =	sadd.s32 s3, s2  }
0x8d: {  	s2 =	sadd.s32 s2, s16  }
0x8e: {  	[smem:$0x3FBF] =	sst s2  }
0x8f: {  	_ = 	snop  }
0x90: {  	(tm) =	ssettm $0x1  }
0x91: {  	s17 =	sld [smem:$0x3FFB];
	_ =	sdelay $0x3  }
0x92: {  	_ =	strace s17  }
0x93: {  	s2 =	sld [smem:$0x3FFC];
	_ =	sdelay $0x3  }
0x94: {  	_ =	strace s2  }
0x95: {  	s2 =	sld [smem:$0x3FFD];
	_ =	sdelay $0x3  }
0x96: {  	_ =	strace s2  }
0x97: {  	_ =	strace $0x8FFFFFFF  }
0x98: {  	s18 =	sld [smem:$0x3FDB];
	_ =	sdelay $0x1  }
0x99: {  	s19 =	simm.s32 $_scs_section_size  }
0x9a: {  	s4 =	simm.s32 $_size__tile_overlayer_lowered;
	s5 =	simm.s32 $_tile_overlayer_lowered  }
0x9b: {  	s22 =	simm.s32 $0x1BFF;
	s21 =	sshll.u32 s5, $0x1;
	s2 =	sadd.s32 s19, s18  }
0x9c: {  	s6 =	simm.s32 $0x0;
	s20 =	sshll.u32 s4, $0x1;
	s4 =	sadd.s32 s21, s2  }
0x9d: {  	[timem:s6], [sflag:s22] =	dma.local [hbm:s4], s20  }
0x9e: {  	_ =	swait.ge [sflag:s22], s20  }
0x9f: {  	s3 =	ssub.s32 $0x0, s20;
	[sflag:s22] =	ssyncset.done $0x0  }
0xa0: {  	[sflag:s22] =	ssyncadd.s32 s3;
	_ =	sdelay $0x1  }
0xa1: {  	s23 =	simm.s32 $0x1B8B  }
0xa2: {  	_ =	swait.ge [sflag:s23], $0x1  }
0xa3: {  	[sflag:s23] =	ssyncset.done $0x0  }
0xa4: {  	s25 =	simm.s32 $0x1B8E;
	s24 =	sld [smem:$0x3FFE];
	[sflag:s23] =	ssyncadd.s32 $0xFFFFFFFF  }
0xa5: {  	s26 =	simm.s32 $execute0_lowered;
	[smem:$0x3FD2] =	sst s25  }
0xa6: {  	s4 =	sshll.u32 s26, $0x1;
	_ =	strace $0x80000049;
	[dreg:$0x1] =	wrdreg $0xFFFFFFFF  }
0xa7: {  	s28 =	simm.s32 $_size_execute0_lowered;
	s2 =	sadd.s32 s2, s4;
	[dreg:$0x0] =	wrdreg $0x0  }
0xa8: {  	s4 =	sshll.u32 s28, $0x1;
	[dreg:$0x2] =	wrdreg s2  }
0xa9: {  	[dreg:$0x3] =	wrdreg s4  }
0xaa: {  	[dreg:$0x4] =	wrdreg $0xC0  }
0xab: {  	_ =	task [dreg:s6], $0x5FFFF  }
0xac: {  	[dreg:$0x1] =	wrdreg $0xFFFFFFFF  }
0xad: {  	[dreg:$0x0] =	wrdreg $0x60  }
0xae: {  	[dreg:$0x2] =	wrdreg s24  }
0xaf: {  	[dreg:$0x3] =	wrdreg $0x120000  }
0xb0: {  	[dreg:$0x4] =	wrdreg $0x9  }
0xb1: {  	_ =	task.clear_ibuf [dreg:s6], $0x5FFFF;
	_ =	strace $0x90000049  }
0xb2: {  	s29 =	simm.s32 $0x9;
	_ =	strace $0x8000004B  }
0xb3: {  	_ =	swait.ge [sflag:s29], $0x1  }
0xb4: {  	[sflag:s29] =	ssyncadd.s32 $0xFFFFFFFF  }
0xb5: {  	_ =	strace $0x9000004B  }
0xb6: {  	_ =	sfence  }
0xb7: {  	s30 =	sld [smem:$0x0];
	_ =	sdelay $0x2  }
0xb8: {  	s31 =	sshll.u32 s1, $0xD;
	s1 =	sshrl.u32 s1, $0x2  }
0xb9: {  	s3 =	sand.u32 $0x4000, s31;
	s1 =	sadd.s32 s1, s30  }
0xba: {  	s0 =	sor.u32 s3, s0;
	s1 =	sshll.u32 s1, $0x11  }
0xbb: {  	s0 =	sor.u32 s1, s0  }
0xbc: {  	s0 =	sadd.s32 $0x8F2B, s0  }
0xbd: {  	[sflag:s0] =	ssyncadd.remote.s32 $0x1  }
0xbe: {  	_ =	sfence.sel $0xFFFF  }
0xbf: {  	[dreg:$0x0] =	wrdreg $0xFFFFFFFF;
	(pc) =	sbr.abs _section_cstart, $3  }
0xc0: {  	[dreg:$0x1] =	wrdreg $0xFFFFFFFF  }
0xc1: {  	_ =	task.clear_ibuf [dreg:s6], $0x2FFFF;
	_ =	strace $0x9FFFFFFF  }
0xc2: {  	(tm) =	ssettm $0x7FFFFFFF  }
0xc3: {  	_ =	shalt  }
tec
execute0_lowered:
.L_overlay_start_1:
0x0: {  	(tag) =	ssettag $0x1  }
0x1: {  	s5 =	rddreg [dreg:$0x0]  }
0x2: {  	s1 =	rddreg [dreg:$0x1]  }
0x3: {  	s0 =	rddreg [dreg:$0x2];
	s3 =	simm.s32 $0x0  }
0x4: {  	s2 =	stileid.u32;
	s6 =	srdreg.scid;
	s18 =	simm.s32 $0xE000  }
0x5: {  	s19 =	simm.s32 $0x1;
	s20 =	simm.s32 $0x3;
	s21 =	simm.s32 $0x2  }
0x6: {  	s22 =	simm.s32 $0x4;
	s23 =	simm.s32 $0x9F00;
	s24 =	simm.s32 $0x9F80  }
0x7: {  	s25 =	simm.s32 $0x0;
	[smem:$0x7FF] =	sst s3;
	s10 =	smul.u32 $0xA00, s2  }
0x8: {  	s4 =	sadd.s32 $0x8CA00, s5;
	s8 =	sadd.s32 $0x16800, s5;
	s9 =	smul.u32 $0x1400, s2  }
0x9: {  	s6 =	sand.u32 $0x1, s6;
	s11 =	sadd.s32 $0x20800, s5;
	s15 =	smul.u32 $0x28000, s2  }
0xa: {  	s16 =	sadd.s32 $0xDAE00, s5;
	s17 =	sadd.s32 $0x102E00, s5;
	s31 =	sshll.u32 s2, $0x6  }
0xb: {  	_ =	strace $0x8000004A;
	s12 =	ssub.s32 $0x2, s6;
	p0 =	seq.s32 s6, $0x0  }
0xc: {  	s7 =	sadd.s32 s10, s5;
	s13 =	sadd.s32 s9, s5;
	s14 =	sshrl.u32 s12, $0x1  }
0xd: {  	s30 =	sshrl.u32 s15, $0x2;
	s17 =	smov.u32 @p0 s16;
	s11 =	smov.u32 @p0 s8  }
0xe: {  	s16 =	simm.s32 $0x80;
	s12 =	ssub.s32 s12, s14;
	s5 =	sadd.s32 $0xC800, s7  }
0xf: {  	s15 =	sadd.s32 s30, s1;
	s6 =	sadd.s32 $0x2A800, s13;
	s7 =	sadd.s32 $0x2800, s7  }
0x10: {  	s8 =	sadd.s32 s17, s9;
	s10 =	sadd.s32 s11, s10;
	s13 =	simm.s32 $0x5000  }
0x11: {  	s14 =	sor.u32 $0x1C05, s31;
	s17 =	simm.s32 $0xA000;
	s9 =	smax.u32 s12, $0x1  }
0x12: {  	s11 =	sadd.s32 $0x14000, s8;
	s12 =	simm.s32 $0x5;
	s15 =	sshrl.u32 s15, $0x3  }
.LBB2_1:
0x13: {  	[tilespmem:s3], [sflag:$0x5] =	stream.linear.gather [hbm4b:s10+s3], $0x5000, $0x38;
	[tilespmem:$0x1C400] =	vst v63  }
0x14: {  	_ =	swait.ge [sflag:s12], $0x5000  }
0x15: {  	[sflag:s12] =	ssyncset.done $0x0  }
0x16: {  	[sflag:s12] =	ssyncadd.s32 $0xFFFFB000  }
0x17: {  	[tilespmem:s13], [sflag:$0x5] =	stream.linear.gather [hbm4b:s5+s3], $0x5000, $0x38;
	[tilespmem:$0x1C400] =	vst v63  }
0x18: {  	_ =	swait.ge [sflag:s12], $0x5000  }
0x19: {  	[sflag:s12] =	ssyncset.done $0x0  }
0x1a: {  	[sflag:s12] =	ssyncadd.s32 $0xFFFFB000  }
0x1b: {  	[spmem:s15], [sflag:s14] =	dma.local [hbm:s6], $0x1400  }
0x1c: {  	_ =	swait.ge [sflag:s12], $0x1400  }
0x1d: {  	[sflag:s12] =	ssyncset.done $0x0  }
0x1e: {  	[sflag:s12] =	ssyncadd.s32 $0xFFFFEC00  }
0x1f: {  	[bflag:$0x0] =	sbarrier.arrive $0xFFFF  }
0x20: {  	[tilespmem:s17], [sflag:$0x1] =	stream.indirect.gather [hbm4b:s4+s16], $0x80, s3, s16, $0xb8;
	[tilespmem:$0x1C400] =	vst v63  }
0x21: {  	_ = 	snop  }
0x22: {  	[tilespmem:s18], [sflag:$0x2] =	stream.indirect.gather [hbm4b:s4+s16], $0x80, s16, s16, $0xb8;
	[tilespmem:$0x1C400] =	vst v63  }
0x23: {  	_ =	swait.ge [sflag:s19], $0x4000  }
0x24: {  	[sflag:s19] =	ssyncset.done $0x0  }
0x25: {  	s26 =	simm.s32 $0x5000;
	[sflag:s19] =	ssyncadd.s32 $0xFFFFC000  }
0x26: {  	[spmem:s1] =	stream.indirect.scatter.add.f32 [tilespmem:s17], [sflag:$0x3], $0x80, s26, s16, $0xb8;
	[tilespmem:$0x1C400] =	vst v63  }
0x27: {  	_ =	swait.ge [sflag:s20], $0x4000  }
0x28: {  	[sflag:s20] =	ssyncset.done $0x0  }
0x29: {  	s30 =	simm.s32 $0x100;
	[sflag:s20] =	ssyncadd.s32 $0xFFFFC000  }
0x2a: {  	[tilespmem:s17], [sflag:$0x1] =	stream.indirect.gather [hbm4b:s4+s16], $0x80, s30, s16, $0xb8;
	[tilespmem:$0x1C400] =	vst v63  }
0x2b: {  	_ =	swait.ge [sflag:s21], $0x4000  }
0x2c: {  	[sflag:s21] =	ssyncset.done $0x0  }
0x2d: {  	s31 =	simm.s32 $0x5080;
	[sflag:s21] =	ssyncadd.s32 $0xFFFFC000  }
0x2e: {  	[spmem:s1] =	stream.indirect.scatter.add.f32 [tilespmem:s18], [sflag:$0x4], $0x80, s31, s16, $0xb8;
	[tilespmem:$0x1C400] =	vst v63  }
0x2f: {  	_ =	swait.ge [sflag:s22], $0x4000  }
0x30: {  	[sflag:s22] =	ssyncset.done $0x0  }
0x31: {  	s28 =	simm.s32 $0x180;
	s26 =	simm.s32 $0x400;
	[sflag:s22] =	ssyncadd.s32 $0xFFFFC000  }
.LBB2_2:
0x32: {  	[tilespmem:s18], [sflag:$0x2] =	stream.indirect.gather [hbm4b:s4+s16], $0x80, s28, s16, $0xb8;
	[tilespmem:$0x1C400] =	vst v63  }
0x33: {  	s28 =	smov.u32 s26  }
0x34: {  	p0 =	sne.s32 s26, $0x13800;
	s26 =	sadd.s32 $0x400, s26;
	_ =	swait.ge [sflag:s19], $0x4000  }
0x35: {  	s28 =	sshra.s32 s28, $0x2;
	[sflag:s19] =	ssyncset.done $0x0  }
0x36: {  	s29 =	sadd.s32 $0x5000, s28;
	[sflag:s19] =	ssyncadd.s32 $0xFFFFC000  }
0x37: {  	[spmem:s1] =	stream.indirect.scatter.add.f32 [tilespmem:s17], [sflag:$0x3], $0x80, s29, s16, $0xb8;
	[tilespmem:$0x1C400] =	vst v63  }
0x38: {  	_ =	swait.ge [sflag:s20], $0x4000  }
0x39: {  	[sflag:s20] =	ssyncset.done $0x0  }
0x3a: {  	s29 =	sadd.s32 $0x100, s28;
	[sflag:s20] =	ssyncadd.s32 $0xFFFFC000  }
0x3b: {  	[tilespmem:s17], [sflag:$0x1] =	stream.indirect.gather [hbm4b:s4+s16], $0x80, s29, s16, $0xb8;
	[tilespmem:$0x1C400] =	vst v63  }
0x3c: {  	_ =	swait.ge [sflag:s21], $0x4000  }
0x3d: {  	[sflag:s21] =	ssyncset.done $0x0  }
.Ltmp0:
0x3e: {  	s29 =	sadd.s32 $0x5080, s28;
	[sflag:s21] =	ssyncadd.s32 $0xFFFFC000;
	(pc) =	sbr.rel @p0 .LBB2_2-.Ltmp0, $4  }
0x3f: {  	[spmem:s1] =	stream.indirect.scatter.add.f32 [tilespmem:s18], [sflag:$0x4], $0x80, s29, s16, $0xb8;
	[tilespmem:$0x1C400] =	vst v63  }
0x40: {  	_ =	swait.ge [sflag:s22], $0x4000  }
0x41: {  	[sflag:s22] =	ssyncset.done $0x0  }
0x42: {  	s28 =	sadd.s32 $0x180, s28;
	[sflag:s22] =	ssyncadd.s32 $0xFFFFC000  }
0x43: {  	[tilespmem:s18], [sflag:$0x2] =	stream.indirect.gather [hbm4b:s4+s16], $0x80, s28, s16, $0xb8;
	[tilespmem:$0x1C400] =	vst v63  }
0x44: {  	_ =	swait.ge [sflag:s19], $0x4000  }
0x45: {  	[sflag:s19] =	ssyncset.done $0x0  }
0x46: {  	[sflag:s19] =	ssyncadd.s32 $0xFFFFC000  }
0x47: {  	[spmem:s1] =	stream.indirect.scatter.add.f32 [tilespmem:s17], [sflag:$0x5], $0x80, s23, s16, $0xb8;
	[tilespmem:$0x1C400] =	vst v63  }
0x48: {  	_ =	swait.ge [sflag:s12], $0x4000  }
0x49: {  	[sflag:s12] =	ssyncset.done $0x0  }
0x4a: {  	[sflag:s12] =	ssyncadd.s32 $0xFFFFC000  }
0x4b: {  	_ =	swait.ge [sflag:s21], $0x4000  }
0x4c: {  	[sflag:s21] =	ssyncset.done $0x0  }
0x4d: {  	[sflag:s21] =	ssyncadd.s32 $0xFFFFC000  }
0x4e: {  	[spmem:s1] =	stream.indirect.scatter.add.f32 [tilespmem:s18], [sflag:$0x5], $0x80, s24, s16, $0xb8;
	[tilespmem:$0x1C400] =	vst v63  }
0x4f: {  	_ =	swait.ge [sflag:s12], $0x4000  }
0x50: {  	[sflag:s12] =	ssyncset.done $0x0  }
0x51: {  	[sflag:s12] =	ssyncadd.s32 $0xFFFFC000  }
0x52: {  	[bflag:$0x0] =	sbarrier.arrive $0xFFFF  }
0x53: {  	[hbm:s8], [sflag:s14] =	dma.local [spmem:s15], $0x1400  }
0x54: {  	_ =	swait.ge [sflag:s12], $0x1400  }
0x55: {  	[sflag:s12] =	ssyncset.done $0x0  }
0x56: {  	[sflag:s12] =	ssyncadd.s32 $0xFFFFEC00  }
0x57: {  	s26 =	simm.s32 $0x0;
	[bflag:$0x0] =	sbarrier.arrive $0xFFFF  }
0x58: {  	[tilespmem:s13], [sflag:$0x5] =	stream.linear.gather [hbm4b:s7+s26], $0x5000, $0x38;
	[tilespmem:$0x1C400] =	vst v63  }
0x59: {  	_ =	swait.ge [sflag:s12], $0x5000  }
0x5a: {  	[sflag:s12] =	ssyncset.done $0x0  }
0x5b: {  	[sflag:s12] =	ssyncadd.s32 $0xFFFFB000  }
0x5c: {  	[spmem:s15], [sflag:s14] =	dma.local [hbm:s6], $0x1400  }
0x5d: {  	_ =	swait.ge [sflag:s12], $0x1400  }
0x5e: {  	[sflag:s12] =	ssyncset.done $0x0  }
0x5f: {  	[sflag:s12] =	ssyncadd.s32 $0xFFFFEC00  }
0x60: {  	[bflag:$0x0] =	sbarrier.arrive $0xFFFF  }
0x61: {  	[tilespmem:s17], [sflag:$0x1] =	stream.indirect.gather [hbm4b:s4+s16], $0x80, s26, s16, $0xb8;
	[tilespmem:$0x1C400] =	vst v63  }
0x62: {  	_ = 	snop  }
0x63: {  	[tilespmem:s18], [sflag:$0x2] =	stream.indirect.gather [hbm4b:s4+s16], $0x80, s16, s16, $0xb8;
	[tilespmem:$0x1C400] =	vst v63  }
0x64: {  	_ =	swait.ge [sflag:s19], $0x4000  }
0x65: {  	[sflag:s19] =	ssyncset.done $0x0  }
0x66: {  	s29 =	simm.s32 $0x5000;
	[sflag:s19] =	ssyncadd.s32 $0xFFFFC000  }
0x67: {  	[spmem:s1] =	stream.indirect.scatter.add.f32 [tilespmem:s17], [sflag:$0x3], $0x80, s29, s16, $0xb8;
	[tilespmem:$0x1C400] =	vst v63  }
0x68: {  	_ =	swait.ge [sflag:s20], $0x4000  }
0x69: {  	[sflag:s20] =	ssyncset.done $0x0  }
0x6a: {  	s30 =	simm.s32 $0x100;
	[sflag:s20] =	ssyncadd.s32 $0xFFFFC000  }
0x6b: {  	[tilespmem:s17], [sflag:$0x1] =	stream.indirect.gather [hbm4b:s4+s16], $0x80, s30, s16, $0xb8;
	[tilespmem:$0x1C400] =	vst v63  }
0x6c: {  	_ =	swait.ge [sflag:s21], $0x4000  }
0x6d: {  	[sflag:s21] =	ssyncset.done $0x0  }
0x6e: {  	s31 =	simm.s32 $0x5080;
	[sflag:s21] =	ssyncadd.s32 $0xFFFFC000  }
0x6f: {  	[spmem:s1] =	stream.indirect.scatter.add.f32 [tilespmem:s18], [sflag:$0x4], $0x80, s31, s16, $0xb8;
	[tilespmem:$0x1C400] =	vst v63  }
0x70: {  	_ =	swait.ge [sflag:s22], $0x4000  }
0x71: {  	[sflag:s22] =	ssyncset.done $0x0  }
0x72: {  	s28 =	simm.s32 $0x180;
	s26 =	simm.s32 $0x400;
	[sflag:s22] =	ssyncadd.s32 $0xFFFFC000  }
.LBB2_4:
0x73: {  	[tilespmem:s18], [sflag:$0x2] =	stream.indirect.gather [hbm4b:s4+s16], $0x80, s28, s16, $0xb8;
	[tilespmem:$0x1C400] =	vst v63  }
0x74: {  	s28 =	smov.u32 s26  }
0x75: {  	p0 =	sne.s32 s26, $0x13800;
	s26 =	sadd.s32 $0x400, s26;
	_ =	swait.ge [sflag:s19], $0x4000  }
0x76: {  	s28 =	sshra.s32 s28, $0x2;
	[sflag:s19] =	ssyncset.done $0x0  }
0x77: {  	s29 =	sadd.s32 $0x5000, s28;
	[sflag:s19] =	ssyncadd.s32 $0xFFFFC000  }
0x78: {  	[spmem:s1] =	stream.indirect.scatter.add.f32 [tilespmem:s17], [sflag:$0x3], $0x80, s29, s16, $0xb8;
	[tilespmem:$0x1C400] =	vst v63  }
0x79: {  	_ =	swait.ge [sflag:s20], $0x4000  }
0x7a: {  	[sflag:s20] =	ssyncset.done $0x0  }
0x7b: {  	s29 =	sadd.s32 $0x100, s28;
	[sflag:s20] =	ssyncadd.s32 $0xFFFFC000  }
0x7c: {  	[tilespmem:s17], [sflag:$0x1] =	stream.indirect.gather [hbm4b:s4+s16], $0x80, s29, s16, $0xb8;
	[tilespmem:$0x1C400] =	vst v63  }
0x7d: {  	_ =	swait.ge [sflag:s21], $0x4000  }
0x7e: {  	[sflag:s21] =	ssyncset.done $0x0  }
.Ltmp1:
0x7f: {  	s29 =	sadd.s32 $0x5080, s28;
	[sflag:s21] =	ssyncadd.s32 $0xFFFFC000;
	(pc) =	sbr.rel @p0 .LBB2_4-.Ltmp1, $4  }
0x80: {  	[spmem:s1] =	stream.indirect.scatter.add.f32 [tilespmem:s18], [sflag:$0x4], $0x80, s29, s16, $0xb8;
	[tilespmem:$0x1C400] =	vst v63  }
0x81: {  	_ =	swait.ge [sflag:s22], $0x4000  }
0x82: {  	[sflag:s22] =	ssyncset.done $0x0  }
0x83: {  	s28 =	sadd.s32 $0x180, s28;
	[sflag:s22] =	ssyncadd.s32 $0xFFFFC000  }
0x84: {  	[tilespmem:s18], [sflag:$0x2] =	stream.indirect.gather [hbm4b:s4+s16], $0x80, s28, s16, $0xb8;
	[tilespmem:$0x1C400] =	vst v63  }
0x85: {  	_ =	swait.ge [sflag:s19], $0x4000  }
0x86: {  	[sflag:s19] =	ssyncset.done $0x0  }
0x87: {  	[sflag:s19] =	ssyncadd.s32 $0xFFFFC000  }
0x88: {  	[spmem:s1] =	stream.indirect.scatter.add.f32 [tilespmem:s17], [sflag:$0x5], $0x80, s23, s16, $0xb8;
	[tilespmem:$0x1C400] =	vst v63  }
0x89: {  	_ =	swait.ge [sflag:s12], $0x4000  }
0x8a: {  	[sflag:s12] =	ssyncset.done $0x0  }
0x8b: {  	[sflag:s12] =	ssyncadd.s32 $0xFFFFC000  }
0x8c: {  	_ =	swait.ge [sflag:s21], $0x4000  }
0x8d: {  	[sflag:s21] =	ssyncset.done $0x0  }
0x8e: {  	[sflag:s21] =	ssyncadd.s32 $0xFFFFC000  }
0x8f: {  	[spmem:s1] =	stream.indirect.scatter.add.f32 [tilespmem:s18], [sflag:$0x5], $0x80, s24, s16, $0xb8;
	[tilespmem:$0x1C400] =	vst v63  }
0x90: {  	_ =	swait.ge [sflag:s12], $0x4000  }
0x91: {  	[sflag:s12] =	ssyncset.done $0x0  }
0x92: {  	s25 =	sadd.s32 $0x1, s25;
	[sflag:s12] =	ssyncadd.s32 $0xFFFFC000  }
0x93: {  	p0 =	sne.s32 s25, s9;
	[bflag:$0x0] =	sbarrier.arrive $0xFFFF  }
0x94: {  	[hbm:s11], [sflag:s14] =	dma.local [spmem:s15], $0x1400  }
.Ltmp2:
0x95: {  	_ =	swait.ge [sflag:s12], $0x1400;
	(pc) =	sbr.rel @p0 .LBB2_1-.Ltmp2, $3  }
0x96: {  	[sflag:s12] =	ssyncset.done $0x0  }
0x97: {  	[sflag:s12] =	ssyncadd.s32 $0xFFFFEC00  }
0x98: {  	[bflag:$0x0] =	sbarrier.arrive $0xFFFF;
	_ =	sdelay $0x1  }
0x99: {  	_ =	sfence.sel $0x180000  }
0x9a: {  	[bflag:$0x0] =	sbarrier.arrive $0xFFFF  }
0x9b: {  	p0 =	sne.s32 s2, $0x0;
	_ =	strace $0x9000004A  }
0x9c: {  	s0 =	sadd.s32 @!p0 $0x100000, s0;
	[bflag:$0x2] =	sbarrier.arrive $0xFFFF  }
0x9d: {  	[sflag:s0] =	ssyncadd.tile.s32 @!p0 $0x1;
	_ =	shalt  }
.Lfunc_end2:
_tile_overlayer_lowered:
.L_overlay_start_2:
0x9e: {  	(tag) =	ssettag $0x2  }
0x9f: {  	s0 =	rddreg [dreg:$0x0];
	s2 =	stileid.u32  }
0xa0: {  	s1 =	rddreg [dreg:$0x1];
	p0 =	sne.s32 s2, $0x0  }
0xa1: {  	s3 =	rddreg [dreg:$0x2];
	[bflag:$0x3] =	sbarrier.arrive $0xFFFF;
	s2 =	simm.s32 @!p0 $0x1C05  }
0xa2: {  	[timem:s3], [sflag:s2] =	dma.local @!p0 [hbm:s0], s1  }
0xa3: {  	s0 =	simm.s32 @!p0 $0x5  }
0xa4: {  	_ =	swait.ge @!p0 [sflag:s0], s1  }
0xa5: {  	s1 =	ssub.s32 @!p0 $0x0, s1;
	[sflag:s0] =	ssyncset.done @!p0 $0x0  }
0xa6: {  	[sflag:s0] =	ssyncadd.s32 @!p0 s1  }
0xa7: {  	[bflag:$0x3] =	sbarrier.arrive $0xFFFF  }
0xa8: {  	_ =	shalt  }

// kernel: kernel.15.cloned.1.call-start
scs
__scs_entry_jumppad:
0x0: {  	(pc) =	sbr.rel $0x88, $3  }
0x1: {  	(tag) =	ssettag $0x0;
	lr =	simm.s32 $0x1  }
0x2: {  	[smem:$0x3F98] =	sst lr;
	_ =	strace $0xD0000000  }
0x3: {  	_ = 	snop  }
0x4: {  	_ = 	snop  }
0x5: {  	_ = 	snop  }
0x6: {  	_ = 	snop  }
0x7: {  	_ = 	snop  }
__scs_overlays_trampoline_lowered:
0x8: {  	[smem:$0x3FA7] =	sst s0  }
0x9: {  	[smem:$0x3FA8] =	sst s1  }
0xa: {  	[smem:$0x3FA9] =	sst s2  }
0xb: {  	[smem:$0x3FAA] =	sst s3  }
0xc: {  	[smem:$0x3FAB] =	sst s4  }
0xd: {  	[smem:$0x3FAC] =	sst s5  }
0xe: {  	[smem:$0x3FAD] =	sst s6  }
0xf: {  	[smem:$0x3FAE] =	sst s7  }
0x10: {  	[smem:$0x3FAF] =	sst s8  }
0x11: {  	[smem:$0x3FB0] =	sst s9;
	s0 =	simm.s32 @!p0 $0x0  }
0x12: {  	s1 =	sld [smem:$0x3F96];
	s0 =	simm.s32 @p0 $0x1  }
0x13: {  	[smem:$0x3FB1] =	sst s0;
	s0 =	simm.s32 @!p1 $0x0  }
0x14: {  	s2 =	sld [smem:$0x3F95];
	s0 =	simm.s32 @p1 $0x1  }
0x15: {  	[smem:$0x3FB2] =	sst s0;
	s0 =	simm.s32 @!p2 $0x0  }
0x16: {  	s3 =	sld [smem:$0x3FDB];
	s0 =	simm.s32 @p2 $0x1  }
0x17: {  	s4 =	simm.s32 $0x1BF5;
	[smem:$0x3FB4] =	sst s0  }
0x18: {  	s0 =	sld [smem:$0x3F97];
	_ =	swait.ge [sflag:s4], $0x0  }
0x19: {  	s7 =	sld [smem:$0x3F98]  }
0x1a: {  	s8 =	sadd.s32 $0xFFFFE003, lr  }
0x1b: {  	s9 =	sadd.s32 $0xFFFFFEF7, lr;
	s5 =	simm.s32 $0xFFFFFFFF;
	p2 =	slt.u32 s8, $0xFFFFF086  }
0x1c: {  	p1 =	slt.u32 s9, $0xF7A;
	s5 =	simm.s32 @!p2 $0x0  }
0x1d: {  	s5 =	simm.s32 @p1 $0x1;
	p0 =	seq.s32 s7, s2  }
0x1e: {  	s7 =	smul.u32 @!p0 $0xF7A, s2;
	p2 =	seq.s32 @!p0 s5, $0x0  }
0x1f: {  	s9 =	smul.u32 $0xF7A, s1;
	s8 =	simm.s32 @!p0 $0x1BF5;
	p2 =	por !p2, p0  }
0x20: {  	[sflag:s8] =	ssyncset.s32 @!p0 $0xFFFFF086;
	s6 =	sadd.s32 @!p0 s3, s7;
	s7 =	simm.s32 @!p0 $0x108  }
0x21: {  	s3 =	sadd.s32 s3, s9;
	s6 =	sadd.s32 @!p0 $0x88, s6;
	s7 =	simm.s32 @p2 $0x1082  }
0x22: {  	[simem:s7], [sflag:s8] =	dma.local @!p0 [hbm:s6], $0xF7A  }
0x23: {  	s9 =	sor.u32 $0xD0000000, s2;
	s6 =	simm.s32 $0x108;
	_ =	swait.ge @!p0 [sflag:s8], $0x0  }
0x24: {  	s3 =	sadd.s32 $0x88, s3;
	s6 =	simm.s32 @!p1 $0x1082;
	[sflag:s4] =	ssyncset.s32 $0xFFFFF086  }
0x25: {  	[simem:s6], [sflag:s4] =	dma.local [hbm:s3], $0xF7A  }
0x26: {  	[smem:$0x3F98] =	sst s1;
	(tag) =	ssettag s2;
	_ =	strace s9  }
0x27: {  	s1 =	sld [smem:$0x3FA8]  }
0x28: {  	s2 =	sld [smem:$0x3FA9]  }
0x29: {  	s4 =	sld [smem:$0x3FAB]  }
0x2a: {  	p0 =	seq.s32 s5, $0x0;
	s5 =	sld [smem:$0x3FAC]  }
0x2b: {  	s6 =	sld [smem:$0x3FAD]  }
0x2c: {  	s7 =	sld [smem:$0x3FAE]  }
0x2d: {  	s3 =	simm.s32 $0x108;
	s8 =	sld [smem:$0x3FAF]  }
0x2e: {  	s3 =	simm.s32 @!p0 $0x1082;
	s9 =	sld [smem:$0x3FB0]  }
0x2f: {  	lr =	sadd.s32 s0, s3;
	s0 =	sld [smem:$0x3FA7]  }
0x30: {  	s3 =	sld [smem:$0x3FAA]  }
0x31: {  	[smem:$0x3FB3] =	sst s10  }
0x32: {  	s10 =	sld [smem:$0x3FB1];
	_ =	sdelay $0x3  }
0x33: {  	p0 =	seq.s32 s10, $0x1;
	s10 =	sld [smem:$0x3FB3];
	_ =	sdelay $0x3  }
0x34: {  	[smem:$0x3FB3] =	sst s10  }
0x35: {  	s10 =	sld [smem:$0x3FB2];
	_ =	sdelay $0x3  }
0x36: {  	p1 =	seq.s32 s10, $0x1;
	s10 =	sld [smem:$0x3FB3];
	_ =	sdelay $0x3  }
0x37: {  	[smem:$0x3FB3] =	sst s10  }
0x38: {  	s10 =	sld [smem:$0x3FB4]  }
0x39: {  	_ = 	snop;
	(pc) =	sbr.ind lr, $3  }
0x3a: {  	_ = 	snop  }
0x3b: {  	_ = 	snop  }
0x3c: {  	p2 =	seq.s32 s10, $0x1;
	s10 =	sld [smem:$0x3FB3]  }
0x3d: {  	_ =	shalt  }
0x3e: {  	_ =	shalt  }
0x3f: {  	_ =	shalt  }
0x40: {  	_ =	shalt  }
0x41: {  	_ =	shalt  }
0x42: {  	_ =	shalt  }
0x43: {  	_ =	shalt  }
0x44: {  	_ =	shalt  }
0x45: {  	_ =	shalt  }
0x46: {  	_ =	shalt  }
0x47: {  	_ =	shalt  }
0x48: {  	_ =	shalt  }
0x49: {  	_ =	shalt  }
0x4a: {  	_ =	shalt  }
0x4b: {  	_ =	shalt  }
0x4c: {  	_ =	shalt  }
0x4d: {  	_ =	shalt  }
0x4e: {  	_ =	shalt  }
0x4f: {  	_ =	shalt  }
0x50: {  	_ =	shalt  }
0x51: {  	_ =	shalt  }
0x52: {  	_ =	shalt  }
0x53: {  	_ =	shalt  }
0x54: {  	_ =	shalt  }
0x55: {  	_ =	shalt  }
0x56: {  	_ =	shalt  }
0x57: {  	_ =	shalt  }
0x58: {  	_ =	shalt  }
0x59: {  	_ =	shalt  }
0x5a: {  	_ =	shalt  }
0x5b: {  	_ =	shalt  }
0x5c: {  	_ =	shalt  }
0x5d: {  	_ =	shalt  }
0x5e: {  	_ =	shalt  }
0x5f: {  	_ =	shalt  }
0x60: {  	_ =	shalt  }
0x61: {  	_ =	shalt  }
0x62: {  	_ =	shalt  }
0x63: {  	_ =	shalt  }
0x64: {  	_ =	shalt  }
0x65: {  	_ =	shalt  }
0x66: {  	_ =	shalt  }
0x67: {  	_ =	shalt  }
0x68: {  	_ =	shalt  }
0x69: {  	_ =	shalt  }
0x6a: {  	_ =	shalt  }
0x6b: {  	_ =	shalt  }
0x6c: {  	_ =	shalt  }
0x6d: {  	_ =	shalt  }
0x6e: {  	_ =	shalt  }
0x6f: {  	_ =	shalt  }
0x70: {  	_ =	shalt  }
0x71: {  	_ =	shalt  }
0x72: {  	_ =	shalt  }
0x73: {  	_ =	shalt  }
0x74: {  	_ =	shalt  }
0x75: {  	_ =	shalt  }
0x76: {  	_ =	shalt  }
0x77: {  	_ =	shalt  }
0x78: {  	_ =	shalt  }
0x79: {  	_ =	shalt  }
0x7a: {  	_ =	shalt  }
0x7b: {  	_ =	shalt  }
0x7c: {  	_ =	shalt  }
0x7d: {  	_ =	shalt  }
0x7e: {  	_ =	shalt  }
0x7f: {  	_ =	shalt  }
0x80: {  	_ =	shalt  }
0x81: {  	_ =	shalt  }
0x82: {  	_ =	shalt  }
0x83: {  	_ =	shalt  }
0x84: {  	_ =	shalt  }
0x85: {  	_ =	shalt  }
0x86: {  	_ =	shalt  }
0x87: {  	_ =	shalt  }
.Lfunc_end0:
.L_simem_size_0:
called_computation.2_lowered:
.L_overlay_start_0:
0x88: {  	s2 =	sld [smem:$0x3FD9]  }
0x89: {  	s3 =	sld [smem:$0x3FFE];
	_ =	sdelay $0x1  }
0x8a: {  	s1 =	srdreg.scid  }
0x8b: {  	s0 =	sand.u32 $0x1, s1  }
0x8c: {  	s16 =	sshll.u32 s0, $0xA;
	s2 =	sadd.s32 s3, s2  }
0x8d: {  	s2 =	sadd.s32 s2, s16  }
0x8e: {  	[smem:$0x3FBF] =	sst s2  }
0x8f: {  	_ = 	snop  }
0x90: {  	(tm) =	ssettm $0x1  }
0x91: {  	s17 =	sld [smem:$0x3FFB];
	_ =	sdelay $0x3  }
0x92: {  	_ =	strace s17  }
0x93: {  	s2 =	sld [smem:$0x3FFC];
	_ =	sdelay $0x3  }
0x94: {  	_ =	strace s2  }
0x95: {  	s2 =	sld [smem:$0x3FFD];
	_ =	sdelay $0x3  }
0x96: {  	_ =	strace s2  }
0x97: {  	_ =	strace $0x8FFFFFFF  }
0x98: {  	s18 =	sld [smem:$0x3FDB];
	_ =	sdelay $0x1  }
0x99: {  	s19 =	simm.s32 $_scs_section_size  }
0x9a: {  	s4 =	simm.s32 $_size__tile_overlayer_lowered;
	s5 =	simm.s32 $_tile_overlayer_lowered  }
0x9b: {  	s22 =	simm.s32 $0x1BFF;
	s21 =	sshll.u32 s5, $0x1;
	s2 =	sadd.s32 s19, s18  }
0x9c: {  	s6 =	simm.s32 $0x0;
	s20 =	sshll.u32 s4, $0x1;
	s4 =	sadd.s32 s21, s2  }
0x9d: {  	[timem:s6], [sflag:s22] =	dma.local [hbm:s4], s20  }
0x9e: {  	_ =	swait.ge [sflag:s22], s20  }
0x9f: {  	s3 =	ssub.s32 $0x0, s20;
	[sflag:s22] =	ssyncset.done $0x0  }
0xa0: {  	[sflag:s22] =	ssyncadd.s32 s3;
	_ =	sdelay $0x1  }
0xa1: {  	s23 =	simm.s32 $0x1B8B  }
0xa2: {  	_ =	swait.ge [sflag:s23], $0x1  }
0xa3: {  	[sflag:s23] =	ssyncset.done $0x0  }
0xa4: {  	s25 =	simm.s32 $0x1B8E;
	s24 =	sld [smem:$0x3FFE];
	[sflag:s23] =	ssyncadd.s32 $0xFFFFFFFF  }
0xa5: {  	s26 =	simm.s32 $execute0_lowered;
	[smem:$0x3FD2] =	sst s25  }
0xa6: {  	s4 =	sshll.u32 s26, $0x1;
	_ =	strace $0x8000004C;
	[dreg:$0x1] =	wrdreg $0xFFFFFFFF  }
0xa7: {  	s28 =	simm.s32 $_size_execute0_lowered;
	s2 =	sadd.s32 s2, s4;
	[dreg:$0x0] =	wrdreg $0x0  }
0xa8: {  	s4 =	sshll.u32 s28, $0x1;
	[dreg:$0x2] =	wrdreg s2  }
0xa9: {  	[dreg:$0x3] =	wrdreg s4  }
0xaa: {  	[dreg:$0x4] =	wrdreg $0xC0  }
0xab: {  	_ =	task [dreg:s6], $0x5FFFF  }
0xac: {  	[dreg:$0x1] =	wrdreg $0xFFFFFFFF  }
0xad: {  	[dreg:$0x0] =	wrdreg $0x60  }
0xae: {  	[dreg:$0x2] =	wrdreg s24  }
0xaf: {  	[dreg:$0x3] =	wrdreg $0x120000  }
0xb0: {  	[dreg:$0x4] =	wrdreg $0x9  }
0xb1: {  	_ =	task.clear_ibuf [dreg:s6], $0x5FFFF;
	_ =	strace $0x9000004C  }
0xb2: {  	s29 =	simm.s32 $0x9;
	_ =	strace $0x8000004E  }
0xb3: {  	_ =	swait.ge [sflag:s29], $0x1  }
0xb4: {  	[sflag:s29] =	ssyncadd.s32 $0xFFFFFFFF  }
0xb5: {  	_ =	strace $0x9000004E  }
0xb6: {  	_ =	sfence  }
0xb7: {  	s30 =	sld [smem:$0x0];
	_ =	sdelay $0x2  }
0xb8: {  	s31 =	sshll.u32 s1, $0xD;
	s1 =	sshrl.u32 s1, $0x2  }
0xb9: {  	s3 =	sand.u32 $0x4000, s31;
	s1 =	sadd.s32 s1, s30  }
0xba: {  	s0 =	sor.u32 s3, s0;
	s1 =	sshll.u32 s1, $0x11  }
0xbb: {  	s0 =	sor.u32 s1, s0  }
0xbc: {  	s0 =	sadd.s32 $0x8F2B, s0  }
0xbd: {  	[sflag:s0] =	ssyncadd.remote.s32 $0x1  }
0xbe: {  	_ =	sfence.sel $0xFFFF  }
0xbf: {  	[dreg:$0x0] =	wrdreg $0xFFFFFFFF;
	(pc) =	sbr.abs _section_cstart, $3  }
0xc0: {  	[dreg:$0x1] =	wrdreg $0xFFFFFFFF  }
0xc1: {  	_ =	task.clear_ibuf [dreg:s6], $0x2FFFF;
	_ =	strace $0x9FFFFFFF  }
0xc2: {  	(tm) =	ssettm $0x7FFFFFFF  }
0xc3: {  	_ =	shalt  }
tec
execute0_lowered:
.L_overlay_start_1:
0x0: {  	(tag) =	ssettag $0x1  }
0x1: {  	s5 =	rddreg [dreg:$0x0]  }
0x2: {  	s1 =	rddreg [dreg:$0x1]  }
0x3: {  	s0 =	rddreg [dreg:$0x2];
	s3 =	simm.s32 $0x0  }
0x4: {  	s2 =	stileid.u32;
	s6 =	srdreg.scid;
	s18 =	simm.s32 $0xE000  }
0x5: {  	s19 =	simm.s32 $0x1;
	s20 =	simm.s32 $0x3;
	s21 =	simm.s32 $0x2  }
0x6: {  	s22 =	simm.s32 $0x4;
	s23 =	simm.s32 $0x9F00;
	s24 =	simm.s32 $0x9F80  }
0x7: {  	s25 =	simm.s32 $0x0;
	[smem:$0x7FF] =	sst s3;
	s10 =	smul.u32 $0xA00, s2  }
0x8: {  	s4 =	sadd.s32 $0xDAC00, s5;
	s8 =	sadd.s32 $0x16800, s5;
	s9 =	smul.u32 $0x1400, s2  }
0x9: {  	s6 =	sand.u32 $0x1, s6;
	s11 =	sadd.s32 $0x20800, s5;
	s15 =	smul.u32 $0x28000, s2  }
0xa: {  	s16 =	sadd.s32 $0x3E800, s5;
	s17 =	sadd.s32 $0x129000, s5;
	s31 =	sshll.u32 s2, $0x6  }
0xb: {  	_ =	strace $0x8000004D;
	s12 =	ssub.s32 $0x2, s6;
	p0 =	seq.s32 s6, $0x0  }
0xc: {  	s7 =	sadd.s32 s10, s5;
	s13 =	sadd.s32 s9, s5;
	s14 =	sshrl.u32 s12, $0x1  }
0xd: {  	s30 =	sshrl.u32 s15, $0x2;
	s17 =	smov.u32 @p0 s16;
	s11 =	smov.u32 @p0 s8  }
0xe: {  	s16 =	simm.s32 $0x80;
	s12 =	ssub.s32 s12, s14;
	s5 =	sadd.s32 $0xC800, s7  }
0xf: {  	s15 =	sadd.s32 s30, s1;
	s6 =	sadd.s32 $0x2A800, s13;
	s7 =	sadd.s32 $0x2800, s7  }
0x10: {  	s8 =	sadd.s32 s17, s9;
	s10 =	sadd.s32 s11, s10;
	s13 =	simm.s32 $0x5000  }
0x11: {  	s14 =	sor.u32 $0x1C05, s31;
	s17 =	simm.s32 $0xA000;
	s9 =	smax.u32 s12, $0x1  }
0x12: {  	s11 =	sadd.s32 $0x14000, s8;
	s12 =	simm.s32 $0x5;
	s15 =	sshrl.u32 s15, $0x3  }
.LBB2_1:
0x13: {  	[tilespmem:s3], [sflag:$0x5] =	stream.linear.gather [hbm4b:s10+s3], $0x5000, $0x38;
	[tilespmem:$0x1C400] =	vst v63  }
0x14: {  	_ =	swait.ge [sflag:s12], $0x5000  }
0x15: {  	[sflag:s12] =	ssyncset.done $0x0  }
0x16: {  	[sflag:s12] =	ssyncadd.s32 $0xFFFFB000  }
0x17: {  	[tilespmem:s13], [sflag:$0x5] =	stream.linear.gather [hbm4b:s5+s3], $0x5000, $0x38;
	[tilespmem:$0x1C400] =	vst v63  }
0x18: {  	_ =	swait.ge [sflag:s12], $0x5000  }
0x19: {  	[sflag:s12] =	ssyncset.done $0x0  }
0x1a: {  	[sflag:s12] =	ssyncadd.s32 $0xFFFFB000  }
0x1b: {  	[spmem:s15], [sflag:s14] =	dma.local [hbm:s6], $0x1400  }
0x1c: {  	_ =	swait.ge [sflag:s12], $0x1400  }
0x1d: {  	[sflag:s12] =	ssyncset.done $0x0  }
0x1e: {  	[sflag:s12] =	ssyncadd.s32 $0xFFFFEC00  }
0x1f: {  	[bflag:$0x0] =	sbarrier.arrive $0xFFFF  }
0x20: {  	[tilespmem:s17], [sflag:$0x1] =	stream.indirect.gather [hbm4b:s4+s16], $0x80, s3, s16, $0xb8;
	[tilespmem:$0x1C400] =	vst v63  }
0x21: {  	_ = 	snop  }
0x22: {  	[tilespmem:s18], [sflag:$0x2] =	stream.indirect.gather [hbm4b:s4+s16], $0x80, s16, s16, $0xb8;
	[tilespmem:$0x1C400] =	vst v63  }
0x23: {  	_ =	swait.ge [sflag:s19], $0x4000  }
0x24: {  	[sflag:s19] =	ssyncset.done $0x0  }
0x25: {  	s26 =	simm.s32 $0x5000;
	[sflag:s19] =	ssyncadd.s32 $0xFFFFC000  }
0x26: {  	[spmem:s1] =	stream.indirect.scatter.add.f32 [tilespmem:s17], [sflag:$0x3], $0x80, s26, s16, $0xb8;
	[tilespmem:$0x1C400] =	vst v63  }
0x27: {  	_ =	swait.ge [sflag:s20], $0x4000  }
0x28: {  	[sflag:s20] =	ssyncset.done $0x0  }
0x29: {  	s30 =	simm.s32 $0x100;
	[sflag:s20] =	ssyncadd.s32 $0xFFFFC000  }
0x2a: {  	[tilespmem:s17], [sflag:$0x1] =	stream.indirect.gather [hbm4b:s4+s16], $0x80, s30, s16, $0xb8;
	[tilespmem:$0x1C400] =	vst v63  }
0x2b: {  	_ =	swait.ge [sflag:s21], $0x4000  }
0x2c: {  	[sflag:s21] =	ssyncset.done $0x0  }
0x2d: {  	s31 =	simm.s32 $0x5080;
	[sflag:s21] =	ssyncadd.s32 $0xFFFFC000  }
0x2e: {  	[spmem:s1] =	stream.indirect.scatter.add.f32 [tilespmem:s18], [sflag:$0x4], $0x80, s31, s16, $0xb8;
	[tilespmem:$0x1C400] =	vst v63  }
0x2f: {  	_ =	swait.ge [sflag:s22], $0x4000  }
0x30: {  	[sflag:s22] =	ssyncset.done $0x0  }
0x31: {  	s28 =	simm.s32 $0x180;
	s26 =	simm.s32 $0x400;
	[sflag:s22] =	ssyncadd.s32 $0xFFFFC000  }
.LBB2_2:
0x32: {  	[tilespmem:s18], [sflag:$0x2] =	stream.indirect.gather [hbm4b:s4+s16], $0x80, s28, s16, $0xb8;
	[tilespmem:$0x1C400] =	vst v63  }
0x33: {  	s28 =	smov.u32 s26  }
0x34: {  	p0 =	sne.s32 s26, $0x13800;
	s26 =	sadd.s32 $0x400, s26;
	_ =	swait.ge [sflag:s19], $0x4000  }
0x35: {  	s28 =	sshra.s32 s28, $0x2;
	[sflag:s19] =	ssyncset.done $0x0  }
0x36: {  	s29 =	sadd.s32 $0x5000, s28;
	[sflag:s19] =	ssyncadd.s32 $0xFFFFC000  }
0x37: {  	[spmem:s1] =	stream.indirect.scatter.add.f32 [tilespmem:s17], [sflag:$0x3], $0x80, s29, s16, $0xb8;
	[tilespmem:$0x1C400] =	vst v63  }
0x38: {  	_ =	swait.ge [sflag:s20], $0x4000  }
0x39: {  	[sflag:s20] =	ssyncset.done $0x0  }
0x3a: {  	s29 =	sadd.s32 $0x100, s28;
	[sflag:s20] =	ssyncadd.s32 $0xFFFFC000  }
0x3b: {  	[tilespmem:s17], [sflag:$0x1] =	stream.indirect.gather [hbm4b:s4+s16], $0x80, s29, s16, $0xb8;
	[tilespmem:$0x1C400] =	vst v63  }
0x3c: {  	_ =	swait.ge [sflag:s21], $0x4000  }
0x3d: {  	[sflag:s21] =	ssyncset.done $0x0  }
.Ltmp0:
0x3e: {  	s29 =	sadd.s32 $0x5080, s28;
	[sflag:s21] =	ssyncadd.s32 $0xFFFFC000;
	(pc) =	sbr.rel @p0 .LBB2_2-.Ltmp0, $4  }
0x3f: {  	[spmem:s1] =	stream.indirect.scatter.add.f32 [tilespmem:s18], [sflag:$0x4], $0x80, s29, s16, $0xb8;
	[tilespmem:$0x1C400] =	vst v63  }
0x40: {  	_ =	swait.ge [sflag:s22], $0x4000  }
0x41: {  	[sflag:s22] =	ssyncset.done $0x0  }
0x42: {  	s28 =	sadd.s32 $0x180, s28;
	[sflag:s22] =	ssyncadd.s32 $0xFFFFC000  }
0x43: {  	[tilespmem:s18], [sflag:$0x2] =	stream.indirect.gather [hbm4b:s4+s16], $0x80, s28, s16, $0xb8;
	[tilespmem:$0x1C400] =	vst v63  }
0x44: {  	_ =	swait.ge [sflag:s19], $0x4000  }
0x45: {  	[sflag:s19] =	ssyncset.done $0x0  }
0x46: {  	[sflag:s19] =	ssyncadd.s32 $0xFFFFC000  }
0x47: {  	[spmem:s1] =	stream.indirect.scatter.add.f32 [tilespmem:s17], [sflag:$0x5], $0x80, s23, s16, $0xb8;
	[tilespmem:$0x1C400] =	vst v63  }
0x48: {  	_ =	swait.ge [sflag:s12], $0x4000  }
0x49: {  	[sflag:s12] =	ssyncset.done $0x0  }
0x4a: {  	[sflag:s12] =	ssyncadd.s32 $0xFFFFC000  }
0x4b: {  	_ =	swait.ge [sflag:s21], $0x4000  }
0x4c: {  	[sflag:s21] =	ssyncset.done $0x0  }
0x4d: {  	[sflag:s21] =	ssyncadd.s32 $0xFFFFC000  }
0x4e: {  	[spmem:s1] =	stream.indirect.scatter.add.f32 [tilespmem:s18], [sflag:$0x5], $0x80, s24, s16, $0xb8;
	[tilespmem:$0x1C400] =	vst v63  }
0x4f: {  	_ =	swait.ge [sflag:s12], $0x4000  }
0x50: {  	[sflag:s12] =	ssyncset.done $0x0  }
0x51: {  	[sflag:s12] =	ssyncadd.s32 $0xFFFFC000  }
0x52: {  	[bflag:$0x0] =	sbarrier.arrive $0xFFFF  }
0x53: {  	[hbm:s8], [sflag:s14] =	dma.local [spmem:s15], $0x1400  }
0x54: {  	_ =	swait.ge [sflag:s12], $0x1400  }
0x55: {  	[sflag:s12] =	ssyncset.done $0x0  }
0x56: {  	[sflag:s12] =	ssyncadd.s32 $0xFFFFEC00  }
0x57: {  	s26 =	simm.s32 $0x0;
	[bflag:$0x0] =	sbarrier.arrive $0xFFFF  }
0x58: {  	[tilespmem:s13], [sflag:$0x5] =	stream.linear.gather [hbm4b:s7+s26], $0x5000, $0x38;
	[tilespmem:$0x1C400] =	vst v63  }
0x59: {  	_ =	swait.ge [sflag:s12], $0x5000  }
0x5a: {  	[sflag:s12] =	ssyncset.done $0x0  }
0x5b: {  	[sflag:s12] =	ssyncadd.s32 $0xFFFFB000  }
0x5c: {  	[spmem:s15], [sflag:s14] =	dma.local [hbm:s6], $0x1400  }
0x5d: {  	_ =	swait.ge [sflag:s12], $0x1400  }
0x5e: {  	[sflag:s12] =	ssyncset.done $0x0  }
0x5f: {  	[sflag:s12] =	ssyncadd.s32 $0xFFFFEC00  }
0x60: {  	[bflag:$0x0] =	sbarrier.arrive $0xFFFF  }
0x61: {  	[tilespmem:s17], [sflag:$0x1] =	stream.indirect.gather [hbm4b:s4+s16], $0x80, s26, s16, $0xb8;
	[tilespmem:$0x1C400] =	vst v63  }
0x62: {  	_ = 	snop  }
0x63: {  	[tilespmem:s18], [sflag:$0x2] =	stream.indirect.gather [hbm4b:s4+s16], $0x80, s16, s16, $0xb8;
	[tilespmem:$0x1C400] =	vst v63  }
0x64: {  	_ =	swait.ge [sflag:s19], $0x4000  }
0x65: {  	[sflag:s19] =	ssyncset.done $0x0  }
0x66: {  	s29 =	simm.s32 $0x5000;
	[sflag:s19] =	ssyncadd.s32 $0xFFFFC000  }
0x67: {  	[spmem:s1] =	stream.indirect.scatter.add.f32 [tilespmem:s17], [sflag:$0x3], $0x80, s29, s16, $0xb8;
	[tilespmem:$0x1C400] =	vst v63  }
0x68: {  	_ =	swait.ge [sflag:s20], $0x4000  }
0x69: {  	[sflag:s20] =	ssyncset.done $0x0  }
0x6a: {  	s30 =	simm.s32 $0x100;
	[sflag:s20] =	ssyncadd.s32 $0xFFFFC000  }
0x6b: {  	[tilespmem:s17], [sflag:$0x1] =	stream.indirect.gather [hbm4b:s4+s16], $0x80, s30, s16, $0xb8;
	[tilespmem:$0x1C400] =	vst v63  }
0x6c: {  	_ =	swait.ge [sflag:s21], $0x4000  }
0x6d: {  	[sflag:s21] =	ssyncset.done $0x0  }
0x6e: {  	s31 =	simm.s32 $0x5080;
	[sflag:s21] =	ssyncadd.s32 $0xFFFFC000  }
0x6f: {  	[spmem:s1] =	stream.indirect.scatter.add.f32 [tilespmem:s18], [sflag:$0x4], $0x80, s31, s16, $0xb8;
	[tilespmem:$0x1C400] =	vst v63  }
0x70: {  	_ =	swait.ge [sflag:s22], $0x4000  }
0x71: {  	[sflag:s22] =	ssyncset.done $0x0  }
0x72: {  	s28 =	simm.s32 $0x180;
	s26 =	simm.s32 $0x400;
	[sflag:s22] =	ssyncadd.s32 $0xFFFFC000  }
.LBB2_4:
0x73: {  	[tilespmem:s18], [sflag:$0x2] =	stream.indirect.gather [hbm4b:s4+s16], $0x80, s28, s16, $0xb8;
	[tilespmem:$0x1C400] =	vst v63  }
0x74: {  	s28 =	smov.u32 s26  }
0x75: {  	p0 =	sne.s32 s26, $0x13800;
	s26 =	sadd.s32 $0x400, s26;
	_ =	swait.ge [sflag:s19], $0x4000  }
0x76: {  	s28 =	sshra.s32 s28, $0x2;
	[sflag:s19] =	ssyncset.done $0x0  }
0x77: {  	s29 =	sadd.s32 $0x5000, s28;
	[sflag:s19] =	ssyncadd.s32 $0xFFFFC000  }
0x78: {  	[spmem:s1] =	stream.indirect.scatter.add.f32 [tilespmem:s17], [sflag:$0x3], $0x80, s29, s16, $0xb8;
	[tilespmem:$0x1C400] =	vst v63  }
0x79: {  	_ =	swait.ge [sflag:s20], $0x4000  }
0x7a: {  	[sflag:s20] =	ssyncset.done $0x0  }
0x7b: {  	s29 =	sadd.s32 $0x100, s28;
	[sflag:s20] =	ssyncadd.s32 $0xFFFFC000  }
0x7c: {  	[tilespmem:s17], [sflag:$0x1] =	stream.indirect.gather [hbm4b:s4+s16], $0x80, s29, s16, $0xb8;
	[tilespmem:$0x1C400] =	vst v63  }
0x7d: {  	_ =	swait.ge [sflag:s21], $0x4000  }
0x7e: {  	[sflag:s21] =	ssyncset.done $0x0  }
.Ltmp1:
0x7f: {  	s29 =	sadd.s32 $0x5080, s28;
	[sflag:s21] =	ssyncadd.s32 $0xFFFFC000;
	(pc) =	sbr.rel @p0 .LBB2_4-.Ltmp1, $4  }
0x80: {  	[spmem:s1] =	stream.indirect.scatter.add.f32 [tilespmem:s18], [sflag:$0x4], $0x80, s29, s16, $0xb8;
	[tilespmem:$0x1C400] =	vst v63  }
0x81: {  	_ =	swait.ge [sflag:s22], $0x4000  }
0x82: {  	[sflag:s22] =	ssyncset.done $0x0  }
0x83: {  	s28 =	sadd.s32 $0x180, s28;
	[sflag:s22] =	ssyncadd.s32 $0xFFFFC000  }
0x84: {  	[tilespmem:s18], [sflag:$0x2] =	stream.indirect.gather [hbm4b:s4+s16], $0x80, s28, s16, $0xb8;
	[tilespmem:$0x1C400] =	vst v63  }
0x85: {  	_ =	swait.ge [sflag:s19], $0x4000  }
0x86: {  	[sflag:s19] =	ssyncset.done $0x0  }
0x87: {  	[sflag:s19] =	ssyncadd.s32 $0xFFFFC000  }
0x88: {  	[spmem:s1] =	stream.indirect.scatter.add.f32 [tilespmem:s17], [sflag:$0x5], $0x80, s23, s16, $0xb8;
	[tilespmem:$0x1C400] =	vst v63  }
0x89: {  	_ =	swait.ge [sflag:s12], $0x4000  }
0x8a: {  	[sflag:s12] =	ssyncset.done $0x0  }
0x8b: {  	[sflag:s12] =	ssyncadd.s32 $0xFFFFC000  }
0x8c: {  	_ =	swait.ge [sflag:s21], $0x4000  }
0x8d: {  	[sflag:s21] =	ssyncset.done $0x0  }
0x8e: {  	[sflag:s21] =	ssyncadd.s32 $0xFFFFC000  }
0x8f: {  	[spmem:s1] =	stream.indirect.scatter.add.f32 [tilespmem:s18], [sflag:$0x5], $0x80, s24, s16, $0xb8;
	[tilespmem:$0x1C400] =	vst v63  }
0x90: {  	_ =	swait.ge [sflag:s12], $0x4000  }
0x91: {  	[sflag:s12] =	ssyncset.done $0x0  }
0x92: {  	s25 =	sadd.s32 $0x1, s25;
	[sflag:s12] =	ssyncadd.s32 $0xFFFFC000  }
0x93: {  	p0 =	sne.s32 s25, s9;
	[bflag:$0x0] =	sbarrier.arrive $0xFFFF  }
0x94: {  	[hbm:s11], [sflag:s14] =	dma.local [spmem:s15], $0x1400  }
.Ltmp2:
0x95: {  	_ =	swait.ge [sflag:s12], $0x1400;
	(pc) =	sbr.rel @p0 .LBB2_1-.Ltmp2, $3  }
0x96: {  	[sflag:s12] =	ssyncset.done $0x0  }
0x97: {  	[sflag:s12] =	ssyncadd.s32 $0xFFFFEC00  }
0x98: {  	[bflag:$0x0] =	sbarrier.arrive $0xFFFF;
	_ =	sdelay $0x1  }
0x99: {  	_ =	sfence.sel $0x180000  }
0x9a: {  	[bflag:$0x0] =	sbarrier.arrive $0xFFFF  }
0x9b: {  	p0 =	sne.s32 s2, $0x0;
	_ =	strace $0x9000004D  }
0x9c: {  	s0 =	sadd.s32 @!p0 $0x100000, s0;
	[bflag:$0x2] =	sbarrier.arrive $0xFFFF  }
0x9d: {  	[sflag:s0] =	ssyncadd.tile.s32 @!p0 $0x1;
	_ =	shalt  }
.Lfunc_end2:
_tile_overlayer_lowered:
.L_overlay_start_2:
0x9e: {  	(tag) =	ssettag $0x2  }
0x9f: {  	s0 =	rddreg [dreg:$0x0];
	s2 =	stileid.u32  }
0xa0: {  	s1 =	rddreg [dreg:$0x1];
	p0 =	sne.s32 s2, $0x0  }
0xa1: {  	s3 =	rddreg [dreg:$0x2];
	[bflag:$0x3] =	sbarrier.arrive $0xFFFF;
	s2 =	simm.s32 @!p0 $0x1C05  }
0xa2: {  	[timem:s3], [sflag:s2] =	dma.local @!p0 [hbm:s0], s1  }
0xa3: {  	s0 =	simm.s32 @!p0 $0x5  }
0xa4: {  	_ =	swait.ge @!p0 [sflag:s0], s1  }
0xa5: {  	s1 =	ssub.s32 @!p0 $0x0, s1;
	[sflag:s0] =	ssyncset.done @!p0 $0x0  }
0xa6: {  	[sflag:s0] =	ssyncadd.s32 @!p0 s1  }
0xa7: {  	[bflag:$0x3] =	sbarrier.arrive $0xFFFF  }
0xa8: {  	_ =	shalt  }

// kernel: kernel.9.cloned.1.call-start
scs
__scs_entry_jumppad:
0x0: {  	(pc) =	sbr.rel $0x88, $3  }
0x1: {  	(tag) =	ssettag $0x0;
	lr =	simm.s32 $0x1  }
0x2: {  	[smem:$0x3F98] =	sst lr;
	_ =	strace $0xD0000000  }
0x3: {  	_ = 	snop  }
0x4: {  	_ = 	snop  }
0x5: {  	_ = 	snop  }
0x6: {  	_ = 	snop  }
0x7: {  	_ = 	snop  }
__scs_overlays_trampoline_lowered:
0x8: {  	[smem:$0x3FA7] =	sst s0  }
0x9: {  	[smem:$0x3FA8] =	sst s1  }
0xa: {  	[smem:$0x3FA9] =	sst s2  }
0xb: {  	[smem:$0x3FAA] =	sst s3  }
0xc: {  	[smem:$0x3FAB] =	sst s4  }
0xd: {  	[smem:$0x3FAC] =	sst s5  }
0xe: {  	[smem:$0x3FAD] =	sst s6  }
0xf: {  	[smem:$0x3FAE] =	sst s7  }
0x10: {  	[smem:$0x3FAF] =	sst s8  }
0x11: {  	[smem:$0x3FB0] =	sst s9;
	s0 =	simm.s32 @!p0 $0x0  }
0x12: {  	s1 =	sld [smem:$0x3F96];
	s0 =	simm.s32 @p0 $0x1  }
0x13: {  	[smem:$0x3FB1] =	sst s0;
	s0 =	simm.s32 @!p1 $0x0  }
0x14: {  	s2 =	sld [smem:$0x3F95];
	s0 =	simm.s32 @p1 $0x1  }
0x15: {  	[smem:$0x3FB2] =	sst s0;
	s0 =	simm.s32 @!p2 $0x0  }
0x16: {  	s3 =	sld [smem:$0x3FDB];
	s0 =	simm.s32 @p2 $0x1  }
0x17: {  	s4 =	simm.s32 $0x1BF5;
	[smem:$0x3FB4] =	sst s0  }
0x18: {  	s0 =	sld [smem:$0x3F97];
	_ =	swait.ge [sflag:s4], $0x0  }
0x19: {  	s7 =	sld [smem:$0x3F98]  }
0x1a: {  	s8 =	sadd.s32 $0xFFFFE003, lr  }
0x1b: {  	s9 =	sadd.s32 $0xFFFFFEF7, lr;
	s5 =	simm.s32 $0xFFFFFFFF;
	p2 =	slt.u32 s8, $0xFFFFF086  }
0x1c: {  	p1 =	slt.u32 s9, $0xF7A;
	s5 =	simm.s32 @!p2 $0x0  }
0x1d: {  	s5 =	simm.s32 @p1 $0x1;
	p0 =	seq.s32 s7, s2  }
0x1e: {  	s7 =	smul.u32 @!p0 $0xF7A, s2;
	p2 =	seq.s32 @!p0 s5, $0x0  }
0x1f: {  	s9 =	smul.u32 $0xF7A, s1;
	s8 =	simm.s32 @!p0 $0x1BF5;
	p2 =	por !p2, p0  }
0x20: {  	[sflag:s8] =	ssyncset.s32 @!p0 $0xFFFFF086;
	s6 =	sadd.s32 @!p0 s3, s7;
	s7 =	simm.s32 @!p0 $0x108  }
0x21: {  	s3 =	sadd.s32 s3, s9;
	s6 =	sadd.s32 @!p0 $0x88, s6;
	s7 =	simm.s32 @p2 $0x1082  }
0x22: {  	[simem:s7], [sflag:s8] =	dma.local @!p0 [hbm:s6], $0xF7A  }
0x23: {  	s9 =	sor.u32 $0xD0000000, s2;
	s6 =	simm.s32 $0x108;
	_ =	swait.ge @!p0 [sflag:s8], $0x0  }
0x24: {  	s3 =	sadd.s32 $0x88, s3;
	s6 =	simm.s32 @!p1 $0x1082;
	[sflag:s4] =	ssyncset.s32 $0xFFFFF086  }
0x25: {  	[simem:s6], [sflag:s4] =	dma.local [hbm:s3], $0xF7A  }
0x26: {  	[smem:$0x3F98] =	sst s1;
	(tag) =	ssettag s2;
	_ =	strace s9  }
0x27: {  	s1 =	sld [smem:$0x3FA8]  }
0x28: {  	s2 =	sld [smem:$0x3FA9]  }
0x29: {  	s4 =	sld [smem:$0x3FAB]  }
0x2a: {  	p0 =	seq.s32 s5, $0x0;
	s5 =	sld [smem:$0x3FAC]  }
0x2b: {  	s6 =	sld [smem:$0x3FAD]  }
0x2c: {  	s7 =	sld [smem:$0x3FAE]  }
0x2d: {  	s3 =	simm.s32 $0x108;
	s8 =	sld [smem:$0x3FAF]  }
0x2e: {  	s3 =	simm.s32 @!p0 $0x1082;
	s9 =	sld [smem:$0x3FB0]  }
0x2f: {  	lr =	sadd.s32 s0, s3;
	s0 =	sld [smem:$0x3FA7]  }
0x30: {  	s3 =	sld [smem:$0x3FAA]  }
0x31: {  	[smem:$0x3FB3] =	sst s10  }
0x32: {  	s10 =	sld [smem:$0x3FB1];
	_ =	sdelay $0x3  }
0x33: {  	p0 =	seq.s32 s10, $0x1;
	s10 =	sld [smem:$0x3FB3];
	_ =	sdelay $0x3  }
0x34: {  	[smem:$0x3FB3] =	sst s10  }
0x35: {  	s10 =	sld [smem:$0x3FB2];
	_ =	sdelay $0x3  }
0x36: {  	p1 =	seq.s32 s10, $0x1;
	s10 =	sld [smem:$0x3FB3];
	_ =	sdelay $0x3  }
0x37: {  	[smem:$0x3FB3] =	sst s10  }
0x38: {  	s10 =	sld [smem:$0x3FB4]  }
0x39: {  	_ = 	snop;
	(pc) =	sbr.ind lr, $3  }
0x3a: {  	_ = 	snop  }
0x3b: {  	_ = 	snop  }
0x3c: {  	p2 =	seq.s32 s10, $0x1;
	s10 =	sld [smem:$0x3FB3]  }
0x3d: {  	_ =	shalt  }
0x3e: {  	_ =	shalt  }
0x3f: {  	_ =	shalt  }
0x40: {  	_ =	shalt  }
0x41: {  	_ =	shalt  }
0x42: {  	_ =	shalt  }
0x43: {  	_ =	shalt  }
0x44: {  	_ =	shalt  }
0x45: {  	_ =	shalt  }
0x46: {  	_ =	shalt  }
0x47: {  	_ =	shalt  }
0x48: {  	_ =	shalt  }
0x49: {  	_ =	shalt  }
0x4a: {  	_ =	shalt  }
0x4b: {  	_ =	shalt  }
0x4c: {  	_ =	shalt  }
0x4d: {  	_ =	shalt  }
0x4e: {  	_ =	shalt  }
0x4f: {  	_ =	shalt  }
0x50: {  	_ =	shalt  }
0x51: {  	_ =	shalt  }
0x52: {  	_ =	shalt  }
0x53: {  	_ =	shalt  }
0x54: {  	_ =	shalt  }
0x55: {  	_ =	shalt  }
0x56: {  	_ =	shalt  }
0x57: {  	_ =	shalt  }
0x58: {  	_ =	shalt  }
0x59: {  	_ =	shalt  }
0x5a: {  	_ =	shalt  }
0x5b: {  	_ =	shalt  }
0x5c: {  	_ =	shalt  }
0x5d: {  	_ =	shalt  }
0x5e: {  	_ =	shalt  }
0x5f: {  	_ =	shalt  }
0x60: {  	_ =	shalt  }
0x61: {  	_ =	shalt  }
0x62: {  	_ =	shalt  }
0x63: {  	_ =	shalt  }
0x64: {  	_ =	shalt  }
0x65: {  	_ =	shalt  }
0x66: {  	_ =	shalt  }
0x67: {  	_ =	shalt  }
0x68: {  	_ =	shalt  }
0x69: {  	_ =	shalt  }
0x6a: {  	_ =	shalt  }
0x6b: {  	_ =	shalt  }
0x6c: {  	_ =	shalt  }
0x6d: {  	_ =	shalt  }
0x6e: {  	_ =	shalt  }
0x6f: {  	_ =	shalt  }
0x70: {  	_ =	shalt  }
0x71: {  	_ =	shalt  }
0x72: {  	_ =	shalt  }
0x73: {  	_ =	shalt  }
0x74: {  	_ =	shalt  }
0x75: {  	_ =	shalt  }
0x76: {  	_ =	shalt  }
0x77: {  	_ =	shalt  }
0x78: {  	_ =	shalt  }
0x79: {  	_ =	shalt  }
0x7a: {  	_ =	shalt  }
0x7b: {  	_ =	shalt  }
0x7c: {  	_ =	shalt  }
0x7d: {  	_ =	shalt  }
0x7e: {  	_ =	shalt  }
0x7f: {  	_ =	shalt  }
0x80: {  	_ =	shalt  }
0x81: {  	_ =	shalt  }
0x82: {  	_ =	shalt  }
0x83: {  	_ =	shalt  }
0x84: {  	_ =	shalt  }
0x85: {  	_ =	shalt  }
0x86: {  	_ =	shalt  }
0x87: {  	_ =	shalt  }
.Lfunc_end0:
.L_simem_size_0:
called_computation_lowered:
.L_overlay_start_0:
0x88: {  	s2 =	sld [smem:$0x3FD9]  }
0x89: {  	s3 =	sld [smem:$0x3FFE];
	_ =	sdelay $0x1  }
0x8a: {  	s1 =	srdreg.scid  }
0x8b: {  	s0 =	sand.u32 $0x1, s1  }
0x8c: {  	s16 =	sshll.u32 s0, $0xA;
	s2 =	sadd.s32 s3, s2  }
0x8d: {  	s2 =	sadd.s32 s2, s16  }
0x8e: {  	[smem:$0x3FBF] =	sst s2  }
0x8f: {  	_ = 	snop  }
0x90: {  	(tm) =	ssettm $0x1  }
0x91: {  	s17 =	sld [smem:$0x3FFB];
	_ =	sdelay $0x3  }
0x92: {  	_ =	strace s17  }
0x93: {  	s2 =	sld [smem:$0x3FFC];
	_ =	sdelay $0x3  }
0x94: {  	_ =	strace s2  }
0x95: {  	s2 =	sld [smem:$0x3FFD];
	_ =	sdelay $0x3  }
0x96: {  	_ =	strace s2  }
0x97: {  	_ =	strace $0x8FFFFFFF  }
0x98: {  	s18 =	sld [smem:$0x3FDB];
	_ =	sdelay $0x1  }
0x99: {  	s19 =	simm.s32 $_scs_section_size  }
0x9a: {  	s4 =	simm.s32 $_size__tile_overlayer_lowered;
	s5 =	simm.s32 $_tile_overlayer_lowered  }
0x9b: {  	s22 =	simm.s32 $0x1BFF;
	s21 =	sshll.u32 s5, $0x1;
	s2 =	sadd.s32 s19, s18  }
0x9c: {  	s6 =	simm.s32 $0x0;
	s20 =	sshll.u32 s4, $0x1;
	s4 =	sadd.s32 s21, s2  }
0x9d: {  	[timem:s6], [sflag:s22] =	dma.local [hbm:s4], s20  }
0x9e: {  	_ =	swait.ge [sflag:s22], s20  }
0x9f: {  	s3 =	ssub.s32 $0x0, s20;
	[sflag:s22] =	ssyncset.done $0x0  }
0xa0: {  	[sflag:s22] =	ssyncadd.s32 s3;
	_ =	sdelay $0x1  }
0xa1: {  	s23 =	simm.s32 $0x1B8B  }
0xa2: {  	_ =	swait.ge [sflag:s23], $0x1  }
0xa3: {  	[sflag:s23] =	ssyncset.done $0x0  }
0xa4: {  	s25 =	simm.s32 $0x1B8E;
	s24 =	sld [smem:$0x3FFE];
	[sflag:s23] =	ssyncadd.s32 $0xFFFFFFFF  }
0xa5: {  	s26 =	simm.s32 $execute0_lowered;
	[smem:$0x3FD2] =	sst s25  }
0xa6: {  	s4 =	sshll.u32 s26, $0x1;
	_ =	strace $0x80000046;
	[dreg:$0x1] =	wrdreg $0xFFFFFFFF  }
0xa7: {  	s28 =	simm.s32 $_size_execute0_lowered;
	s2 =	sadd.s32 s2, s4;
	[dreg:$0x0] =	wrdreg $0x0  }
0xa8: {  	s4 =	sshll.u32 s28, $0x1;
	[dreg:$0x2] =	wrdreg s2  }
0xa9: {  	[dreg:$0x3] =	wrdreg s4  }
0xaa: {  	[dreg:$0x4] =	wrdreg $0xC0  }
0xab: {  	_ =	task [dreg:s6], $0x5FFFF  }
0xac: {  	[dreg:$0x1] =	wrdreg $0xFFFFFFFF  }
0xad: {  	[dreg:$0x0] =	wrdreg $0x60  }
0xae: {  	[dreg:$0x2] =	wrdreg s24  }
0xaf: {  	[dreg:$0x3] =	wrdreg $0x90000  }
0xb0: {  	[dreg:$0x4] =	wrdreg $0x9  }
0xb1: {  	_ =	task.clear_ibuf [dreg:s6], $0x5FFFF;
	_ =	strace $0x90000046  }
0xb2: {  	s29 =	simm.s32 $0x9;
	_ =	strace $0x80000048  }
0xb3: {  	_ =	swait.ge [sflag:s29], $0x1  }
0xb4: {  	[sflag:s29] =	ssyncadd.s32 $0xFFFFFFFF  }
0xb5: {  	_ =	strace $0x90000048  }
0xb6: {  	_ =	sfence  }
0xb7: {  	s30 =	sld [smem:$0x0];
	_ =	sdelay $0x2  }
0xb8: {  	s31 =	sshll.u32 s1, $0xD;
	s1 =	sshrl.u32 s1, $0x2  }
0xb9: {  	s3 =	sand.u32 $0x4000, s31;
	s1 =	sadd.s32 s1, s30  }
0xba: {  	s0 =	sor.u32 s3, s0;
	s1 =	sshll.u32 s1, $0x11  }
0xbb: {  	s0 =	sor.u32 s1, s0  }
0xbc: {  	s0 =	sadd.s32 $0x8F2B, s0  }
0xbd: {  	[sflag:s0] =	ssyncadd.remote.s32 $0x1  }
0xbe: {  	_ =	sfence.sel $0xFFFF  }
0xbf: {  	[dreg:$0x0] =	wrdreg $0xFFFFFFFF;
	(pc) =	sbr.abs _section_cstart, $3  }
0xc0: {  	[dreg:$0x1] =	wrdreg $0xFFFFFFFF  }
0xc1: {  	_ =	task.clear_ibuf [dreg:s6], $0x2FFFF;
	_ =	strace $0x9FFFFFFF  }
0xc2: {  	(tm) =	ssettm $0x7FFFFFFF  }
0xc3: {  	_ =	shalt  }
tec
execute0_lowered:
.L_overlay_start_1:
0x0: {  	(tag) =	ssettag $0x1  }
0x1: {  	s5 =	rddreg [dreg:$0x0]  }
0x2: {  	s2 =	rddreg [dreg:$0x1]  }
0x3: {  	s0 =	srdreg.scid;
	s1 =	rddreg [dreg:$0x2]  }
0x4: {  	s3 =	simm.s32 $0x0;
	s13 =	simm.s32 $0x5000;
	s6 =	sand.u32 $0x1, s0  }
0x5: {  	s16 =	simm.s32 $0x80;
	s0 =	stileid.u32;
	s4 =	smul.u32 $0x500, s6  }
0x6: {  	s17 =	simm.s32 $0x0;
	[smem:$0x7FF] =	sst s3;
	s7 =	smul.u32 $0x50, s0  }
0x7: {  	_ =	strace $0x80000047;
	s8 =	smul.u32 $0x1400, s0;
	s9 =	ssub.s32 $0x2, s6  }
0x8: {  	s11 =	smul.u32 $0x28000, s0;
	p0 =	seq.s32 s6, $0x0;
	s14 =	sshll.u32 s0, $0x6  }
0x9: {  	s10 =	sshrl.u32 s9, $0x1;
	s14 =	sor.u32 $0x1C01, s14;
	s4 =	sadd.s32 s7, s4  }
0xa: {  	s12 =	sadd.s32 s8, s5;
	s30 =	ssub.s32 s9, s10;
	s31 =	sshrl.u32 s11, $0x2  }
0xb: {  	s10 =	simm.s32 $0x3F000;
	s11 =	simm.s32 $0x1;
	s4 =	sshll.u32 s4, $0x4  }
0xc: {  	s15 =	sadd.s32 s31, s2;
	s10 =	simm.s32 @!p0 $0x67000;
	s7 =	sadd.s32 $0x2A800, s12  }
0xd: {  	s8 =	smax.u32 s30, $0x1;
	s29 =	sadd.s32 s4, s5;
	s4 =	sadd.s32 $0x3E800, s5  }
0xe: {  	s9 =	sadd.s32 s10, s12;
	s12 =	simm.s32 $0x2800;
	s15 =	sshrl.u32 s15, $0x3  }
0xf: {  	s5 =	sadd.s32 $0xC800, s29;
	s6 =	sadd.s32 $0x2800, s29;
	s10 =	sadd.s32 $0x14000, s9  }
.LBB2_1:
0x10: {  	[tilespmem:s3], [sflag:$0x1] =	stream.linear.gather [hbm4b:s5+s3], $0x2800, $0x38;
	[tilespmem:$0x13400] =	vst v63  }
0x11: {  	_ =	swait.ge [sflag:s11], $0x2800  }
0x12: {  	[sflag:s11] =	ssyncset.done $0x0  }
0x13: {  	[sflag:s11] =	ssyncadd.s32 $0xFFFFD800  }
0x14: {  	[tilespmem:s12], [sflag:$0x1] =	stream.linear.gather [hbm4b:s6+s3], $0x2800, $0x38;
	[tilespmem:$0x13400] =	vst v63  }
0x15: {  	_ =	swait.ge [sflag:s11], $0x2800  }
0x16: {  	[sflag:s11] =	ssyncset.done $0x0  }
0x17: {  	[sflag:s11] =	ssyncadd.s32 $0xFFFFD800  }
0x18: {  	[tilespmem:s13], [sflag:$0x1] =	stream.linear.gather [hbm4b:s4+s3], $0x4000, $0x38;
	[tilespmem:$0x13400] =	vst v63  }
0x19: {  	_ =	swait.ge [sflag:s11], $0x4000  }
0x1a: {  	[sflag:s11] =	ssyncset.done $0x0  }
0x1b: {  	[sflag:s11] =	ssyncadd.s32 $0xFFFFC000  }
0x1c: {  	[spmem:s15], [sflag:s14] =	dma.local [hbm:s7], $0x1400  }
0x1d: {  	_ =	swait.ge [sflag:s11], $0x1400  }
0x1e: {  	[sflag:s11] =	ssyncset.done $0x0  }
0x1f: {  	[sflag:s11] =	ssyncadd.s32 $0xFFFFEC00  }
0x20: {  	s18 =	simm.s32 $0x0;
	[bflag:$0x0] =	sbarrier.arrive $0xFFFF  }
0x21: {  	[spmem:s2] =	stream.indirect.scatter.add.f32 [tilespmem:s13], [sflag:$0x1], $0x80, s18, s16, $0xb8;
	[tilespmem:$0x13400] =	vst v63  }
0x22: {  	_ =	swait.ge [sflag:s11], $0x4000  }
0x23: {  	s18 =	simm.s32 $0x200;
	[sflag:s11] =	ssyncset.done $0x0  }
.LBB2_2:
0x24: {  	s19 =	sshra.s32 s18, $0x2;
	[sflag:s11] =	ssyncadd.s32 $0xFFFFC000;
	p0 =	sne.s32 s18, $0x9E00  }
0x25: {  	[spmem:s2] =	stream.indirect.scatter.add.f32 [tilespmem:s13], [sflag:$0x1], $0x80, s19, s16, $0xb8;
	[tilespmem:$0x13400] =	vst v63  }
.Ltmp0:
0x26: {  	_ = 	snop;
	(pc) =	sbr.rel @p0 .LBB2_2-.Ltmp0, $4  }
0x27: {  	_ = 	snop  }
0x28: {  	s18 =	sadd.s32 $0x200, s18  }
0x29: {  	_ =	swait.ge [sflag:s11], $0x4000  }
0x2a: {  	[sflag:s11] =	ssyncset.done $0x0  }
0x2b: {  	[sflag:s11] =	ssyncadd.s32 $0xFFFFC000  }
0x2c: {  	[bflag:$0x0] =	sbarrier.arrive $0xFFFF  }
0x2d: {  	[hbm:s9], [sflag:s14] =	dma.local [spmem:s15], $0x1400  }
0x2e: {  	_ =	swait.ge [sflag:s11], $0x1400  }
0x2f: {  	[sflag:s11] =	ssyncset.done $0x0  }
0x30: {  	[sflag:s11] =	ssyncadd.s32 $0xFFFFEC00  }
0x31: {  	[bflag:$0x0] =	sbarrier.arrive $0xFFFF  }
0x32: {  	[spmem:s15], [sflag:s14] =	dma.local [hbm:s7], $0x1400  }
0x33: {  	_ =	swait.ge [sflag:s11], $0x1400  }
0x34: {  	[sflag:s11] =	ssyncset.done $0x0  }
0x35: {  	[sflag:s11] =	ssyncadd.s32 $0xFFFFEC00  }
0x36: {  	s18 =	simm.s32 $0x2800;
	[bflag:$0x0] =	sbarrier.arrive $0xFFFF  }
0x37: {  	[spmem:s2] =	stream.indirect.scatter.add.f32 [tilespmem:s13], [sflag:$0x1], $0x80, s18, s16, $0xb8;
	[tilespmem:$0x13400] =	vst v63  }
0x38: {  	s18 =	simm.s32 $0x200;
	_ =	swait.ge [sflag:s11], $0x4000  }
.LBB2_4:
0x39: {  	s19 =	sshra.s32 s18, $0x2;
	[sflag:s11] =	ssyncset.done $0x0;
	p0 =	sne.s32 s18, $0x9E00  }
.Ltmp1:
0x3a: {  	s19 =	sadd.s32 $0x2800, s19;
	[sflag:s11] =	ssyncadd.s32 $0xFFFFC000;
	(pc) =	sbr.rel @p0 .LBB2_4-.Ltmp1, $3  }
0x3b: {  	[spmem:s2] =	stream.indirect.scatter.add.f32 [tilespmem:s13], [sflag:$0x1], $0x80, s19, s16, $0xb8;
	[tilespmem:$0x13400] =	vst v63  }
0x3c: {  	s18 =	sadd.s32 $0x200, s18;
	_ =	sdelay $0x1  }
0x3d: {  	_ =	swait.ge [sflag:s11], $0x4000  }
0x3e: {  	[sflag:s11] =	ssyncset.done $0x0  }
0x3f: {  	s17 =	sadd.s32 $0x1, s17;
	[sflag:s11] =	ssyncadd.s32 $0xFFFFC000  }
0x40: {  	p0 =	sne.s32 s17, s8;
	[bflag:$0x0] =	sbarrier.arrive $0xFFFF  }
0x41: {  	[hbm:s10], [sflag:s14] =	dma.local [spmem:s15], $0x1400  }
.Ltmp2:
0x42: {  	_ =	swait.ge [sflag:s11], $0x1400;
	(pc) =	sbr.rel @p0 .LBB2_1-.Ltmp2, $3  }
0x43: {  	[sflag:s11] =	ssyncset.done $0x0  }
0x44: {  	[sflag:s11] =	ssyncadd.s32 $0xFFFFEC00  }
0x45: {  	[bflag:$0x0] =	sbarrier.arrive $0xFFFF;
	_ =	sdelay $0x1  }
0x46: {  	_ =	sfence.sel $0x180000  }
0x47: {  	[bflag:$0x0] =	sbarrier.arrive $0xFFFF  }
0x48: {  	p0 =	sne.s32 s0, $0x0;
	_ =	strace $0x90000047  }
0x49: {  	s0 =	sadd.s32 @!p0 $0x100000, s1;
	[bflag:$0x2] =	sbarrier.arrive $0xFFFF  }
0x4a: {  	[sflag:s0] =	ssyncadd.tile.s32 @!p0 $0x1;
	_ =	shalt  }
.Lfunc_end2:
_tile_overlayer_lowered:
.L_overlay_start_2:
0x4b: {  	(tag) =	ssettag $0x2  }
0x4c: {  	s0 =	rddreg [dreg:$0x0];
	s2 =	stileid.u32  }
0x4d: {  	s1 =	rddreg [dreg:$0x1];
	p0 =	sne.s32 s2, $0x0  }
0x4e: {  	s3 =	rddreg [dreg:$0x2];
	[bflag:$0x3] =	sbarrier.arrive $0xFFFF;
	s2 =	simm.s32 @!p0 $0x1C01  }
0x4f: {  	[timem:s3], [sflag:s2] =	dma.local @!p0 [hbm:s0], s1  }
0x50: {  	s0 =	simm.s32 @!p0 $0x1  }
0x51: {  	_ =	swait.ge @!p0 [sflag:s0], s1  }
0x52: {  	s1 =	ssub.s32 @!p0 $0x0, s1;
	[sflag:s0] =	ssyncset.done @!p0 $0x0  }
0x53: {  	[sflag:s0] =	ssyncadd.s32 @!p0 s1  }
0x54: {  	[bflag:$0x3] =	sbarrier.arrive $0xFFFF  }
0x55: {  	_ =	shalt  }

</sc_bundles>
